<compile_context>
chip_gen: v7x
topology: tpu7x:2x2x1
jax: 0.10.2.dev20260603
libtpu: 0.0.44.dev20260713+nightly
codegen_flags: <defaults>
</compile_context>

<pallas_src>
import functools

import jax
import jax.numpy as jnp
from jax import lax
from jax.experimental import pallas as pl
from jax.experimental.pallas import tpu as pltpu
from jax.experimental.pallas import tpu_sc as plsc

_LENGTH = 1000000
_FEAT = 64
_NCLS = 1000
_B = 16384
_MOM = 0.5

_NC = 2
_NS = 16
_NW = _NC * _NS
_CH = _B // _NW
_PIECE = 128
_NP = _CH // _PIECE

def _worker_base():
  wid = lax.axis_index("s") * _NC + lax.axis_index("c")
  return wid * _CH


def _sc_gather_body(ind_hbm, inds_hbm, fbank_hbm, lbank_hbm, fold_hbm,
                    lold_hbm, idx2, idxs2, rows_v, lab2, sem):
  base = _worker_base()
  for j in range(_NP):
    pltpu.sync_copy(ind_hbm.at[pl.ds(base + j * _PIECE, _PIECE)], idx2.at[j])
    pltpu.sync_copy(inds_hbm.at[pl.ds(base + j * _PIECE, _PIECE)], idxs2.at[j])
  for j in range(_NP):
    pltpu.async_copy(fbank_hbm.at[idxs2.at[j]],
                     rows_v.at[pl.ds(j * _PIECE, _PIECE), :], sem).wait()
    pltpu.async_copy(lbank_hbm.at[idx2.at[j]], lab2.at[j], sem).wait()
  pltpu.sync_copy(rows_v, fold_hbm.at[pl.ds(base, _CH)])
  for j in range(_NP):
    pltpu.sync_copy(lab2.at[j], lold_hbm.at[pl.ds(base + j * _PIECE, _PIECE)])


@functools.cache
def _get_sc_gather():
  return pl.kernel(
      _sc_gather_body,
      out_type=(jax.ShapeDtypeStruct((_B, _FEAT), jnp.float32),
                jax.ShapeDtypeStruct((_B,), jnp.int32)),
      mesh=plsc.VectorSubcoreMesh(core_axis_name="c", subcore_axis_name="s"),
      compiler_params=pltpu.CompilerParams(use_tc_tiling_on_sc=False),
      scratch_types=[
          pltpu.VMEM((_NP, _PIECE), jnp.int32),
          pltpu.VMEM((_NP, _PIECE), jnp.int32),
          pltpu.VMEM((_CH, _FEAT), jnp.float32),
          pltpu.VMEM((_NP, _PIECE), jnp.int32),
          pltpu.SemaphoreType.DMA,
      ],
  )


def _sc_scatter_body(ind_hbm, inds_hbm, win_hbm, v2_hbm, nl_hbm, fb_ref,
                     lb_ref, idx2, idxs2, src2, rows_v, lab2, sem):
  base = _worker_base()
  for j in range(_NP):
    pltpu.sync_copy(ind_hbm.at[pl.ds(base + j * _PIECE, _PIECE)], idx2.at[j])
    pltpu.sync_copy(inds_hbm.at[pl.ds(base + j * _PIECE, _PIECE)], idxs2.at[j])
  for j in range(_NP):
    pltpu.async_copy(win_hbm.at[idx2.at[j]], src2.at[j], sem).wait()
  for j in range(_NP):
    pltpu.async_copy(v2_hbm.at[src2.at[j]],
                     rows_v.at[pl.ds(j * _PIECE, _PIECE), :], sem).wait()
    pltpu.async_copy(nl_hbm.at[src2.at[j]], lab2.at[j], sem).wait()
  for j in range(_NP):
    pltpu.async_copy(rows_v.at[pl.ds(j * _PIECE, _PIECE), :],
                     fb_ref.at[idxs2.at[j]], sem).wait()
    pltpu.async_copy(lab2.at[j], lb_ref.at[idx2.at[j]], sem).wait()


@functools.cache
def _get_sc_scatter():
  return pl.kernel(
      _sc_scatter_body,
      out_type=(),
      mesh=plsc.VectorSubcoreMesh(core_axis_name="c", subcore_axis_name="s"),
      compiler_params=pltpu.CompilerParams(use_tc_tiling_on_sc=False),
      scratch_types=[
          pltpu.VMEM((_NP, _PIECE), jnp.int32),
          pltpu.VMEM((_NP, _PIECE), jnp.int32),
          pltpu.VMEM((_NP, _PIECE), jnp.int32),
          pltpu.VMEM((_CH, _FEAT), jnp.float32),
          pltpu.VMEM((_NP, _PIECE), jnp.int32),
          pltpu.SemaphoreType.DMA,
      ],
  )


_TC_BLK = 1024
_TC_GRID = _B // _TC_BLK


def _tc_body(feat_ref, fold_ref, lold_ref, cents_ref, v2_ref, nl_ref, cnt_ref):
  i = pl.program_id(0)
  f = feat_ref[...]
  fo = fold_ref[...]
  fn = f / (jnp.sqrt(jnp.sum(f * f, axis=1, keepdims=True)) + 1e-10)
  fnew = (1.0 - _MOM) * fo + _MOM * fn
  v2 = fnew / (jnp.sqrt(jnp.sum(fnew * fnew, axis=1, keepdims=True)) + 1e-10)
  v2_ref[...] = v2
  sim = lax.dot_general(v2, cents_ref[...], (((1,), (1,)), ((), ())),
                        preferred_element_type=jnp.float32)
  m = jnp.max(sim, axis=1, keepdims=True)
  cls_iota = lax.broadcasted_iota(jnp.int32, sim.shape, 1)
  lbl = jnp.min(jnp.where(sim >= m, cls_iota, _NCLS), axis=1).astype(jnp.int32)
  nl_ref[...] = lbl
  changed = jnp.sum((lbl != lold_ref[...]).astype(jnp.float32))

  @pl.when(i == 0)
  def _():
    cnt_ref[0, 0] = 0.0

  cnt_ref[0, 0] += changed


_tc_compute = pl.pallas_call(
    _tc_body,
    grid=(_TC_GRID,),
    in_specs=[
        pl.BlockSpec((_TC_BLK, _FEAT), lambda i: (i, 0)),
        pl.BlockSpec((_TC_BLK, _FEAT), lambda i: (i, 0)),
        pl.BlockSpec((_TC_BLK,), lambda i: (i,)),
        pl.BlockSpec((_NCLS, _FEAT), lambda i: (0, 0)),
    ],
    out_specs=[
        pl.BlockSpec((_TC_BLK, _FEAT), lambda i: (i, 0)),
        pl.BlockSpec((_TC_BLK,), lambda i: (i,)),
        pl.BlockSpec(memory_space=pltpu.SMEM, block_shape=(1, 1),
                     index_map=lambda i: (0, 0)),
    ],
    out_shape=[
        jax.ShapeDtypeStruct((_B, _FEAT), jnp.float32),
        jax.ShapeDtypeStruct((_B,), jnp.int32),
        jax.ShapeDtypeStruct((1, 1), jnp.float32),
    ],
)




_TRB = 2048
_TR_GRID = (_LENGTH + _TRB - 1) // _TRB


def _tr_in_body(src_ref, dst_ref):
  xt = src_ref[...].T
  h = _TRB // 2
  dst_ref[...] = jnp.concatenate([xt[:h, :], xt[h:, :]], axis=1)


_tc_transpose_in = pl.pallas_call(
    _tr_in_body,
    grid=(_TR_GRID,),
    in_specs=[pl.BlockSpec((_FEAT, _TRB), lambda i: (0, i))],
    out_specs=pl.BlockSpec((_TRB // 2, 2 * _FEAT), lambda i: (i, 0)),
    out_shape=jax.ShapeDtypeStruct((_TR_GRID * _TRB // 2, 2 * _FEAT),
                                   jnp.float32),
)


def _tr_out_body(src_ref, dst_ref):
  x = src_ref[...]
  x2 = jnp.concatenate([x[:, :_FEAT], x[:, _FEAT:]], axis=0)
  dst_ref[...] = x2.T


_tc_transpose_out = pl.pallas_call(
    _tr_out_body,
    grid=(_TR_GRID,),
    in_specs=[pl.BlockSpec((_TRB // 2, 2 * _FEAT), lambda i: (i, 0))],
    out_specs=pl.BlockSpec((_FEAT, _TRB), lambda i: (0, i)),
    out_shape=jax.ShapeDtypeStruct((_FEAT, _LENGTH), jnp.float32),
)


def kernel(ind, feature, feature_bank, label_bank, centroids):
  ind = ind.astype(jnp.int32)
  flat2d = _tc_transpose_in(feature_bank.swapaxes(0, 1))
  fb_ref = jax.new_ref(flat2d.reshape(_TR_GRID * _TRB, _FEAT))
  inds = ((ind >> 11) << 11) + ((ind & 1023) << 1) + ((ind >> 10) & 1)
  lb_ref = jax.new_ref(label_bank)
  fold, lold = _get_sc_gather()(ind, inds, fb_ref, lb_ref)
  v2, nl, cnt = _tc_compute(feature, fold, lold, centroids)
  pos = jnp.arange(_B, dtype=jnp.int32)
  win = jnp.zeros((_LENGTH,), jnp.int32).at[ind].max(pos)
  _get_sc_scatter()(ind, inds, win, v2, nl, fb_ref, lb_ref)
  new_fb = _tc_transpose_out(
      fb_ref[...].reshape(_TR_GRID * _TRB // 2, 2 * _FEAT)).swapaxes(0, 1)
  change_ratio = cnt[0, 0] * (1.0 / _B)
  return change_ratio, new_fb, lb_ref[...]

# --- scband reference (transcript-rebuilt; emitter-appended) ---
"""Pipeline reference for scband-odcmemory-50663434224364 (READ-ONLY COPY).

The authoritative reference and input builder live on the scoring server;
editing this copy changes nothing except your own understanding.
"""

import jax, jax.numpy as jnp
import numpy as np

LENGTH = 1000000
FEAT = 64
NCLS = 1000
B = 16384
MOMENTUM = 0.5


def setup_inputs(seed: int = 0) -> dict:
    key = jax.random.key(seed)
    k1, k2, k3, k4, k5 = jax.random.split(key, 5)
    ind = jax.random.randint(k1, (B,), 0, LENGTH)
    feature = jax.random.normal(k2, (B, FEAT), dtype=jnp.float32)
    feature_bank = jax.random.normal(k3, (LENGTH, FEAT), dtype=jnp.float32)
    feature_bank = feature_bank / (jnp.linalg.norm(feature_bank, axis=1, keepdims=True) + 1e-10)
    label_bank = jax.random.randint(k4, (LENGTH,), 0, NCLS)
    centroids = jax.random.normal(k5, (NCLS, FEAT), dtype=jnp.float32)
    centroids = centroids / (jnp.linalg.norm(centroids, axis=1, keepdims=True) + 1e-10)
    return {"ind": ind, "feature": feature, "feature_bank": feature_bank,
            "label_bank": label_bank, "centroids": centroids}


def reference(ind, feature, feature_bank, label_bank, centroids):
    # Faithful translation of ODCMemory.update_samples_memory
    momentum = MOMENTUM
    feature_norm = feature / (jnp.linalg.norm(feature, axis=1, keepdims=True) + 1e-10)
    feature_old = feature_bank[ind]  # gather from samples memory
    feature_new = (1.0 - momentum) * feature_old + momentum * feature_norm
    feature_norm2 = feature_new / (jnp.linalg.norm(feature_new, axis=1, keepdims=True) + 1e-10)
    new_feature_bank = feature_bank.at[ind].set(feature_norm2)  # scatter-overwrite
    similarity_to_centroids = centroids @ feature_norm2.T  # [NCLS, B]
    newlabel = jnp.argmax(similarity_to_centroids, axis=0)
    old_labels = label_bank[ind]
    change_ratio = jnp.sum((newlabel != old_labels).astype(jnp.float32)) / float(B)
    new_label_bank = label_bank.at[ind].set(newlabel)
    return (change_ratio, new_feature_bank, new_label_bank)

if __name__ == "__main__":
    import jax
    _d = setup_inputs()
    print(jax.jit(kernel)(*tuple(_d.values())))

</pallas_src>

<mosaic_0001>
#map = affine_map<(d0, d1) -> (0)>
#map1 = affine_map<(d0, d1) -> (0, 0)>
module attributes {stable_mosaic.version = 14 : i64} {
  func.func @new_body(%arg0: i32, %arg1: i32, %arg2: memref<16384xi32, #tpu.memory_space<hbm>>, %arg3: memref<16384xi32, #tpu.memory_space<hbm>>, %arg4: memref<1001472x64xf32, #tpu.memory_space<hbm>>, %arg5: memref<1000000xi32, #tpu.memory_space<hbm>>, %arg6: memref<16384x64xf32, #tpu.memory_space<hbm>>, %arg7: memref<16384xi32, #tpu.memory_space<hbm>>, %arg8: memref<1001472x64xf32, #tpu.memory_space<hbm>>, %arg9: memref<1000000xi32, #tpu.memory_space<hbm>>, %arg10: memref<4x128xi32, #tpu.memory_space<vmem>>, %arg11: memref<4x128xi32, #tpu.memory_space<vmem>>, %arg12: memref<512x64xf32, #tpu.memory_space<vmem>>, %arg13: memref<4x128xi32, #tpu.memory_space<vmem>>, %arg14: memref<!tpu.dma_semaphore, #tpu.memory_space<semaphore_mem>>) attributes {dimension_semantics = [#tpu.dimension_semantics<core_parallel>, #tpu.dimension_semantics<subcore_parallel>], iteration_bounds = array<i64: 2, 16>, scalar_prefetch = 0 : i64, scratch_operands = 5 : i64, tpu.core_type = #tpu.core_type<sc_vector_subcore>, window_params = [{transform_indices = #map}, {transform_indices = #map}, {transform_indices = #map1}, {transform_indices = #map}, {transform_indices = #map1}, {transform_indices = #map}, {transform_indices = #map1}, {transform_indices = #map}]} {
    %mul3A = arith.constant 2 : i32
    %mul3A_0 = arith.muli %arg1, %mul3A : i32
    %add3A = arith.addi %mul3A_0, %arg0 : i32
    %mul3A_1 = arith.constant 512 : i32
    %mul3A_2 = arith.muli %add3A, %mul3A_1 : i32
    %add3A_3 = arith.constant 0 : i32
    %add3A_4 = arith.addi %mul3A_2, %add3A_3 : i32
    %run_scoped3A = arith.constant 0 : i32
    "tpu.region"() ({
      %run_scoped3A_196 = tpu.sem_alloc : memref<!tpu.dma_semaphore, #tpu.memory_space<semaphore_mem>>
      %dma_start3A_197 = arith.constant 0 : i32
      %dma_start3A_198 = tpu.memref_slice %arg10[%run_scoped3A, %dma_start3A_197] : memref<4x128xi32, #tpu.memory_space<vmem>> -> memref<1x128xi32, #tpu.memory_space<vmem>>
      %dma_start3A_199 = tpu.memref_squeeze %dma_start3A_198 : memref<1x128xi32, #tpu.memory_space<vmem>> -> memref<128xi32, #tpu.memory_space<vmem>>
      %dma_start3A_200 = tpu.memref_slice %arg2[%add3A_4] : memref<16384xi32, #tpu.memory_space<hbm>> -> memref<128xi32, #tpu.memory_space<hbm>>
      %dma_start3A_201 = arith.constant 0 : i32
      %dma_start3A_202 = tpu.memref_slice %arg10[%run_scoped3A, %dma_start3A_201] : memref<4x128xi32, #tpu.memory_space<vmem>> -> memref<1x128xi32, #tpu.memory_space<vmem>>
      %dma_start3A_203 = tpu.memref_squeeze %dma_start3A_202 : memref<1x128xi32, #tpu.memory_space<vmem>> -> memref<128xi32, #tpu.memory_space<vmem>>
      %dma_start3A_204 = tpu.memref_slice %arg2[%add3A_4] : memref<16384xi32, #tpu.memory_space<hbm>> -> memref<128xi32, #tpu.memory_space<hbm>>
      tpu.enqueue_dma source(%dma_start3A_204 : memref<128xi32, #tpu.memory_space<hbm>>) target(%dma_start3A_203 : memref<128xi32, #tpu.memory_space<vmem>>) target_semaphore(%run_scoped3A_196 : memref<!tpu.dma_semaphore, #tpu.memory_space<semaphore_mem>>)
      %dma_wait3A_205 = arith.constant 0 : i32
      %dma_wait3A_206 = tpu.memref_slice %arg10[%run_scoped3A, %dma_wait3A_205] : memref<4x128xi32, #tpu.memory_space<vmem>> -> memref<1x128xi32, #tpu.memory_space<vmem>>
      %dma_wait3A_207 = tpu.memref_squeeze %dma_wait3A_206 : memref<1x128xi32, #tpu.memory_space<vmem>> -> memref<128xi32, #tpu.memory_space<vmem>>
      %dma_wait3A_208 = tpu.memref_slice %arg2[%add3A_4] : memref<16384xi32, #tpu.memory_space<hbm>> -> memref<128xi32, #tpu.memory_space<hbm>>
      %dma_wait3A_209 = arith.constant 0 : i32
      %dma_wait3A_210 = tpu.memref_slice %arg10[%run_scoped3A, %dma_wait3A_209] : memref<4x128xi32, #tpu.memory_space<vmem>> -> memref<1x128xi32, #tpu.memory_space<vmem>>
      %dma_wait3A_211 = tpu.memref_squeeze %dma_wait3A_210 : memref<1x128xi32, #tpu.memory_space<vmem>> -> memref<128xi32, #tpu.memory_space<vmem>>
      %dma_wait3A_212 = tpu.memref_slice %arg2[%add3A_4] : memref<16384xi32, #tpu.memory_space<hbm>> -> memref<128xi32, #tpu.memory_space<hbm>>
      tpu.wait_dma2 semaphore(%run_scoped3A_196 : memref<!tpu.dma_semaphore, #tpu.memory_space<semaphore_mem>>) src(%dma_wait3A_212 : memref<128xi32, #tpu.memory_space<hbm>>) dst(%dma_wait3A_211 : memref<128xi32, #tpu.memory_space<vmem>>)
      tpu.yield
    }) : () -> ()
    %add3A_5 = arith.constant 0 : i32
    %add3A_6 = arith.addi %mul3A_2, %add3A_5 : i32
    %run_scoped3A_7 = arith.constant 0 : i32
    "tpu.region"() ({
      %run_scoped3A_196 = tpu.sem_alloc : memref<!tpu.dma_semaphore, #tpu.memory_space<semaphore_mem>>
      %dma_start3A_197 = arith.constant 0 : i32
      %dma_start3A_198 = tpu.memref_slice %arg11[%run_scoped3A_7, %dma_start3A_197] : memref<4x128xi32, #tpu.memory_space<vmem>> -> memref<1x128xi32, #tpu.memory_space<vmem>>
      %dma_start3A_199 = tpu.memref_squeeze %dma_start3A_198 : memref<1x128xi32, #tpu.memory_space<vmem>> -> memref<128xi32, #tpu.memory_space<vmem>>
      %dma_start3A_200 = tpu.memref_slice %arg3[%add3A_6] : memref<16384xi32, #tpu.memory_space<hbm>> -> memref<128xi32, #tpu.memory_space<hbm>>
      %dma_start3A_201 = arith.constant 0 : i32
      %dma_start3A_202 = tpu.memref_slice %arg11[%run_scoped3A_7, %dma_start3A_201] : memref<4x128xi32, #tpu.memory_space<vmem>> -> memref<1x128xi32, #tpu.memory_space<vmem>>
      %dma_start3A_203 = tpu.memref_squeeze %dma_start3A_202 : memref<1x128xi32, #tpu.memory_space<vmem>> -> memref<128xi32, #tpu.memory_space<vmem>>
      %dma_start3A_204 = tpu.memref_slice %arg3[%add3A_6] : memref<16384xi32, #tpu.memory_space<hbm>> -> memref<128xi32, #tpu.memory_space<hbm>>
      tpu.enqueue_dma source(%dma_start3A_204 : memref<128xi32, #tpu.memory_space<hbm>>) target(%dma_start3A_203 : memref<128xi32, #tpu.memory_space<vmem>>) target_semaphore(%run_scoped3A_196 : memref<!tpu.dma_semaphore, #tpu.memory_space<semaphore_mem>>)
      %dma_wait3A_205 = arith.constant 0 : i32
      %dma_wait3A_206 = tpu.memref_slice %arg11[%run_scoped3A_7, %dma_wait3A_205] : memref<4x128xi32, #tpu.memory_space<vmem>> -> memref<1x128xi32, #tpu.memory_space<vmem>>
      %dma_wait3A_207 = tpu.memref_squeeze %dma_wait3A_206 : memref<1x128xi32, #tpu.memory_space<vmem>> -> memref<128xi32, #tpu.memory_space<vmem>>
      %dma_wait3A_208 = tpu.memref_slice %arg3[%add3A_6] : memref<16384xi32, #tpu.memory_space<hbm>> -> memref<128xi32, #tpu.memory_space<hbm>>
      %dma_wait3A_209 = arith.constant 0 : i32
      %dma_wait3A_210 = tpu.memref_slice %arg11[%run_scoped3A_7, %dma_wait3A_209] : memref<4x128xi32, #tpu.memory_space<vmem>> -> memref<1x128xi32, #tpu.memory_space<vmem>>
      %dma_wait3A_211 = tpu.memref_squeeze %dma_wait3A_210 : memref<1x128xi32, #tpu.memory_space<vmem>> -> memref<128xi32, #tpu.memory_space<vmem>>
      %dma_wait3A_212 = tpu.memref_slice %arg3[%add3A_6] : memref<16384xi32, #tpu.memory_space<hbm>> -> memref<128xi32, #tpu.memory_space<hbm>>
      tpu.wait_dma2 semaphore(%run_scoped3A_196 : memref<!tpu.dma_semaphore, #tpu.memory_space<semaphore_mem>>) src(%dma_wait3A_212 : memref<128xi32, #tpu.memory_space<hbm>>) dst(%dma_wait3A_211 : memref<128xi32, #tpu.memory_space<vmem>>)
      tpu.yield
    }) : () -> ()
    %add3A_8 = arith.constant 128 : i32
    %add3A_9 = arith.addi %mul3A_2, %add3A_8 : i32
    %run_scoped3A_10 = arith.constant 1 : i32
    "tpu.region"() ({
      %run_scoped3A_196 = tpu.sem_alloc : memref<!tpu.dma_semaphore, #tpu.memory_space<semaphore_mem>>
      %dma_start3A_197 = arith.constant 0 : i32
      %dma_start3A_198 = tpu.memref_slice %arg10[%run_scoped3A_10, %dma_start3A_197] : memref<4x128xi32, #tpu.memory_space<vmem>> -> memref<1x128xi32, #tpu.memory_space<vmem>>
      %dma_start3A_199 = tpu.memref_squeeze %dma_start3A_198 : memref<1x128xi32, #tpu.memory_space<vmem>> -> memref<128xi32, #tpu.memory_space<vmem>>
      %dma_start3A_200 = tpu.memref_slice %arg2[%add3A_9] : memref<16384xi32, #tpu.memory_space<hbm>> -> memref<128xi32, #tpu.memory_space<hbm>>
      %dma_start3A_201 = arith.constant 0 : i32
      %dma_start3A_202 = tpu.memref_slice %arg10[%run_scoped3A_10, %dma_start3A_201] : memref<4x128xi32, #tpu.memory_space<vmem>> -> memref<1x128xi32, #tpu.memory_space<vmem>>
      %dma_start3A_203 = tpu.memref_squeeze %dma_start3A_202 : memref<1x128xi32, #tpu.memory_space<vmem>> -> memref<128xi32, #tpu.memory_space<vmem>>
      %dma_start3A_204 = tpu.memref_slice %arg2[%add3A_9] : memref<16384xi32, #tpu.memory_space<hbm>> -> memref<128xi32, #tpu.memory_space<hbm>>
      tpu.enqueue_dma source(%dma_start3A_204 : memref<128xi32, #tpu.memory_space<hbm>>) target(%dma_start3A_203 : memref<128xi32, #tpu.memory_space<vmem>>) target_semaphore(%run_scoped3A_196 : memref<!tpu.dma_semaphore, #tpu.memory_space<semaphore_mem>>)
      %dma_wait3A_205 = arith.constant 0 : i32
      %dma_wait3A_206 = tpu.memref_slice %arg10[%run_scoped3A_10, %dma_wait3A_205] : memref<4x128xi32, #tpu.memory_space<vmem>> -> memref<1x128xi32, #tpu.memory_space<vmem>>
      %dma_wait3A_207 = tpu.memref_squeeze %dma_wait3A_206 : memref<1x128xi32, #tpu.memory_space<vmem>> -> memref<128xi32, #tpu.memory_space<vmem>>
      %dma_wait3A_208 = tpu.memref_slice %arg2[%add3A_9] : memref<16384xi32, #tpu.memory_space<hbm>> -> memref<128xi32, #tpu.memory_space<hbm>>
      %dma_wait3A_209 = arith.constant 0 : i32
      %dma_wait3A_210 = tpu.memref_slice %arg10[%run_scoped3A_10, %dma_wait3A_209] : memref<4x128xi32, #tpu.memory_space<vmem>> -> memref<1x128xi32, #tpu.memory_space<vmem>>
      %dma_wait3A_211 = tpu.memref_squeeze %dma_wait3A_210 : memref<1x128xi32, #tpu.memory_space<vmem>> -> memref<128xi32, #tpu.memory_space<vmem>>
      %dma_wait3A_212 = tpu.memref_slice %arg2[%add3A_9] : memref<16384xi32, #tpu.memory_space<hbm>> -> memref<128xi32, #tpu.memory_space<hbm>>
      tpu.wait_dma2 semaphore(%run_scoped3A_196 : memref<!tpu.dma_semaphore, #tpu.memory_space<semaphore_mem>>) src(%dma_wait3A_212 : memref<128xi32, #tpu.memory_space<hbm>>) dst(%dma_wait3A_211 : memref<128xi32, #tpu.memory_space<vmem>>)
      tpu.yield
    }) : () -> ()
    %add3A_11 = arith.constant 128 : i32
    %add3A_12 = arith.addi %mul3A_2, %add3A_11 : i32
    %run_scoped3A_13 = arith.constant 1 : i32
    "tpu.region"() ({
      %run_scoped3A_196 = tpu.sem_alloc : memref<!tpu.dma_semaphore, #tpu.memory_space<semaphore_mem>>
      %dma_start3A_197 = arith.constant 0 : i32
      %dma_start3A_198 = tpu.memref_slice %arg11[%run_scoped3A_13, %dma_start3A_197] : memref<4x128xi32, #tpu.memory_space<vmem>> -> memref<1x128xi32, #tpu.memory_space<vmem>>
      %dma_start3A_199 = tpu.memref_squeeze %dma_start3A_198 : memref<1x128xi32, #tpu.memory_space<vmem>> -> memref<128xi32, #tpu.memory_space<vmem>>
      %dma_start3A_200 = tpu.memref_slice %arg3[%add3A_12] : memref<16384xi32, #tpu.memory_space<hbm>> -> memref<128xi32, #tpu.memory_space<hbm>>
      %dma_start3A_201 = arith.constant 0 : i32
      %dma_start3A_202 = tpu.memref_slice %arg11[%run_scoped3A_13, %dma_start3A_201] : memref<4x128xi32, #tpu.memory_space<vmem>> -> memref<1x128xi32, #tpu.memory_space<vmem>>
      %dma_start3A_203 = tpu.memref_squeeze %dma_start3A_202 : memref<1x128xi32, #tpu.memory_space<vmem>> -> memref<128xi32, #tpu.memory_space<vmem>>
      %dma_start3A_204 = tpu.memref_slice %arg3[%add3A_12] : memref<16384xi32, #tpu.memory_space<hbm>> -> memref<128xi32, #tpu.memory_space<hbm>>
      tpu.enqueue_dma source(%dma_start3A_204 : memref<128xi32, #tpu.memory_space<hbm>>) target(%dma_start3A_203 : memref<128xi32, #tpu.memory_space<vmem>>) target_semaphore(%run_scoped3A_196 : memref<!tpu.dma_semaphore, #tpu.memory_space<semaphore_mem>>)
      %dma_wait3A_205 = arith.constant 0 : i32
      %dma_wait3A_206 = tpu.memref_slice %arg11[%run_scoped3A_13, %dma_wait3A_205] : memref<4x128xi32, #tpu.memory_space<vmem>> -> memref<1x128xi32, #tpu.memory_space<vmem>>
      %dma_wait3A_207 = tpu.memref_squeeze %dma_wait3A_206 : memref<1x128xi32, #tpu.memory_space<vmem>> -> memref<128xi32, #tpu.memory_space<vmem>>
      %dma_wait3A_208 = tpu.memref_slice %arg3[%add3A_12] : memref<16384xi32, #tpu.memory_space<hbm>> -> memref<128xi32, #tpu.memory_space<hbm>>
      %dma_wait3A_209 = arith.constant 0 : i32
      %dma_wait3A_210 = tpu.memref_slice %arg11[%run_scoped3A_13, %dma_wait3A_209] : memref<4x128xi32, #tpu.memory_space<vmem>> -> memref<1x128xi32, #tpu.memory_space<vmem>>
      %dma_wait3A_211 = tpu.memref_squeeze %dma_wait3A_210 : memref<1x128xi32, #tpu.memory_space<vmem>> -> memref<128xi32, #tpu.memory_space<vmem>>
      %dma_wait3A_212 = tpu.memref_slice %arg3[%add3A_12] : memref<16384xi32, #tpu.memory_space<hbm>> -> memref<128xi32, #tpu.memory_space<hbm>>
      tpu.wait_dma2 semaphore(%run_scoped3A_196 : memref<!tpu.dma_semaphore, #tpu.memory_space<semaphore_mem>>) src(%dma_wait3A_212 : memref<128xi32, #tpu.memory_space<hbm>>) dst(%dma_wait3A_211 : memref<128xi32, #tpu.memory_space<vmem>>)
      tpu.yield
    }) : () -> ()
    %add3A_14 = arith.constant 256 : i32
    %add3A_15 = arith.addi %mul3A_2, %add3A_14 : i32
    %run_scoped3A_16 = arith.constant 2 : i32
    "tpu.region"() ({
      %run_scoped3A_196 = tpu.sem_alloc : memref<!tpu.dma_semaphore, #tpu.memory_space<semaphore_mem>>
      %dma_start3A_197 = arith.constant 0 : i32
      %dma_start3A_198 = tpu.memref_slice %arg10[%run_scoped3A_16, %dma_start3A_197] : memref<4x128xi32, #tpu.memory_space<vmem>> -> memref<1x128xi32, #tpu.memory_space<vmem>>
      %dma_start3A_199 = tpu.memref_squeeze %dma_start3A_198 : memref<1x128xi32, #tpu.memory_space<vmem>> -> memref<128xi32, #tpu.memory_space<vmem>>
      %dma_start3A_200 = tpu.memref_slice %arg2[%add3A_15] : memref<16384xi32, #tpu.memory_space<hbm>> -> memref<128xi32, #tpu.memory_space<hbm>>
      %dma_start3A_201 = arith.constant 0 : i32
      %dma_start3A_202 = tpu.memref_slice %arg10[%run_scoped3A_16, %dma_start3A_201] : memref<4x128xi32, #tpu.memory_space<vmem>> -> memref<1x128xi32, #tpu.memory_space<vmem>>
      %dma_start3A_203 = tpu.memref_squeeze %dma_start3A_202 : memref<1x128xi32, #tpu.memory_space<vmem>> -> memref<128xi32, #tpu.memory_space<vmem>>
      %dma_start3A_204 = tpu.memref_slice %arg2[%add3A_15] : memref<16384xi32, #tpu.memory_space<hbm>> -> memref<128xi32, #tpu.memory_space<hbm>>
      tpu.enqueue_dma source(%dma_start3A_204 : memref<128xi32, #tpu.memory_space<hbm>>) target(%dma_start3A_203 : memref<128xi32, #tpu.memory_space<vmem>>) target_semaphore(%run_scoped3A_196 : memref<!tpu.dma_semaphore, #tpu.memory_space<semaphore_mem>>)
      %dma_wait3A_205 = arith.constant 0 : i32
      %dma_wait3A_206 = tpu.memref_slice %arg10[%run_scoped3A_16, %dma_wait3A_205] : memref<4x128xi32, #tpu.memory_space<vmem>> -> memref<1x128xi32, #tpu.memory_space<vmem>>
      %dma_wait3A_207 = tpu.memref_squeeze %dma_wait3A_206 : memref<1x128xi32, #tpu.memory_space<vmem>> -> memref<128xi32, #tpu.memory_space<vmem>>
      %dma_wait3A_208 = tpu.memref_slice %arg2[%add3A_15] : memref<16384xi32, #tpu.memory_space<hbm>> -> memref<128xi32, #tpu.memory_space<hbm>>
      %dma_wait3A_209 = arith.constant 0 : i32
      %dma_wait3A_210 = tpu.memref_slice %arg10[%run_scoped3A_16, %dma_wait3A_209] : memref<4x128xi32, #tpu.memory_space<vmem>> -> memref<1x128xi32, #tpu.memory_space<vmem>>
      %dma_wait3A_211 = tpu.memref_squeeze %dma_wait3A_210 : memref<1x128xi32, #tpu.memory_space<vmem>> -> memref<128xi32, #tpu.memory_space<vmem>>
      %dma_wait3A_212 = tpu.memref_slice %arg2[%add3A_15] : memref<16384xi32, #tpu.memory_space<hbm>> -> memref<128xi32, #tpu.memory_space<hbm>>
      tpu.wait_dma2 semaphore(%run_scoped3A_196 : memref<!tpu.dma_semaphore, #tpu.memory_space<semaphore_mem>>) src(%dma_wait3A_212 : memref<128xi32, #tpu.memory_space<hbm>>) dst(%dma_wait3A_211 : memref<128xi32, #tpu.memory_space<vmem>>)
      tpu.yield
    }) : () -> ()
    %add3A_17 = arith.constant 256 : i32
    %add3A_18 = arith.addi %mul3A_2, %add3A_17 : i32
    %run_scoped3A_19 = arith.constant 2 : i32
    "tpu.region"() ({
      %run_scoped3A_196 = tpu.sem_alloc : memref<!tpu.dma_semaphore, #tpu.memory_space<semaphore_mem>>
      %dma_start3A_197 = arith.constant 0 : i32
      %dma_start3A_198 = tpu.memref_slice %arg11[%run_scoped3A_19, %dma_start3A_197] : memref<4x128xi32, #tpu.memory_space<vmem>> -> memref<1x128xi32, #tpu.memory_space<vmem>>
      %dma_start3A_199 = tpu.memref_squeeze %dma_start3A_198 : memref<1x128xi32, #tpu.memory_space<vmem>> -> memref<128xi32, #tpu.memory_space<vmem>>
      %dma_start3A_200 = tpu.memref_slice %arg3[%add3A_18] : memref<16384xi32, #tpu.memory_space<hbm>> -> memref<128xi32, #tpu.memory_space<hbm>>
      %dma_start3A_201 = arith.constant 0 : i32
      %dma_start3A_202 = tpu.memref_slice %arg11[%run_scoped3A_19, %dma_start3A_201] : memref<4x128xi32, #tpu.memory_space<vmem>> -> memref<1x128xi32, #tpu.memory_space<vmem>>
      %dma_start3A_203 = tpu.memref_squeeze %dma_start3A_202 : memref<1x128xi32, #tpu.memory_space<vmem>> -> memref<128xi32, #tpu.memory_space<vmem>>
      %dma_start3A_204 = tpu.memref_slice %arg3[%add3A_18] : memref<16384xi32, #tpu.memory_space<hbm>> -> memref<128xi32, #tpu.memory_space<hbm>>
      tpu.enqueue_dma source(%dma_start3A_204 : memref<128xi32, #tpu.memory_space<hbm>>) target(%dma_start3A_203 : memref<128xi32, #tpu.memory_space<vmem>>) target_semaphore(%run_scoped3A_196 : memref<!tpu.dma_semaphore, #tpu.memory_space<semaphore_mem>>)
      %dma_wait3A_205 = arith.constant 0 : i32
      %dma_wait3A_206 = tpu.memref_slice %arg11[%run_scoped3A_19, %dma_wait3A_205] : memref<4x128xi32, #tpu.memory_space<vmem>> -> memref<1x128xi32, #tpu.memory_space<vmem>>
      %dma_wait3A_207 = tpu.memref_squeeze %dma_wait3A_206 : memref<1x128xi32, #tpu.memory_space<vmem>> -> memref<128xi32, #tpu.memory_space<vmem>>
      %dma_wait3A_208 = tpu.memref_slice %arg3[%add3A_18] : memref<16384xi32, #tpu.memory_space<hbm>> -> memref<128xi32, #tpu.memory_space<hbm>>
      %dma_wait3A_209 = arith.constant 0 : i32
      %dma_wait3A_210 = tpu.memref_slice %arg11[%run_scoped3A_19, %dma_wait3A_209] : memref<4x128xi32, #tpu.memory_space<vmem>> -> memref<1x128xi32, #tpu.memory_space<vmem>>
      %dma_wait3A_211 = tpu.memref_squeeze %dma_wait3A_210 : memref<1x128xi32, #tpu.memory_space<vmem>> -> memref<128xi32, #tpu.memory_space<vmem>>
      %dma_wait3A_212 = tpu.memref_slice %arg3[%add3A_18] : memref<16384xi32, #tpu.memory_space<hbm>> -> memref<128xi32, #tpu.memory_space<hbm>>
      tpu.wait_dma2 semaphore(%run_scoped3A_196 : memref<!tpu.dma_semaphore, #tpu.memory_space<semaphore_mem>>) src(%dma_wait3A_212 : memref<128xi32, #tpu.memory_space<hbm>>) dst(%dma_wait3A_211 : memref<128xi32, #tpu.memory_space<vmem>>)
      tpu.yield
    }) : () -> ()
    %add3A_20 = arith.constant 384 : i32
    %add3A_21 = arith.addi %mul3A_2, %add3A_20 : i32
    %run_scoped3A_22 = arith.constant 3 : i32
    "tpu.region"() ({
      %run_scoped3A_196 = tpu.sem_alloc : memref<!tpu.dma_semaphore, #tpu.memory_space<semaphore_mem>>
      %dma_start3A_197 = arith.constant 0 : i32
      %dma_start3A_198 = tpu.memref_slice %arg10[%run_scoped3A_22, %dma_start3A_197] : memref<4x128xi32, #tpu.memory_space<vmem>> -> memref<1x128xi32, #tpu.memory_space<vmem>>
      %dma_start3A_199 = tpu.memref_squeeze %dma_start3A_198 : memref<1x128xi32, #tpu.memory_space<vmem>> -> memref<128xi32, #tpu.memory_space<vmem>>
      %dma_start3A_200 = tpu.memref_slice %arg2[%add3A_21] : memref<16384xi32, #tpu.memory_space<hbm>> -> memref<128xi32, #tpu.memory_space<hbm>>
      %dma_start3A_201 = arith.constant 0 : i32
      %dma_start3A_202 = tpu.memref_slice %arg10[%run_scoped3A_22, %dma_start3A_201] : memref<4x128xi32, #tpu.memory_space<vmem>> -> memref<1x128xi32, #tpu.memory_space<vmem>>
      %dma_start3A_203 = tpu.memref_squeeze %dma_start3A_202 : memref<1x128xi32, #tpu.memory_space<vmem>> -> memref<128xi32, #tpu.memory_space<vmem>>
      %dma_start3A_204 = tpu.memref_slice %arg2[%add3A_21] : memref<16384xi32, #tpu.memory_space<hbm>> -> memref<128xi32, #tpu.memory_space<hbm>>
      tpu.enqueue_dma source(%dma_start3A_204 : memref<128xi32, #tpu.memory_space<hbm>>) target(%dma_start3A_203 : memref<128xi32, #tpu.memory_space<vmem>>) target_semaphore(%run_scoped3A_196 : memref<!tpu.dma_semaphore, #tpu.memory_space<semaphore_mem>>)
      %dma_wait3A_205 = arith.constant 0 : i32
      %dma_wait3A_206 = tpu.memref_slice %arg10[%run_scoped3A_22, %dma_wait3A_205] : memref<4x128xi32, #tpu.memory_space<vmem>> -> memref<1x128xi32, #tpu.memory_space<vmem>>
      %dma_wait3A_207 = tpu.memref_squeeze %dma_wait3A_206 : memref<1x128xi32, #tpu.memory_space<vmem>> -> memref<128xi32, #tpu.memory_space<vmem>>
      %dma_wait3A_208 = tpu.memref_slice %arg2[%add3A_21] : memref<16384xi32, #tpu.memory_space<hbm>> -> memref<128xi32, #tpu.memory_space<hbm>>
      %dma_wait3A_209 = arith.constant 0 : i32
      %dma_wait3A_210 = tpu.memref_slice %arg10[%run_scoped3A_22, %dma_wait3A_209] : memref<4x128xi32, #tpu.memory_space<vmem>> -> memref<1x128xi32, #tpu.memory_space<vmem>>
      %dma_wait3A_211 = tpu.memref_squeeze %dma_wait3A_210 : memref<1x128xi32, #tpu.memory_space<vmem>> -> memref<128xi32, #tpu.memory_space<vmem>>
      %dma_wait3A_212 = tpu.memref_slice %arg2[%add3A_21] : memref<16384xi32, #tpu.memory_space<hbm>> -> memref<128xi32, #tpu.memory_space<hbm>>
      tpu.wait_dma2 semaphore(%run_scoped3A_196 : memref<!tpu.dma_semaphore, #tpu.memory_space<semaphore_mem>>) src(%dma_wait3A_212 : memref<128xi32, #tpu.memory_space<hbm>>) dst(%dma_wait3A_211 : memref<128xi32, #tpu.memory_space<vmem>>)
      tpu.yield
    }) : () -> ()
    %add3A_23 = arith.constant 384 : i32
    %add3A_24 = arith.addi %mul3A_2, %add3A_23 : i32
    %run_scoped3A_25 = arith.constant 3 : i32
    "tpu.region"() ({
      %run_scoped3A_196 = tpu.sem_alloc : memref<!tpu.dma_semaphore, #tpu.memory_space<semaphore_mem>>
      %dma_start3A_197 = arith.constant 0 : i32
      %dma_start3A_198 = tpu.memref_slice %arg11[%run_scoped3A_25, %dma_start3A_197] : memref<4x128xi32, #tpu.memory_space<vmem>> -> memref<1x128xi32, #tpu.memory_space<vmem>>
      %dma_start3A_199 = tpu.memref_squeeze %dma_start3A_198 : memref<1x128xi32, #tpu.memory_space<vmem>> -> memref<128xi32, #tpu.memory_space<vmem>>
      %dma_start3A_200 = tpu.memref_slice %arg3[%add3A_24] : memref<16384xi32, #tpu.memory_space<hbm>> -> memref<128xi32, #tpu.memory_space<hbm>>
      %dma_start3A_201 = arith.constant 0 : i32
      %dma_start3A_202 = tpu.memref_slice %arg11[%run_scoped3A_25, %dma_start3A_201] : memref<4x128xi32, #tpu.memory_space<vmem>> -> memref<1x128xi32, #tpu.memory_space<vmem>>
      %dma_start3A_203 = tpu.memref_squeeze %dma_start3A_202 : memref<1x128xi32, #tpu.memory_space<vmem>> -> memref<128xi32, #tpu.memory_space<vmem>>
      %dma_start3A_204 = tpu.memref_slice %arg3[%add3A_24] : memref<16384xi32, #tpu.memory_space<hbm>> -> memref<128xi32, #tpu.memory_space<hbm>>
      tpu.enqueue_dma source(%dma_start3A_204 : memref<128xi32, #tpu.memory_space<hbm>>) target(%dma_start3A_203 : memref<128xi32, #tpu.memory_space<vmem>>) target_semaphore(%run_scoped3A_196 : memref<!tpu.dma_semaphore, #tpu.memory_space<semaphore_mem>>)
      %dma_wait3A_205 = arith.constant 0 : i32
      %dma_wait3A_206 = tpu.memref_slice %arg11[%run_scoped3A_25, %dma_wait3A_205] : memref<4x128xi32, #tpu.memory_space<vmem>> -> memref<1x128xi32, #tpu.memory_space<vmem>>
      %dma_wait3A_207 = tpu.memref_squeeze %dma_wait3A_206 : memref<1x128xi32, #tpu.memory_space<vmem>> -> memref<128xi32, #tpu.memory_space<vmem>>
      %dma_wait3A_208 = tpu.memref_slice %arg3[%add3A_24] : memref<16384xi32, #tpu.memory_space<hbm>> -> memref<128xi32, #tpu.memory_space<hbm>>
      %dma_wait3A_209 = arith.constant 0 : i32
      %dma_wait3A_210 = tpu.memref_slice %arg11[%run_scoped3A_25, %dma_wait3A_209] : memref<4x128xi32, #tpu.memory_space<vmem>> -> memref<1x128xi32, #tpu.memory_space<vmem>>
      %dma_wait3A_211 = tpu.memref_squeeze %dma_wait3A_210 : memref<1x128xi32, #tpu.memory_space<vmem>> -> memref<128xi32, #tpu.memory_space<vmem>>
      %dma_wait3A_212 = tpu.memref_slice %arg3[%add3A_24] : memref<16384xi32, #tpu.memory_space<hbm>> -> memref<128xi32, #tpu.memory_space<hbm>>
      tpu.wait_dma2 semaphore(%run_scoped3A_196 : memref<!tpu.dma_semaphore, #tpu.memory_space<semaphore_mem>>) src(%dma_wait3A_212 : memref<128xi32, #tpu.memory_space<hbm>>) dst(%dma_wait3A_211 : memref<128xi32, #tpu.memory_space<vmem>>)
      tpu.yield
    }) : () -> ()
    %dma_start3A = arith.constant 0 : i32
    %dma_start3A_26 = arith.constant 0 : i32
    %dma_start3A_27 = arith.constant 0 : i32
    %dma_start3A_28 = tpu.memref_slice %arg12[%dma_start3A_26, %dma_start3A_27] : memref<512x64xf32, #tpu.memory_space<vmem>> -> memref<128x64xf32, #tpu.memory_space<vmem>>
    %dma_start3A_29 = arith.constant 0 : i32
    %dma_start3A_30 = tpu.memref_slice %arg11[%dma_start3A, %dma_start3A_29] : memref<4x128xi32, #tpu.memory_space<vmem>> -> memref<1x128xi32, #tpu.memory_space<vmem>>
    %dma_start3A_31 = tpu.memref_squeeze %dma_start3A_30 : memref<1x128xi32, #tpu.memory_space<vmem>> -> memref<128xi32, #tpu.memory_space<vmem>>
    %dma_start3A_32 = arith.constant 0 : i32
    %dma_start3A_33 = arith.constant 0 : i32
    %dma_start3A_34 = tpu.memref_slice %arg4[%dma_start3A_32, %dma_start3A_33] : memref<1001472x64xf32, #tpu.memory_space<hbm>> -> memref<1001472x64xf32, #tpu.memory_space<hbm>>
    tpu.enqueue_indirect_dma source(%dma_start3A_34 : memref<1001472x64xf32, #tpu.memory_space<hbm>>) target(%dma_start3A_28 : memref<128x64xf32, #tpu.memory_space<vmem>>) offsets(%dma_start3A_31 : memref<128xi32, #tpu.memory_space<vmem>>) semaphore(%arg14 : memref<!tpu.dma_semaphore, #tpu.memory_space<semaphore_mem>>)
    %dma_wait3A = arith.constant 0 : i32
    %dma_wait3A_35 = arith.constant 0 : i32
    %dma_wait3A_36 = arith.constant 0 : i32
    %dma_wait3A_37 = tpu.memref_slice %arg12[%dma_wait3A_35, %dma_wait3A_36] : memref<512x64xf32, #tpu.memory_space<vmem>> -> memref<128x64xf32, #tpu.memory_space<vmem>>
    %dma_wait3A_38 = arith.constant 0 : i32
    %dma_wait3A_39 = tpu.memref_slice %arg11[%dma_wait3A, %dma_wait3A_38] : memref<4x128xi32, #tpu.memory_space<vmem>> -> memref<1x128xi32, #tpu.memory_space<vmem>>
    %dma_wait3A_40 = tpu.memref_squeeze %dma_wait3A_39 : memref<1x128xi32, #tpu.memory_space<vmem>> -> memref<128xi32, #tpu.memory_space<vmem>>
    %dma_wait3A_41 = arith.constant 0 : i32
    %dma_wait3A_42 = arith.constant 0 : i32
    %dma_wait3A_43 = tpu.memref_slice %arg4[%dma_wait3A_41, %dma_wait3A_42] : memref<1001472x64xf32, #tpu.memory_space<hbm>> -> memref<1001472x64xf32, #tpu.memory_space<hbm>>
    tpu.wait_indirect_dma semaphore(%arg14 : memref<!tpu.dma_semaphore, #tpu.memory_space<semaphore_mem>>) src(%dma_wait3A_43 : memref<1001472x64xf32, #tpu.memory_space<hbm>>) dst(%dma_wait3A_37 : memref<128x64xf32, #tpu.memory_space<vmem>>)
    %dma_start3A_44 = arith.constant 0 : i32
    %dma_start3A_45 = arith.constant 0 : i32
    %dma_start3A_46 = arith.constant 0 : i32
    %dma_start3A_47 = tpu.memref_slice %arg13[%dma_start3A_45, %dma_start3A_46] : memref<4x128xi32, #tpu.memory_space<vmem>> -> memref<1x128xi32, #tpu.memory_space<vmem>>
    %dma_start3A_48 = tpu.memref_squeeze %dma_start3A_47 : memref<1x128xi32, #tpu.memory_space<vmem>> -> memref<128xi32, #tpu.memory_space<vmem>>
    %dma_start3A_49 = arith.constant 0 : i32
    %dma_start3A_50 = tpu.memref_slice %arg10[%dma_start3A_44, %dma_start3A_49] : memref<4x128xi32, #tpu.memory_space<vmem>> -> memref<1x128xi32, #tpu.memory_space<vmem>>
    %dma_start3A_51 = tpu.memref_squeeze %dma_start3A_50 : memref<1x128xi32, #tpu.memory_space<vmem>> -> memref<128xi32, #tpu.memory_space<vmem>>
    %dma_start3A_52 = arith.constant 0 : i32
    %dma_start3A_53 = tpu.memref_slice %arg5[%dma_start3A_52] : memref<1000000xi32, #tpu.memory_space<hbm>> -> memref<1000000xi32, #tpu.memory_space<hbm>>
    tpu.enqueue_indirect_dma source(%dma_start3A_53 : memref<1000000xi32, #tpu.memory_space<hbm>>) target(%dma_start3A_48 : memref<128xi32, #tpu.memory_space<vmem>>) offsets(%dma_start3A_51 : memref<128xi32, #tpu.memory_space<vmem>>) semaphore(%arg14 : memref<!tpu.dma_semaphore, #tpu.memory_space<semaphore_mem>>)
    %dma_wait3A_54 = arith.constant 0 : i32
    %dma_wait3A_55 = arith.constant 0 : i32
    %dma_wait3A_56 = arith.constant 0 : i32
    %dma_wait3A_57 = tpu.memref_slice %arg13[%dma_wait3A_55, %dma_wait3A_56] : memref<4x128xi32, #tpu.memory_space<vmem>> -> memref<1x128xi32, #tpu.memory_space<vmem>>
    %dma_wait3A_58 = tpu.memref_squeeze %dma_wait3A_57 : memref<1x128xi32, #tpu.memory_space<vmem>> -> memref<128xi32, #tpu.memory_space<vmem>>
    %dma_wait3A_59 = arith.constant 0 : i32
    %dma_wait3A_60 = tpu.memref_slice %arg10[%dma_wait3A_54, %dma_wait3A_59] : memref<4x128xi32, #tpu.memory_space<vmem>> -> memref<1x128xi32, #tpu.memory_space<vmem>>
    %dma_wait3A_61 = tpu.memref_squeeze %dma_wait3A_60 : memref<1x128xi32, #tpu.memory_space<vmem>> -> memref<128xi32, #tpu.memory_space<vmem>>
    %dma_wait3A_62 = arith.constant 0 : i32
    %dma_wait3A_63 = tpu.memref_slice %arg5[%dma_wait3A_62] : memref<1000000xi32, #tpu.memory_space<hbm>> -> memref<1000000xi32, #tpu.memory_space<hbm>>
    tpu.wait_indirect_dma semaphore(%arg14 : memref<!tpu.dma_semaphore, #tpu.memory_space<semaphore_mem>>) src(%dma_wait3A_63 : memref<1000000xi32, #tpu.memory_space<hbm>>) dst(%dma_wait3A_58 : memref<128xi32, #tpu.memory_space<vmem>>)
    %dma_start3A_64 = arith.constant 1 : i32
    %dma_start3A_65 = arith.constant 128 : i32
    %dma_start3A_66 = arith.constant 0 : i32
    %dma_start3A_67 = tpu.memref_slice %arg12[%dma_start3A_65, %dma_start3A_66] : memref<512x64xf32, #tpu.memory_space<vmem>> -> memref<128x64xf32, #tpu.memory_space<vmem>>
    %dma_start3A_68 = arith.constant 0 : i32
    %dma_start3A_69 = tpu.memref_slice %arg11[%dma_start3A_64, %dma_start3A_68] : memref<4x128xi32, #tpu.memory_space<vmem>> -> memref<1x128xi32, #tpu.memory_space<vmem>>
    %dma_start3A_70 = tpu.memref_squeeze %dma_start3A_69 : memref<1x128xi32, #tpu.memory_space<vmem>> -> memref<128xi32, #tpu.memory_space<vmem>>
    %dma_start3A_71 = arith.constant 0 : i32
    %dma_start3A_72 = arith.constant 0 : i32
    %dma_start3A_73 = tpu.memref_slice %arg4[%dma_start3A_71, %dma_start3A_72] : memref<1001472x64xf32, #tpu.memory_space<hbm>> -> memref<1001472x64xf32, #tpu.memory_space<hbm>>
    tpu.enqueue_indirect_dma source(%dma_start3A_73 : memref<1001472x64xf32, #tpu.memory_space<hbm>>) target(%dma_start3A_67 : memref<128x64xf32, #tpu.memory_space<vmem>>) offsets(%dma_start3A_70 : memref<128xi32, #tpu.memory_space<vmem>>) semaphore(%arg14 : memref<!tpu.dma_semaphore, #tpu.memory_space<semaphore_mem>>)
    %dma_wait3A_74 = arith.constant 1 : i32
    %dma_wait3A_75 = arith.constant 128 : i32
    %dma_wait3A_76 = arith.constant 0 : i32
    %dma_wait3A_77 = tpu.memref_slice %arg12[%dma_wait3A_75, %dma_wait3A_76] : memref<512x64xf32, #tpu.memory_space<vmem>> -> memref<128x64xf32, #tpu.memory_space<vmem>>
    %dma_wait3A_78 = arith.constant 0 : i32
    %dma_wait3A_79 = tpu.memref_slice %arg11[%dma_wait3A_74, %dma_wait3A_78] : memref<4x128xi32, #tpu.memory_space<vmem>> -> memref<1x128xi32, #tpu.memory_space<vmem>>
    %dma_wait3A_80 = tpu.memref_squeeze %dma_wait3A_79 : memref<1x128xi32, #tpu.memory_space<vmem>> -> memref<128xi32, #tpu.memory_space<vmem>>
    %dma_wait3A_81 = arith.constant 0 : i32
    %dma_wait3A_82 = arith.constant 0 : i32
    %dma_wait3A_83 = tpu.memref_slice %arg4[%dma_wait3A_81, %dma_wait3A_82] : memref<1001472x64xf32, #tpu.memory_space<hbm>> -> memref<1001472x64xf32, #tpu.memory_space<hbm>>
    tpu.wait_indirect_dma semaphore(%arg14 : memref<!tpu.dma_semaphore, #tpu.memory_space<semaphore_mem>>) src(%dma_wait3A_83 : memref<1001472x64xf32, #tpu.memory_space<hbm>>) dst(%dma_wait3A_77 : memref<128x64xf32, #tpu.memory_space<vmem>>)
    %dma_start3A_84 = arith.constant 1 : i32
    %dma_start3A_85 = arith.constant 1 : i32
    %dma_start3A_86 = arith.constant 0 : i32
    %dma_start3A_87 = tpu.memref_slice %arg13[%dma_start3A_85, %dma_start3A_86] : memref<4x128xi32, #tpu.memory_space<vmem>> -> memref<1x128xi32, #tpu.memory_space<vmem>>
    %dma_start3A_88 = tpu.memref_squeeze %dma_start3A_87 : memref<1x128xi32, #tpu.memory_space<vmem>> -> memref<128xi32, #tpu.memory_space<vmem>>
    %dma_start3A_89 = arith.constant 0 : i32
    %dma_start3A_90 = tpu.memref_slice %arg10[%dma_start3A_84, %dma_start3A_89] : memref<4x128xi32, #tpu.memory_space<vmem>> -> memref<1x128xi32, #tpu.memory_space<vmem>>
    %dma_start3A_91 = tpu.memref_squeeze %dma_start3A_90 : memref<1x128xi32, #tpu.memory_space<vmem>> -> memref<128xi32, #tpu.memory_space<vmem>>
    %dma_start3A_92 = arith.constant 0 : i32
    %dma_start3A_93 = tpu.memref_slice %arg5[%dma_start3A_92] : memref<1000000xi32, #tpu.memory_space<hbm>> -> memref<1000000xi32, #tpu.memory_space<hbm>>
    tpu.enqueue_indirect_dma source(%dma_start3A_93 : memref<1000000xi32, #tpu.memory_space<hbm>>) target(%dma_start3A_88 : memref<128xi32, #tpu.memory_space<vmem>>) offsets(%dma_start3A_91 : memref<128xi32, #tpu.memory_space<vmem>>) semaphore(%arg14 : memref<!tpu.dma_semaphore, #tpu.memory_space<semaphore_mem>>)
    %dma_wait3A_94 = arith.constant 1 : i32
    %dma_wait3A_95 = arith.constant 1 : i32
    %dma_wait3A_96 = arith.constant 0 : i32
    %dma_wait3A_97 = tpu.memref_slice %arg13[%dma_wait3A_95, %dma_wait3A_96] : memref<4x128xi32, #tpu.memory_space<vmem>> -> memref<1x128xi32, #tpu.memory_space<vmem>>
    %dma_wait3A_98 = tpu.memref_squeeze %dma_wait3A_97 : memref<1x128xi32, #tpu.memory_space<vmem>> -> memref<128xi32, #tpu.memory_space<vmem>>
    %dma_wait3A_99 = arith.constant 0 : i32
    %dma_wait3A_100 = tpu.memref_slice %arg10[%dma_wait3A_94, %dma_wait3A_99] : memref<4x128xi32, #tpu.memory_space<vmem>> -> memref<1x128xi32, #tpu.memory_space<vmem>>
    %dma_wait3A_101 = tpu.memref_squeeze %dma_wait3A_100 : memref<1x128xi32, #tpu.memory_space<vmem>> -> memref<128xi32, #tpu.memory_space<vmem>>
    %dma_wait3A_102 = arith.constant 0 : i32
    %dma_wait3A_103 = tpu.memref_slice %arg5[%dma_wait3A_102] : memref<1000000xi32, #tpu.memory_space<hbm>> -> memref<1000000xi32, #tpu.memory_space<hbm>>
    tpu.wait_indirect_dma semaphore(%arg14 : memref<!tpu.dma_semaphore, #tpu.memory_space<semaphore_mem>>) src(%dma_wait3A_103 : memref<1000000xi32, #tpu.memory_space<hbm>>) dst(%dma_wait3A_98 : memref<128xi32, #tpu.memory_space<vmem>>)
    %dma_start3A_104 = arith.constant 2 : i32
    %dma_start3A_105 = arith.constant 256 : i32
    %dma_start3A_106 = arith.constant 0 : i32
    %dma_start3A_107 = tpu.memref_slice %arg12[%dma_start3A_105, %dma_start3A_106] : memref<512x64xf32, #tpu.memory_space<vmem>> -> memref<128x64xf32, #tpu.memory_space<vmem>>
    %dma_start3A_108 = arith.constant 0 : i32
    %dma_start3A_109 = tpu.memref_slice %arg11[%dma_start3A_104, %dma_start3A_108] : memref<4x128xi32, #tpu.memory_space<vmem>> -> memref<1x128xi32, #tpu.memory_space<vmem>>
    %dma_start3A_110 = tpu.memref_squeeze %dma_start3A_109 : memref<1x128xi32, #tpu.memory_space<vmem>> -> memref<128xi32, #tpu.memory_space<vmem>>
    %dma_start3A_111 = arith.constant 0 : i32
    %dma_start3A_112 = arith.constant 0 : i32
    %dma_start3A_113 = tpu.memref_slice %arg4[%dma_start3A_111, %dma_start3A_112] : memref<1001472x64xf32, #tpu.memory_space<hbm>> -> memref<1001472x64xf32, #tpu.memory_space<hbm>>
    tpu.enqueue_indirect_dma source(%dma_start3A_113 : memref<1001472x64xf32, #tpu.memory_space<hbm>>) target(%dma_start3A_107 : memref<128x64xf32, #tpu.memory_space<vmem>>) offsets(%dma_start3A_110 : memref<128xi32, #tpu.memory_space<vmem>>) semaphore(%arg14 : memref<!tpu.dma_semaphore, #tpu.memory_space<semaphore_mem>>)
    %dma_wait3A_114 = arith.constant 2 : i32
    %dma_wait3A_115 = arith.constant 256 : i32
    %dma_wait3A_116 = arith.constant 0 : i32
    %dma_wait3A_117 = tpu.memref_slice %arg12[%dma_wait3A_115, %dma_wait3A_116] : memref<512x64xf32, #tpu.memory_space<vmem>> -> memref<128x64xf32, #tpu.memory_space<vmem>>
    %dma_wait3A_118 = arith.constant 0 : i32
    %dma_wait3A_119 = tpu.memref_slice %arg11[%dma_wait3A_114, %dma_wait3A_118] : memref<4x128xi32, #tpu.memory_space<vmem>> -> memref<1x128xi32, #tpu.memory_space<vmem>>
    %dma_wait3A_120 = tpu.memref_squeeze %dma_wait3A_119 : memref<1x128xi32, #tpu.memory_space<vmem>> -> memref<128xi32, #tpu.memory_space<vmem>>
    %dma_wait3A_121 = arith.constant 0 : i32
    %dma_wait3A_122 = arith.constant 0 : i32
    %dma_wait3A_123 = tpu.memref_slice %arg4[%dma_wait3A_121, %dma_wait3A_122] : memref<1001472x64xf32, #tpu.memory_space<hbm>> -> memref<1001472x64xf32, #tpu.memory_space<hbm>>
    tpu.wait_indirect_dma semaphore(%arg14 : memref<!tpu.dma_semaphore, #tpu.memory_space<semaphore_mem>>) src(%dma_wait3A_123 : memref<1001472x64xf32, #tpu.memory_space<hbm>>) dst(%dma_wait3A_117 : memref<128x64xf32, #tpu.memory_space<vmem>>)
    %dma_start3A_124 = arith.constant 2 : i32
    %dma_start3A_125 = arith.constant 2 : i32
    %dma_start3A_126 = arith.constant 0 : i32
    %dma_start3A_127 = tpu.memref_slice %arg13[%dma_start3A_125, %dma_start3A_126] : memref<4x128xi32, #tpu.memory_space<vmem>> -> memref<1x128xi32, #tpu.memory_space<vmem>>
    %dma_start3A_128 = tpu.memref_squeeze %dma_start3A_127 : memref<1x128xi32, #tpu.memory_space<vmem>> -> memref<128xi32, #tpu.memory_space<vmem>>
    %dma_start3A_129 = arith.constant 0 : i32
    %dma_start3A_130 = tpu.memref_slice %arg10[%dma_start3A_124, %dma_start3A_129] : memref<4x128xi32, #tpu.memory_space<vmem>> -> memref<1x128xi32, #tpu.memory_space<vmem>>
    %dma_start3A_131 = tpu.memref_squeeze %dma_start3A_130 : memref<1x128xi32, #tpu.memory_space<vmem>> -> memref<128xi32, #tpu.memory_space<vmem>>
    %dma_start3A_132 = arith.constant 0 : i32
    %dma_start3A_133 = tpu.memref_slice %arg5[%dma_start3A_132] : memref<1000000xi32, #tpu.memory_space<hbm>> -> memref<1000000xi32, #tpu.memory_space<hbm>>
    tpu.enqueue_indirect_dma source(%dma_start3A_133 : memref<1000000xi32, #tpu.memory_space<hbm>>) target(%dma_start3A_128 : memref<128xi32, #tpu.memory_space<vmem>>) offsets(%dma_start3A_131 : memref<128xi32, #tpu.memory_space<vmem>>) semaphore(%arg14 : memref<!tpu.dma_semaphore, #tpu.memory_space<semaphore_mem>>)
    %dma_wait3A_134 = arith.constant 2 : i32
    %dma_wait3A_135 = arith.constant 2 : i32
    %dma_wait3A_136 = arith.constant 0 : i32
    %dma_wait3A_137 = tpu.memref_slice %arg13[%dma_wait3A_135, %dma_wait3A_136] : memref<4x128xi32, #tpu.memory_space<vmem>> -> memref<1x128xi32, #tpu.memory_space<vmem>>
    %dma_wait3A_138 = tpu.memref_squeeze %dma_wait3A_137 : memref<1x128xi32, #tpu.memory_space<vmem>> -> memref<128xi32, #tpu.memory_space<vmem>>
    %dma_wait3A_139 = arith.constant 0 : i32
    %dma_wait3A_140 = tpu.memref_slice %arg10[%dma_wait3A_134, %dma_wait3A_139] : memref<4x128xi32, #tpu.memory_space<vmem>> -> memref<1x128xi32, #tpu.memory_space<vmem>>
    %dma_wait3A_141 = tpu.memref_squeeze %dma_wait3A_140 : memref<1x128xi32, #tpu.memory_space<vmem>> -> memref<128xi32, #tpu.memory_space<vmem>>
    %dma_wait3A_142 = arith.constant 0 : i32
    %dma_wait3A_143 = tpu.memref_slice %arg5[%dma_wait3A_142] : memref<1000000xi32, #tpu.memory_space<hbm>> -> memref<1000000xi32, #tpu.memory_space<hbm>>
    tpu.wait_indirect_dma semaphore(%arg14 : memref<!tpu.dma_semaphore, #tpu.memory_space<semaphore_mem>>) src(%dma_wait3A_143 : memref<1000000xi32, #tpu.memory_space<hbm>>) dst(%dma_wait3A_138 : memref<128xi32, #tpu.memory_space<vmem>>)
    %dma_start3A_144 = arith.constant 3 : i32
    %dma_start3A_145 = arith.constant 384 : i32
    %dma_start3A_146 = arith.constant 0 : i32
    %dma_start3A_147 = tpu.memref_slice %arg12[%dma_start3A_145, %dma_start3A_146] : memref<512x64xf32, #tpu.memory_space<vmem>> -> memref<128x64xf32, #tpu.memory_space<vmem>>
    %dma_start3A_148 = arith.constant 0 : i32
    %dma_start3A_149 = tpu.memref_slice %arg11[%dma_start3A_144, %dma_start3A_148] : memref<4x128xi32, #tpu.memory_space<vmem>> -> memref<1x128xi32, #tpu.memory_space<vmem>>
    %dma_start3A_150 = tpu.memref_squeeze %dma_start3A_149 : memref<1x128xi32, #tpu.memory_space<vmem>> -> memref<128xi32, #tpu.memory_space<vmem>>
    %dma_start3A_151 = arith.constant 0 : i32
    %dma_start3A_152 = arith.constant 0 : i32
    %dma_start3A_153 = tpu.memref_slice %arg4[%dma_start3A_151, %dma_start3A_152] : memref<1001472x64xf32, #tpu.memory_space<hbm>> -> memref<1001472x64xf32, #tpu.memory_space<hbm>>
    tpu.enqueue_indirect_dma source(%dma_start3A_153 : memref<1001472x64xf32, #tpu.memory_space<hbm>>) target(%dma_start3A_147 : memref<128x64xf32, #tpu.memory_space<vmem>>) offsets(%dma_start3A_150 : memref<128xi32, #tpu.memory_space<vmem>>) semaphore(%arg14 : memref<!tpu.dma_semaphore, #tpu.memory_space<semaphore_mem>>)
    %dma_wait3A_154 = arith.constant 3 : i32
    %dma_wait3A_155 = arith.constant 384 : i32
    %dma_wait3A_156 = arith.constant 0 : i32
    %dma_wait3A_157 = tpu.memref_slice %arg12[%dma_wait3A_155, %dma_wait3A_156] : memref<512x64xf32, #tpu.memory_space<vmem>> -> memref<128x64xf32, #tpu.memory_space<vmem>>
    %dma_wait3A_158 = arith.constant 0 : i32
    %dma_wait3A_159 = tpu.memref_slice %arg11[%dma_wait3A_154, %dma_wait3A_158] : memref<4x128xi32, #tpu.memory_space<vmem>> -> memref<1x128xi32, #tpu.memory_space<vmem>>
    %dma_wait3A_160 = tpu.memref_squeeze %dma_wait3A_159 : memref<1x128xi32, #tpu.memory_space<vmem>> -> memref<128xi32, #tpu.memory_space<vmem>>
    %dma_wait3A_161 = arith.constant 0 : i32
    %dma_wait3A_162 = arith.constant 0 : i32
    %dma_wait3A_163 = tpu.memref_slice %arg4[%dma_wait3A_161, %dma_wait3A_162] : memref<1001472x64xf32, #tpu.memory_space<hbm>> -> memref<1001472x64xf32, #tpu.memory_space<hbm>>
    tpu.wait_indirect_dma semaphore(%arg14 : memref<!tpu.dma_semaphore, #tpu.memory_space<semaphore_mem>>) src(%dma_wait3A_163 : memref<1001472x64xf32, #tpu.memory_space<hbm>>) dst(%dma_wait3A_157 : memref<128x64xf32, #tpu.memory_space<vmem>>)
    %dma_start3A_164 = arith.constant 3 : i32
    %dma_start3A_165 = arith.constant 3 : i32
    %dma_start3A_166 = arith.constant 0 : i32
    %dma_start3A_167 = tpu.memref_slice %arg13[%dma_start3A_165, %dma_start3A_166] : memref<4x128xi32, #tpu.memory_space<vmem>> -> memref<1x128xi32, #tpu.memory_space<vmem>>
    %dma_start3A_168 = tpu.memref_squeeze %dma_start3A_167 : memref<1x128xi32, #tpu.memory_space<vmem>> -> memref<128xi32, #tpu.memory_space<vmem>>
    %dma_start3A_169 = arith.constant 0 : i32
    %dma_start3A_170 = tpu.memref_slice %arg10[%dma_start3A_164, %dma_start3A_169] : memref<4x128xi32, #tpu.memory_space<vmem>> -> memref<1x128xi32, #tpu.memory_space<vmem>>
    %dma_start3A_171 = tpu.memref_squeeze %dma_start3A_170 : memref<1x128xi32, #tpu.memory_space<vmem>> -> memref<128xi32, #tpu.memory_space<vmem>>
    %dma_start3A_172 = arith.constant 0 : i32
    %dma_start3A_173 = tpu.memref_slice %arg5[%dma_start3A_172] : memref<1000000xi32, #tpu.memory_space<hbm>> -> memref<1000000xi32, #tpu.memory_space<hbm>>
    tpu.enqueue_indirect_dma source(%dma_start3A_173 : memref<1000000xi32, #tpu.memory_space<hbm>>) target(%dma_start3A_168 : memref<128xi32, #tpu.memory_space<vmem>>) offsets(%dma_start3A_171 : memref<128xi32, #tpu.memory_space<vmem>>) semaphore(%arg14 : memref<!tpu.dma_semaphore, #tpu.memory_space<semaphore_mem>>)
    %dma_wait3A_174 = arith.constant 3 : i32
    %dma_wait3A_175 = arith.constant 3 : i32
    %dma_wait3A_176 = arith.constant 0 : i32
    %dma_wait3A_177 = tpu.memref_slice %arg13[%dma_wait3A_175, %dma_wait3A_176] : memref<4x128xi32, #tpu.memory_space<vmem>> -> memref<1x128xi32, #tpu.memory_space<vmem>>
    %dma_wait3A_178 = tpu.memref_squeeze %dma_wait3A_177 : memref<1x128xi32, #tpu.memory_space<vmem>> -> memref<128xi32, #tpu.memory_space<vmem>>
    %dma_wait3A_179 = arith.constant 0 : i32
    %dma_wait3A_180 = tpu.memref_slice %arg10[%dma_wait3A_174, %dma_wait3A_179] : memref<4x128xi32, #tpu.memory_space<vmem>> -> memref<1x128xi32, #tpu.memory_space<vmem>>
    %dma_wait3A_181 = tpu.memref_squeeze %dma_wait3A_180 : memref<1x128xi32, #tpu.memory_space<vmem>> -> memref<128xi32, #tpu.memory_space<vmem>>
    %dma_wait3A_182 = arith.constant 0 : i32
    %dma_wait3A_183 = tpu.memref_slice %arg5[%dma_wait3A_182] : memref<1000000xi32, #tpu.memory_space<hbm>> -> memref<1000000xi32, #tpu.memory_space<hbm>>
    tpu.wait_indirect_dma semaphore(%arg14 : memref<!tpu.dma_semaphore, #tpu.memory_space<semaphore_mem>>) src(%dma_wait3A_183 : memref<1000000xi32, #tpu.memory_space<hbm>>) dst(%dma_wait3A_178 : memref<128xi32, #tpu.memory_space<vmem>>)
    "tpu.region"() ({
      %run_scoped3A_196 = tpu.sem_alloc : memref<!tpu.dma_semaphore, #tpu.memory_space<semaphore_mem>>
      %dma_start3A_197 = arith.constant 0 : i32
      %dma_start3A_198 = tpu.memref_slice %arg6[%mul3A_2, %dma_start3A_197] : memref<16384x64xf32, #tpu.memory_space<hbm>> -> memref<512x64xf32, #tpu.memory_space<hbm>>
      %dma_start3A_199 = arith.constant 0 : i32
      %dma_start3A_200 = tpu.memref_slice %arg6[%mul3A_2, %dma_start3A_199] : memref<16384x64xf32, #tpu.memory_space<hbm>> -> memref<512x64xf32, #tpu.memory_space<hbm>>
      tpu.enqueue_dma source(%arg12 : memref<512x64xf32, #tpu.memory_space<vmem>>) target(%dma_start3A_200 : memref<512x64xf32, #tpu.memory_space<hbm>>) target_semaphore(%run_scoped3A_196 : memref<!tpu.dma_semaphore, #tpu.memory_space<semaphore_mem>>)
      %dma_wait3A_201 = arith.constant 0 : i32
      %dma_wait3A_202 = tpu.memref_slice %arg6[%mul3A_2, %dma_wait3A_201] : memref<16384x64xf32, #tpu.memory_space<hbm>> -> memref<512x64xf32, #tpu.memory_space<hbm>>
      %dma_wait3A_203 = arith.constant 0 : i32
      %dma_wait3A_204 = tpu.memref_slice %arg6[%mul3A_2, %dma_wait3A_203] : memref<16384x64xf32, #tpu.memory_space<hbm>> -> memref<512x64xf32, #tpu.memory_space<hbm>>
      tpu.wait_dma2 semaphore(%run_scoped3A_196 : memref<!tpu.dma_semaphore, #tpu.memory_space<semaphore_mem>>) src(%arg12 : memref<512x64xf32, #tpu.memory_space<vmem>>) dst(%dma_wait3A_204 : memref<512x64xf32, #tpu.memory_space<hbm>>)
      tpu.yield
    }) : () -> ()
    %add3A_184 = arith.constant 0 : i32
    %add3A_185 = arith.addi %mul3A_2, %add3A_184 : i32
    %run_scoped3A_186 = arith.constant 0 : i32
    "tpu.region"() ({
      %run_scoped3A_196 = tpu.sem_alloc : memref<!tpu.dma_semaphore, #tpu.memory_space<semaphore_mem>>
      %dma_start3A_197 = arith.constant 0 : i32
      %dma_start3A_198 = tpu.memref_slice %arg13[%run_scoped3A_186, %dma_start3A_197] : memref<4x128xi32, #tpu.memory_space<vmem>> -> memref<1x128xi32, #tpu.memory_space<vmem>>
      %dma_start3A_199 = tpu.memref_squeeze %dma_start3A_198 : memref<1x128xi32, #tpu.memory_space<vmem>> -> memref<128xi32, #tpu.memory_space<vmem>>
      %dma_start3A_200 = tpu.memref_slice %arg7[%add3A_185] : memref<16384xi32, #tpu.memory_space<hbm>> -> memref<128xi32, #tpu.memory_space<hbm>>
      %dma_start3A_201 = tpu.memref_slice %arg7[%add3A_185] : memref<16384xi32, #tpu.memory_space<hbm>> -> memref<128xi32, #tpu.memory_space<hbm>>
      %dma_start3A_202 = arith.constant 0 : i32
      %dma_start3A_203 = tpu.memref_slice %arg13[%run_scoped3A_186, %dma_start3A_202] : memref<4x128xi32, #tpu.memory_space<vmem>> -> memref<1x128xi32, #tpu.memory_space<vmem>>
      %dma_start3A_204 = tpu.memref_squeeze %dma_start3A_203 : memref<1x128xi32, #tpu.memory_space<vmem>> -> memref<128xi32, #tpu.memory_space<vmem>>
      tpu.enqueue_dma source(%dma_start3A_204 : memref<128xi32, #tpu.memory_space<vmem>>) target(%dma_start3A_201 : memref<128xi32, #tpu.memory_space<hbm>>) target_semaphore(%run_scoped3A_196 : memref<!tpu.dma_semaphore, #tpu.memory_space<semaphore_mem>>)
      %dma_wait3A_205 = arith.constant 0 : i32
      %dma_wait3A_206 = tpu.memref_slice %arg13[%run_scoped3A_186, %dma_wait3A_205] : memref<4x128xi32, #tpu.memory_space<vmem>> -> memref<1x128xi32, #tpu.memory_space<vmem>>
      %dma_wait3A_207 = tpu.memref_squeeze %dma_wait3A_206 : memref<1x128xi32, #tpu.memory_space<vmem>> -> memref<128xi32, #tpu.memory_space<vmem>>
      %dma_wait3A_208 = tpu.memref_slice %arg7[%add3A_185] : memref<16384xi32, #tpu.memory_space<hbm>> -> memref<128xi32, #tpu.memory_space<hbm>>
      %dma_wait3A_209 = tpu.memref_slice %arg7[%add3A_185] : memref<16384xi32, #tpu.memory_space<hbm>> -> memref<128xi32, #tpu.memory_space<hbm>>
      %dma_wait3A_210 = arith.constant 0 : i32
      %dma_wait3A_211 = tpu.memref_slice %arg13[%run_scoped3A_186, %dma_wait3A_210] : memref<4x128xi32, #tpu.memory_space<vmem>> -> memref<1x128xi32, #tpu.memory_space<vmem>>
      %dma_wait3A_212 = tpu.memref_squeeze %dma_wait3A_211 : memref<1x128xi32, #tpu.memory_space<vmem>> -> memref<128xi32, #tpu.memory_space<vmem>>
      tpu.wait_dma2 semaphore(%run_scoped3A_196 : memref<!tpu.dma_semaphore, #tpu.memory_space<semaphore_mem>>) src(%dma_wait3A_212 : memref<128xi32, #tpu.memory_space<vmem>>) dst(%dma_wait3A_209 : memref<128xi32, #tpu.memory_space<hbm>>)
      tpu.yield
    }) : () -> ()
    %add3A_187 = arith.constant 128 : i32
    %add3A_188 = arith.addi %mul3A_2, %add3A_187 : i32
    %run_scoped3A_189 = arith.constant 1 : i32
    "tpu.region"() ({
      %run_scoped3A_196 = tpu.sem_alloc : memref<!tpu.dma_semaphore, #tpu.memory_space<semaphore_mem>>
      %dma_start3A_197 = arith.constant 0 : i32
      %dma_start3A_198 = tpu.memref_slice %arg13[%run_scoped3A_189, %dma_start3A_197] : memref<4x128xi32, #tpu.memory_space<vmem>> -> memref<1x128xi32, #tpu.memory_space<vmem>>
      %dma_start3A_199 = tpu.memref_squeeze %dma_start3A_198 : memref<1x128xi32, #tpu.memory_space<vmem>> -> memref<128xi32, #tpu.memory_space<vmem>>
      %dma_start3A_200 = tpu.memref_slice %arg7[%add3A_188] : memref<16384xi32, #tpu.memory_space<hbm>> -> memref<128xi32, #tpu.memory_space<hbm>>
      %dma_start3A_201 = tpu.memref_slice %arg7[%add3A_188] : memref<16384xi32, #tpu.memory_space<hbm>> -> memref<128xi32, #tpu.memory_space<hbm>>
      %dma_start3A_202 = arith.constant 0 : i32
      %dma_start3A_203 = tpu.memref_slice %arg13[%run_scoped3A_189, %dma_start3A_202] : memref<4x128xi32, #tpu.memory_space<vmem>> -> memref<1x128xi32, #tpu.memory_space<vmem>>
      %dma_start3A_204 = tpu.memref_squeeze %dma_start3A_203 : memref<1x128xi32, #tpu.memory_space<vmem>> -> memref<128xi32, #tpu.memory_space<vmem>>
      tpu.enqueue_dma source(%dma_start3A_204 : memref<128xi32, #tpu.memory_space<vmem>>) target(%dma_start3A_201 : memref<128xi32, #tpu.memory_space<hbm>>) target_semaphore(%run_scoped3A_196 : memref<!tpu.dma_semaphore, #tpu.memory_space<semaphore_mem>>)
      %dma_wait3A_205 = arith.constant 0 : i32
      %dma_wait3A_206 = tpu.memref_slice %arg13[%run_scoped3A_189, %dma_wait3A_205] : memref<4x128xi32, #tpu.memory_space<vmem>> -> memref<1x128xi32, #tpu.memory_space<vmem>>
      %dma_wait3A_207 = tpu.memref_squeeze %dma_wait3A_206 : memref<1x128xi32, #tpu.memory_space<vmem>> -> memref<128xi32, #tpu.memory_space<vmem>>
      %dma_wait3A_208 = tpu.memref_slice %arg7[%add3A_188] : memref<16384xi32, #tpu.memory_space<hbm>> -> memref<128xi32, #tpu.memory_space<hbm>>
      %dma_wait3A_209 = tpu.memref_slice %arg7[%add3A_188] : memref<16384xi32, #tpu.memory_space<hbm>> -> memref<128xi32, #tpu.memory_space<hbm>>
      %dma_wait3A_210 = arith.constant 0 : i32
      %dma_wait3A_211 = tpu.memref_slice %arg13[%run_scoped3A_189, %dma_wait3A_210] : memref<4x128xi32, #tpu.memory_space<vmem>> -> memref<1x128xi32, #tpu.memory_space<vmem>>
      %dma_wait3A_212 = tpu.memref_squeeze %dma_wait3A_211 : memref<1x128xi32, #tpu.memory_space<vmem>> -> memref<128xi32, #tpu.memory_space<vmem>>
      tpu.wait_dma2 semaphore(%run_scoped3A_196 : memref<!tpu.dma_semaphore, #tpu.memory_space<semaphore_mem>>) src(%dma_wait3A_212 : memref<128xi32, #tpu.memory_space<vmem>>) dst(%dma_wait3A_209 : memref<128xi32, #tpu.memory_space<hbm>>)
      tpu.yield
    }) : () -> ()
    %add3A_190 = arith.constant 256 : i32
    %add3A_191 = arith.addi %mul3A_2, %add3A_190 : i32
    %run_scoped3A_192 = arith.constant 2 : i32
    "tpu.region"() ({
      %run_scoped3A_196 = tpu.sem_alloc : memref<!tpu.dma_semaphore, #tpu.memory_space<semaphore_mem>>
      %dma_start3A_197 = arith.constant 0 : i32
      %dma_start3A_198 = tpu.memref_slice %arg13[%run_scoped3A_192, %dma_start3A_197] : memref<4x128xi32, #tpu.memory_space<vmem>> -> memref<1x128xi32, #tpu.memory_space<vmem>>
      %dma_start3A_199 = tpu.memref_squeeze %dma_start3A_198 : memref<1x128xi32, #tpu.memory_space<vmem>> -> memref<128xi32, #tpu.memory_space<vmem>>
      %dma_start3A_200 = tpu.memref_slice %arg7[%add3A_191] : memref<16384xi32, #tpu.memory_space<hbm>> -> memref<128xi32, #tpu.memory_space<hbm>>
      %dma_start3A_201 = tpu.memref_slice %arg7[%add3A_191] : memref<16384xi32, #tpu.memory_space<hbm>> -> memref<128xi32, #tpu.memory_space<hbm>>
      %dma_start3A_202 = arith.constant 0 : i32
      %dma_start3A_203 = tpu.memref_slice %arg13[%run_scoped3A_192, %dma_start3A_202] : memref<4x128xi32, #tpu.memory_space<vmem>> -> memref<1x128xi32, #tpu.memory_space<vmem>>
      %dma_start3A_204 = tpu.memref_squeeze %dma_start3A_203 : memref<1x128xi32, #tpu.memory_space<vmem>> -> memref<128xi32, #tpu.memory_space<vmem>>
      tpu.enqueue_dma source(%dma_start3A_204 : memref<128xi32, #tpu.memory_space<vmem>>) target(%dma_start3A_201 : memref<128xi32, #tpu.memory_space<hbm>>) target_semaphore(%run_scoped3A_196 : memref<!tpu.dma_semaphore, #tpu.memory_space<semaphore_mem>>)
      %dma_wait3A_205 = arith.constant 0 : i32
      %dma_wait3A_206 = tpu.memref_slice %arg13[%run_scoped3A_192, %dma_wait3A_205] : memref<4x128xi32, #tpu.memory_space<vmem>> -> memref<1x128xi32, #tpu.memory_space<vmem>>
      %dma_wait3A_207 = tpu.memref_squeeze %dma_wait3A_206 : memref<1x128xi32, #tpu.memory_space<vmem>> -> memref<128xi32, #tpu.memory_space<vmem>>
      %dma_wait3A_208 = tpu.memref_slice %arg7[%add3A_191] : memref<16384xi32, #tpu.memory_space<hbm>> -> memref<128xi32, #tpu.memory_space<hbm>>
      %dma_wait3A_209 = tpu.memref_slice %arg7[%add3A_191] : memref<16384xi32, #tpu.memory_space<hbm>> -> memref<128xi32, #tpu.memory_space<hbm>>
      %dma_wait3A_210 = arith.constant 0 : i32
      %dma_wait3A_211 = tpu.memref_slice %arg13[%run_scoped3A_192, %dma_wait3A_210] : memref<4x128xi32, #tpu.memory_space<vmem>> -> memref<1x128xi32, #tpu.memory_space<vmem>>
      %dma_wait3A_212 = tpu.memref_squeeze %dma_wait3A_211 : memref<1x128xi32, #tpu.memory_space<vmem>> -> memref<128xi32, #tpu.memory_space<vmem>>
      tpu.wait_dma2 semaphore(%run_scoped3A_196 : memref<!tpu.dma_semaphore, #tpu.memory_space<semaphore_mem>>) src(%dma_wait3A_212 : memref<128xi32, #tpu.memory_space<vmem>>) dst(%dma_wait3A_209 : memref<128xi32, #tpu.memory_space<hbm>>)
      tpu.yield
    }) : () -> ()
    %add3A_193 = arith.constant 384 : i32
    %add3A_194 = arith.addi %mul3A_2, %add3A_193 : i32
    %run_scoped3A_195 = arith.constant 3 : i32
    "tpu.region"() ({
      %run_scoped3A_196 = tpu.sem_alloc : memref<!tpu.dma_semaphore, #tpu.memory_space<semaphore_mem>>
      %dma_start3A_197 = arith.constant 0 : i32
      %dma_start3A_198 = tpu.memref_slice %arg13[%run_scoped3A_195, %dma_start3A_197] : memref<4x128xi32, #tpu.memory_space<vmem>> -> memref<1x128xi32, #tpu.memory_space<vmem>>
      %dma_start3A_199 = tpu.memref_squeeze %dma_start3A_198 : memref<1x128xi32, #tpu.memory_space<vmem>> -> memref<128xi32, #tpu.memory_space<vmem>>
      %dma_start3A_200 = tpu.memref_slice %arg7[%add3A_194] : memref<16384xi32, #tpu.memory_space<hbm>> -> memref<128xi32, #tpu.memory_space<hbm>>
      %dma_start3A_201 = tpu.memref_slice %arg7[%add3A_194] : memref<16384xi32, #tpu.memory_space<hbm>> -> memref<128xi32, #tpu.memory_space<hbm>>
      %dma_start3A_202 = arith.constant 0 : i32
      %dma_start3A_203 = tpu.memref_slice %arg13[%run_scoped3A_195, %dma_start3A_202] : memref<4x128xi32, #tpu.memory_space<vmem>> -> memref<1x128xi32, #tpu.memory_space<vmem>>
      %dma_start3A_204 = tpu.memref_squeeze %dma_start3A_203 : memref<1x128xi32, #tpu.memory_space<vmem>> -> memref<128xi32, #tpu.memory_space<vmem>>
      tpu.enqueue_dma source(%dma_start3A_204 : memref<128xi32, #tpu.memory_space<vmem>>) target(%dma_start3A_201 : memref<128xi32, #tpu.memory_space<hbm>>) target_semaphore(%run_scoped3A_196 : memref<!tpu.dma_semaphore, #tpu.memory_space<semaphore_mem>>)
      %dma_wait3A_205 = arith.constant 0 : i32
      %dma_wait3A_206 = tpu.memref_slice %arg13[%run_scoped3A_195, %dma_wait3A_205] : memref<4x128xi32, #tpu.memory_space<vmem>> -> memref<1x128xi32, #tpu.memory_space<vmem>>
      %dma_wait3A_207 = tpu.memref_squeeze %dma_wait3A_206 : memref<1x128xi32, #tpu.memory_space<vmem>> -> memref<128xi32, #tpu.memory_space<vmem>>
      %dma_wait3A_208 = tpu.memref_slice %arg7[%add3A_194] : memref<16384xi32, #tpu.memory_space<hbm>> -> memref<128xi32, #tpu.memory_space<hbm>>
      %dma_wait3A_209 = tpu.memref_slice %arg7[%add3A_194] : memref<16384xi32, #tpu.memory_space<hbm>> -> memref<128xi32, #tpu.memory_space<hbm>>
      %dma_wait3A_210 = arith.constant 0 : i32
      %dma_wait3A_211 = tpu.memref_slice %arg13[%run_scoped3A_195, %dma_wait3A_210] : memref<4x128xi32, #tpu.memory_space<vmem>> -> memref<1x128xi32, #tpu.memory_space<vmem>>
      %dma_wait3A_212 = tpu.memref_squeeze %dma_wait3A_211 : memref<1x128xi32, #tpu.memory_space<vmem>> -> memref<128xi32, #tpu.memory_space<vmem>>
      tpu.wait_dma2 semaphore(%run_scoped3A_196 : memref<!tpu.dma_semaphore, #tpu.memory_space<semaphore_mem>>) src(%dma_wait3A_212 : memref<128xi32, #tpu.memory_space<vmem>>) dst(%dma_wait3A_209 : memref<128xi32, #tpu.memory_space<hbm>>)
      tpu.yield
    }) : () -> ()
    return
  }
}

#map = affine_map<(d0, d1) -> (0)>
#map1 = affine_map<(d0, d1) -> (0, 0)>
module attributes {stable_mosaic.version = 14 : i64} {
  func.func @new_body(%arg0: i32, %arg1: i32, %arg2: memref<16384xi32, #tpu.memory_space<hbm>>, %arg3: memref<16384xi32, #tpu.memory_space<hbm>>, %arg4: memref<1000000xi32, #tpu.memory_space<hbm>>, %arg5: memref<16384x64xf32, #tpu.memory_space<hbm>>, %arg6: memref<16384xi32, #tpu.memory_space<hbm>>, %arg7: memref<1001472x64xf32, #tpu.memory_space<hbm>>, %arg8: memref<1000000xi32, #tpu.memory_space<hbm>>, %arg9: memref<1001472x64xf32, #tpu.memory_space<hbm>>, %arg10: memref<1000000xi32, #tpu.memory_space<hbm>>, %arg11: memref<4x128xi32, #tpu.memory_space<vmem>>, %arg12: memref<4x128xi32, #tpu.memory_space<vmem>>, %arg13: memref<4x128xi32, #tpu.memory_space<vmem>>, %arg14: memref<512x64xf32, #tpu.memory_space<vmem>>, %arg15: memref<4x128xi32, #tpu.memory_space<vmem>>, %arg16: memref<!tpu.dma_semaphore, #tpu.memory_space<semaphore_mem>>) attributes {dimension_semantics = [#tpu.dimension_semantics<core_parallel>, #tpu.dimension_semantics<subcore_parallel>], iteration_bounds = array<i64: 2, 16>, scalar_prefetch = 0 : i64, scratch_operands = 6 : i64, tpu.core_type = #tpu.core_type<sc_vector_subcore>, window_params = [{transform_indices = #map}, {transform_indices = #map}, {transform_indices = #map}, {transform_indices = #map1}, {transform_indices = #map}, {transform_indices = #map1}, {transform_indices = #map}, {transform_indices = #map1}, {transform_indices = #map}]} {
    %mul3A = arith.constant 2 : i32
    %mul3A_0 = arith.muli %arg1, %mul3A : i32
    %add3A = arith.addi %mul3A_0, %arg0 : i32
    %mul3A_1 = arith.constant 512 : i32
    %mul3A_2 = arith.muli %add3A, %mul3A_1 : i32
    %add3A_3 = arith.constant 0 : i32
    %add3A_4 = arith.addi %mul3A_2, %add3A_3 : i32
    %run_scoped3A = arith.constant 0 : i32
    "tpu.region"() ({
      %run_scoped3A_424 = tpu.sem_alloc : memref<!tpu.dma_semaphore, #tpu.memory_space<semaphore_mem>>
      %dma_start3A_425 = arith.constant 0 : i32
      %dma_start3A_426 = tpu.memref_slice %arg11[%run_scoped3A, %dma_start3A_425] : memref<4x128xi32, #tpu.memory_space<vmem>> -> memref<1x128xi32, #tpu.memory_space<vmem>>
      %dma_start3A_427 = tpu.memref_squeeze %dma_start3A_426 : memref<1x128xi32, #tpu.memory_space<vmem>> -> memref<128xi32, #tpu.memory_space<vmem>>
      %dma_start3A_428 = tpu.memref_slice %arg2[%add3A_4] : memref<16384xi32, #tpu.memory_space<hbm>> -> memref<128xi32, #tpu.memory_space<hbm>>
      %dma_start3A_429 = arith.constant 0 : i32
      %dma_start3A_430 = tpu.memref_slice %arg11[%run_scoped3A, %dma_start3A_429] : memref<4x128xi32, #tpu.memory_space<vmem>> -> memref<1x128xi32, #tpu.memory_space<vmem>>
      %dma_start3A_431 = tpu.memref_squeeze %dma_start3A_430 : memref<1x128xi32, #tpu.memory_space<vmem>> -> memref<128xi32, #tpu.memory_space<vmem>>
      %dma_start3A_432 = tpu.memref_slice %arg2[%add3A_4] : memref<16384xi32, #tpu.memory_space<hbm>> -> memref<128xi32, #tpu.memory_space<hbm>>
      tpu.enqueue_dma source(%dma_start3A_432 : memref<128xi32, #tpu.memory_space<hbm>>) target(%dma_start3A_431 : memref<128xi32, #tpu.memory_space<vmem>>) target_semaphore(%run_scoped3A_424 : memref<!tpu.dma_semaphore, #tpu.memory_space<semaphore_mem>>)
      %dma_wait3A_433 = arith.constant 0 : i32
      %dma_wait3A_434 = tpu.memref_slice %arg11[%run_scoped3A, %dma_wait3A_433] : memref<4x128xi32, #tpu.memory_space<vmem>> -> memref<1x128xi32, #tpu.memory_space<vmem>>
      %dma_wait3A_435 = tpu.memref_squeeze %dma_wait3A_434 : memref<1x128xi32, #tpu.memory_space<vmem>> -> memref<128xi32, #tpu.memory_space<vmem>>
      %dma_wait3A_436 = tpu.memref_slice %arg2[%add3A_4] : memref<16384xi32, #tpu.memory_space<hbm>> -> memref<128xi32, #tpu.memory_space<hbm>>
      %dma_wait3A_437 = arith.constant 0 : i32
      %dma_wait3A_438 = tpu.memref_slice %arg11[%run_scoped3A, %dma_wait3A_437] : memref<4x128xi32, #tpu.memory_space<vmem>> -> memref<1x128xi32, #tpu.memory_space<vmem>>
      %dma_wait3A_439 = tpu.memref_squeeze %dma_wait3A_438 : memref<1x128xi32, #tpu.memory_space<vmem>> -> memref<128xi32, #tpu.memory_space<vmem>>
      %dma_wait3A_440 = tpu.memref_slice %arg2[%add3A_4] : memref<16384xi32, #tpu.memory_space<hbm>> -> memref<128xi32, #tpu.memory_space<hbm>>
      tpu.wait_dma2 semaphore(%run_scoped3A_424 : memref<!tpu.dma_semaphore, #tpu.memory_space<semaphore_mem>>) src(%dma_wait3A_440 : memref<128xi32, #tpu.memory_space<hbm>>) dst(%dma_wait3A_439 : memref<128xi32, #tpu.memory_space<vmem>>)
      tpu.yield
    }) : () -> ()
    %add3A_5 = arith.constant 0 : i32
    %add3A_6 = arith.addi %mul3A_2, %add3A_5 : i32
    %run_scoped3A_7 = arith.constant 0 : i32
    "tpu.region"() ({
      %run_scoped3A_424 = tpu.sem_alloc : memref<!tpu.dma_semaphore, #tpu.memory_space<semaphore_mem>>
      %dma_start3A_425 = arith.constant 0 : i32
      %dma_start3A_426 = tpu.memref_slice %arg12[%run_scoped3A_7, %dma_start3A_425] : memref<4x128xi32, #tpu.memory_space<vmem>> -> memref<1x128xi32, #tpu.memory_space<vmem>>
      %dma_start3A_427 = tpu.memref_squeeze %dma_start3A_426 : memref<1x128xi32, #tpu.memory_space<vmem>> -> memref<128xi32, #tpu.memory_space<vmem>>
      %dma_start3A_428 = tpu.memref_slice %arg3[%add3A_6] : memref<16384xi32, #tpu.memory_space<hbm>> -> memref<128xi32, #tpu.memory_space<hbm>>
      %dma_start3A_429 = arith.constant 0 : i32
      %dma_start3A_430 = tpu.memref_slice %arg12[%run_scoped3A_7, %dma_start3A_429] : memref<4x128xi32, #tpu.memory_space<vmem>> -> memref<1x128xi32, #tpu.memory_space<vmem>>
      %dma_start3A_431 = tpu.memref_squeeze %dma_start3A_430 : memref<1x128xi32, #tpu.memory_space<vmem>> -> memref<128xi32, #tpu.memory_space<vmem>>
      %dma_start3A_432 = tpu.memref_slice %arg3[%add3A_6] : memref<16384xi32, #tpu.memory_space<hbm>> -> memref<128xi32, #tpu.memory_space<hbm>>
      tpu.enqueue_dma source(%dma_start3A_432 : memref<128xi32, #tpu.memory_space<hbm>>) target(%dma_start3A_431 : memref<128xi32, #tpu.memory_space<vmem>>) target_semaphore(%run_scoped3A_424 : memref<!tpu.dma_semaphore, #tpu.memory_space<semaphore_mem>>)
      %dma_wait3A_433 = arith.constant 0 : i32
      %dma_wait3A_434 = tpu.memref_slice %arg12[%run_scoped3A_7, %dma_wait3A_433] : memref<4x128xi32, #tpu.memory_space<vmem>> -> memref<1x128xi32, #tpu.memory_space<vmem>>
      %dma_wait3A_435 = tpu.memref_squeeze %dma_wait3A_434 : memref<1x128xi32, #tpu.memory_space<vmem>> -> memref<128xi32, #tpu.memory_space<vmem>>
      %dma_wait3A_436 = tpu.memref_slice %arg3[%add3A_6] : memref<16384xi32, #tpu.memory_space<hbm>> -> memref<128xi32, #tpu.memory_space<hbm>>
      %dma_wait3A_437 = arith.constant 0 : i32
      %dma_wait3A_438 = tpu.memref_slice %arg12[%run_scoped3A_7, %dma_wait3A_437] : memref<4x128xi32, #tpu.memory_space<vmem>> -> memref<1x128xi32, #tpu.memory_space<vmem>>
      %dma_wait3A_439 = tpu.memref_squeeze %dma_wait3A_438 : memref<1x128xi32, #tpu.memory_space<vmem>> -> memref<128xi32, #tpu.memory_space<vmem>>
      %dma_wait3A_440 = tpu.memref_slice %arg3[%add3A_6] : memref<16384xi32, #tpu.memory_space<hbm>> -> memref<128xi32, #tpu.memory_space<hbm>>
      tpu.wait_dma2 semaphore(%run_scoped3A_424 : memref<!tpu.dma_semaphore, #tpu.memory_space<semaphore_mem>>) src(%dma_wait3A_440 : memref<128xi32, #tpu.memory_space<hbm>>) dst(%dma_wait3A_439 : memref<128xi32, #tpu.memory_space<vmem>>)
      tpu.yield
    }) : () -> ()
    %add3A_8 = arith.constant 128 : i32
    %add3A_9 = arith.addi %mul3A_2, %add3A_8 : i32
    %run_scoped3A_10 = arith.constant 1 : i32
    "tpu.region"() ({
      %run_scoped3A_424 = tpu.sem_alloc : memref<!tpu.dma_semaphore, #tpu.memory_space<semaphore_mem>>
      %dma_start3A_425 = arith.constant 0 : i32
      %dma_start3A_426 = tpu.memref_slice %arg11[%run_scoped3A_10, %dma_start3A_425] : memref<4x128xi32, #tpu.memory_space<vmem>> -> memref<1x128xi32, #tpu.memory_space<vmem>>
      %dma_start3A_427 = tpu.memref_squeeze %dma_start3A_426 : memref<1x128xi32, #tpu.memory_space<vmem>> -> memref<128xi32, #tpu.memory_space<vmem>>
      %dma_start3A_428 = tpu.memref_slice %arg2[%add3A_9] : memref<16384xi32, #tpu.memory_space<hbm>> -> memref<128xi32, #tpu.memory_space<hbm>>
      %dma_start3A_429 = arith.constant 0 : i32
      %dma_start3A_430 = tpu.memref_slice %arg11[%run_scoped3A_10, %dma_start3A_429] : memref<4x128xi32, #tpu.memory_space<vmem>> -> memref<1x128xi32, #tpu.memory_space<vmem>>
      %dma_start3A_431 = tpu.memref_squeeze %dma_start3A_430 : memref<1x128xi32, #tpu.memory_space<vmem>> -> memref<128xi32, #tpu.memory_space<vmem>>
      %dma_start3A_432 = tpu.memref_slice %arg2[%add3A_9] : memref<16384xi32, #tpu.memory_space<hbm>> -> memref<128xi32, #tpu.memory_space<hbm>>
      tpu.enqueue_dma source(%dma_start3A_432 : memref<128xi32, #tpu.memory_space<hbm>>) target(%dma_start3A_431 : memref<128xi32, #tpu.memory_space<vmem>>) target_semaphore(%run_scoped3A_424 : memref<!tpu.dma_semaphore, #tpu.memory_space<semaphore_mem>>)
      %dma_wait3A_433 = arith.constant 0 : i32
      %dma_wait3A_434 = tpu.memref_slice %arg11[%run_scoped3A_10, %dma_wait3A_433] : memref<4x128xi32, #tpu.memory_space<vmem>> -> memref<1x128xi32, #tpu.memory_space<vmem>>
      %dma_wait3A_435 = tpu.memref_squeeze %dma_wait3A_434 : memref<1x128xi32, #tpu.memory_space<vmem>> -> memref<128xi32, #tpu.memory_space<vmem>>
      %dma_wait3A_436 = tpu.memref_slice %arg2[%add3A_9] : memref<16384xi32, #tpu.memory_space<hbm>> -> memref<128xi32, #tpu.memory_space<hbm>>
      %dma_wait3A_437 = arith.constant 0 : i32
      %dma_wait3A_438 = tpu.memref_slice %arg11[%run_scoped3A_10, %dma_wait3A_437] : memref<4x128xi32, #tpu.memory_space<vmem>> -> memref<1x128xi32, #tpu.memory_space<vmem>>
      %dma_wait3A_439 = tpu.memref_squeeze %dma_wait3A_438 : memref<1x128xi32, #tpu.memory_space<vmem>> -> memref<128xi32, #tpu.memory_space<vmem>>
      %dma_wait3A_440 = tpu.memref_slice %arg2[%add3A_9] : memref<16384xi32, #tpu.memory_space<hbm>> -> memref<128xi32, #tpu.memory_space<hbm>>
      tpu.wait_dma2 semaphore(%run_scoped3A_424 : memref<!tpu.dma_semaphore, #tpu.memory_space<semaphore_mem>>) src(%dma_wait3A_440 : memref<128xi32, #tpu.memory_space<hbm>>) dst(%dma_wait3A_439 : memref<128xi32, #tpu.memory_space<vmem>>)
      tpu.yield
    }) : () -> ()
    %add3A_11 = arith.constant 128 : i32
    %add3A_12 = arith.addi %mul3A_2, %add3A_11 : i32
    %run_scoped3A_13 = arith.constant 1 : i32
    "tpu.region"() ({
      %run_scoped3A_424 = tpu.sem_alloc : memref<!tpu.dma_semaphore, #tpu.memory_space<semaphore_mem>>
      %dma_start3A_425 = arith.constant 0 : i32
      %dma_start3A_426 = tpu.memref_slice %arg12[%run_scoped3A_13, %dma_start3A_425] : memref<4x128xi32, #tpu.memory_space<vmem>> -> memref<1x128xi32, #tpu.memory_space<vmem>>
      %dma_start3A_427 = tpu.memref_squeeze %dma_start3A_426 : memref<1x128xi32, #tpu.memory_space<vmem>> -> memref<128xi32, #tpu.memory_space<vmem>>
      %dma_start3A_428 = tpu.memref_slice %arg3[%add3A_12] : memref<16384xi32, #tpu.memory_space<hbm>> -> memref<128xi32, #tpu.memory_space<hbm>>
      %dma_start3A_429 = arith.constant 0 : i32
      %dma_start3A_430 = tpu.memref_slice %arg12[%run_scoped3A_13, %dma_start3A_429] : memref<4x128xi32, #tpu.memory_space<vmem>> -> memref<1x128xi32, #tpu.memory_space<vmem>>
      %dma_start3A_431 = tpu.memref_squeeze %dma_start3A_430 : memref<1x128xi32, #tpu.memory_space<vmem>> -> memref<128xi32, #tpu.memory_space<vmem>>
      %dma_start3A_432 = tpu.memref_slice %arg3[%add3A_12] : memref<16384xi32, #tpu.memory_space<hbm>> -> memref<128xi32, #tpu.memory_space<hbm>>
      tpu.enqueue_dma source(%dma_start3A_432 : memref<128xi32, #tpu.memory_space<hbm>>) target(%dma_start3A_431 : memref<128xi32, #tpu.memory_space<vmem>>) target_semaphore(%run_scoped3A_424 : memref<!tpu.dma_semaphore, #tpu.memory_space<semaphore_mem>>)
      %dma_wait3A_433 = arith.constant 0 : i32
      %dma_wait3A_434 = tpu.memref_slice %arg12[%run_scoped3A_13, %dma_wait3A_433] : memref<4x128xi32, #tpu.memory_space<vmem>> -> memref<1x128xi32, #tpu.memory_space<vmem>>
      %dma_wait3A_435 = tpu.memref_squeeze %dma_wait3A_434 : memref<1x128xi32, #tpu.memory_space<vmem>> -> memref<128xi32, #tpu.memory_space<vmem>>
      %dma_wait3A_436 = tpu.memref_slice %arg3[%add3A_12] : memref<16384xi32, #tpu.memory_space<hbm>> -> memref<128xi32, #tpu.memory_space<hbm>>
      %dma_wait3A_437 = arith.constant 0 : i32
      %dma_wait3A_438 = tpu.memref_slice %arg12[%run_scoped3A_13, %dma_wait3A_437] : memref<4x128xi32, #tpu.memory_space<vmem>> -> memref<1x128xi32, #tpu.memory_space<vmem>>
      %dma_wait3A_439 = tpu.memref_squeeze %dma_wait3A_438 : memref<1x128xi32, #tpu.memory_space<vmem>> -> memref<128xi32, #tpu.memory_space<vmem>>
      %dma_wait3A_440 = tpu.memref_slice %arg3[%add3A_12] : memref<16384xi32, #tpu.memory_space<hbm>> -> memref<128xi32, #tpu.memory_space<hbm>>
      tpu.wait_dma2 semaphore(%run_scoped3A_424 : memref<!tpu.dma_semaphore, #tpu.memory_space<semaphore_mem>>) src(%dma_wait3A_440 : memref<128xi32, #tpu.memory_space<hbm>>) dst(%dma_wait3A_439 : memref<128xi32, #tpu.memory_space<vmem>>)
      tpu.yield
    }) : () -> ()
    %add3A_14 = arith.constant 256 : i32
    %add3A_15 = arith.addi %mul3A_2, %add3A_14 : i32
    %run_scoped3A_16 = arith.constant 2 : i32
    "tpu.region"() ({
      %run_scoped3A_424 = tpu.sem_alloc : memref<!tpu.dma_semaphore, #tpu.memory_space<semaphore_mem>>
      %dma_start3A_425 = arith.constant 0 : i32
      %dma_start3A_426 = tpu.memref_slice %arg11[%run_scoped3A_16, %dma_start3A_425] : memref<4x128xi32, #tpu.memory_space<vmem>> -> memref<1x128xi32, #tpu.memory_space<vmem>>
      %dma_start3A_427 = tpu.memref_squeeze %dma_start3A_426 : memref<1x128xi32, #tpu.memory_space<vmem>> -> memref<128xi32, #tpu.memory_space<vmem>>
      %dma_start3A_428 = tpu.memref_slice %arg2[%add3A_15] : memref<16384xi32, #tpu.memory_space<hbm>> -> memref<128xi32, #tpu.memory_space<hbm>>
      %dma_start3A_429 = arith.constant 0 : i32
      %dma_start3A_430 = tpu.memref_slice %arg11[%run_scoped3A_16, %dma_start3A_429] : memref<4x128xi32, #tpu.memory_space<vmem>> -> memref<1x128xi32, #tpu.memory_space<vmem>>
      %dma_start3A_431 = tpu.memref_squeeze %dma_start3A_430 : memref<1x128xi32, #tpu.memory_space<vmem>> -> memref<128xi32, #tpu.memory_space<vmem>>
      %dma_start3A_432 = tpu.memref_slice %arg2[%add3A_15] : memref<16384xi32, #tpu.memory_space<hbm>> -> memref<128xi32, #tpu.memory_space<hbm>>
      tpu.enqueue_dma source(%dma_start3A_432 : memref<128xi32, #tpu.memory_space<hbm>>) target(%dma_start3A_431 : memref<128xi32, #tpu.memory_space<vmem>>) target_semaphore(%run_scoped3A_424 : memref<!tpu.dma_semaphore, #tpu.memory_space<semaphore_mem>>)
      %dma_wait3A_433 = arith.constant 0 : i32
      %dma_wait3A_434 = tpu.memref_slice %arg11[%run_scoped3A_16, %dma_wait3A_433] : memref<4x128xi32, #tpu.memory_space<vmem>> -> memref<1x128xi32, #tpu.memory_space<vmem>>
      %dma_wait3A_435 = tpu.memref_squeeze %dma_wait3A_434 : memref<1x128xi32, #tpu.memory_space<vmem>> -> memref<128xi32, #tpu.memory_space<vmem>>
      %dma_wait3A_436 = tpu.memref_slice %arg2[%add3A_15] : memref<16384xi32, #tpu.memory_space<hbm>> -> memref<128xi32, #tpu.memory_space<hbm>>
      %dma_wait3A_437 = arith.constant 0 : i32
      %dma_wait3A_438 = tpu.memref_slice %arg11[%run_scoped3A_16, %dma_wait3A_437] : memref<4x128xi32, #tpu.memory_space<vmem>> -> memref<1x128xi32, #tpu.memory_space<vmem>>
      %dma_wait3A_439 = tpu.memref_squeeze %dma_wait3A_438 : memref<1x128xi32, #tpu.memory_space<vmem>> -> memref<128xi32, #tpu.memory_space<vmem>>
      %dma_wait3A_440 = tpu.memref_slice %arg2[%add3A_15] : memref<16384xi32, #tpu.memory_space<hbm>> -> memref<128xi32, #tpu.memory_space<hbm>>
      tpu.wait_dma2 semaphore(%run_scoped3A_424 : memref<!tpu.dma_semaphore, #tpu.memory_space<semaphore_mem>>) src(%dma_wait3A_440 : memref<128xi32, #tpu.memory_space<hbm>>) dst(%dma_wait3A_439 : memref<128xi32, #tpu.memory_space<vmem>>)
      tpu.yield
    }) : () -> ()
    %add3A_17 = arith.constant 256 : i32
    %add3A_18 = arith.addi %mul3A_2, %add3A_17 : i32
    %run_scoped3A_19 = arith.constant 2 : i32
    "tpu.region"() ({
      %run_scoped3A_424 = tpu.sem_alloc : memref<!tpu.dma_semaphore, #tpu.memory_space<semaphore_mem>>
      %dma_start3A_425 = arith.constant 0 : i32
      %dma_start3A_426 = tpu.memref_slice %arg12[%run_scoped3A_19, %dma_start3A_425] : memref<4x128xi32, #tpu.memory_space<vmem>> -> memref<1x128xi32, #tpu.memory_space<vmem>>
      %dma_start3A_427 = tpu.memref_squeeze %dma_start3A_426 : memref<1x128xi32, #tpu.memory_space<vmem>> -> memref<128xi32, #tpu.memory_space<vmem>>
      %dma_start3A_428 = tpu.memref_slice %arg3[%add3A_18] : memref<16384xi32, #tpu.memory_space<hbm>> -> memref<128xi32, #tpu.memory_space<hbm>>
      %dma_start3A_429 = arith.constant 0 : i32
      %dma_start3A_430 = tpu.memref_slice %arg12[%run_scoped3A_19, %dma_start3A_429] : memref<4x128xi32, #tpu.memory_space<vmem>> -> memref<1x128xi32, #tpu.memory_space<vmem>>
      %dma_start3A_431 = tpu.memref_squeeze %dma_start3A_430 : memref<1x128xi32, #tpu.memory_space<vmem>> -> memref<128xi32, #tpu.memory_space<vmem>>
      %dma_start3A_432 = tpu.memref_slice %arg3[%add3A_18] : memref<16384xi32, #tpu.memory_space<hbm>> -> memref<128xi32, #tpu.memory_space<hbm>>
      tpu.enqueue_dma source(%dma_start3A_432 : memref<128xi32, #tpu.memory_space<hbm>>) target(%dma_start3A_431 : memref<128xi32, #tpu.memory_space<vmem>>) target_semaphore(%run_scoped3A_424 : memref<!tpu.dma_semaphore, #tpu.memory_space<semaphore_mem>>)
      %dma_wait3A_433 = arith.constant 0 : i32
      %dma_wait3A_434 = tpu.memref_slice %arg12[%run_scoped3A_19, %dma_wait3A_433] : memref<4x128xi32, #tpu.memory_space<vmem>> -> memref<1x128xi32, #tpu.memory_space<vmem>>
      %dma_wait3A_435 = tpu.memref_squeeze %dma_wait3A_434 : memref<1x128xi32, #tpu.memory_space<vmem>> -> memref<128xi32, #tpu.memory_space<vmem>>
      %dma_wait3A_436 = tpu.memref_slice %arg3[%add3A_18] : memref<16384xi32, #tpu.memory_space<hbm>> -> memref<128xi32, #tpu.memory_space<hbm>>
      %dma_wait3A_437 = arith.constant 0 : i32
      %dma_wait3A_438 = tpu.memref_slice %arg12[%run_scoped3A_19, %dma_wait3A_437] : memref<4x128xi32, #tpu.memory_space<vmem>> -> memref<1x128xi32, #tpu.memory_space<vmem>>
      %dma_wait3A_439 = tpu.memref_squeeze %dma_wait3A_438 : memref<1x128xi32, #tpu.memory_space<vmem>> -> memref<128xi32, #tpu.memory_space<vmem>>
      %dma_wait3A_440 = tpu.memref_slice %arg3[%add3A_18] : memref<16384xi32, #tpu.memory_space<hbm>> -> memref<128xi32, #tpu.memory_space<hbm>>
      tpu.wait_dma2 semaphore(%run_scoped3A_424 : memref<!tpu.dma_semaphore, #tpu.memory_space<semaphore_mem>>) src(%dma_wait3A_440 : memref<128xi32, #tpu.memory_space<hbm>>) dst(%dma_wait3A_439 : memref<128xi32, #tpu.memory_space<vmem>>)
      tpu.yield
    }) : () -> ()
    %add3A_20 = arith.constant 384 : i32
    %add3A_21 = arith.addi %mul3A_2, %add3A_20 : i32
    %run_scoped3A_22 = arith.constant 3 : i32
    "tpu.region"() ({
      %run_scoped3A_424 = tpu.sem_alloc : memref<!tpu.dma_semaphore, #tpu.memory_space<semaphore_mem>>
      %dma_start3A_425 = arith.constant 0 : i32
      %dma_start3A_426 = tpu.memref_slice %arg11[%run_scoped3A_22, %dma_start3A_425] : memref<4x128xi32, #tpu.memory_space<vmem>> -> memref<1x128xi32, #tpu.memory_space<vmem>>
      %dma_start3A_427 = tpu.memref_squeeze %dma_start3A_426 : memref<1x128xi32, #tpu.memory_space<vmem>> -> memref<128xi32, #tpu.memory_space<vmem>>
      %dma_start3A_428 = tpu.memref_slice %arg2[%add3A_21] : memref<16384xi32, #tpu.memory_space<hbm>> -> memref<128xi32, #tpu.memory_space<hbm>>
      %dma_start3A_429 = arith.constant 0 : i32
      %dma_start3A_430 = tpu.memref_slice %arg11[%run_scoped3A_22, %dma_start3A_429] : memref<4x128xi32, #tpu.memory_space<vmem>> -> memref<1x128xi32, #tpu.memory_space<vmem>>
      %dma_start3A_431 = tpu.memref_squeeze %dma_start3A_430 : memref<1x128xi32, #tpu.memory_space<vmem>> -> memref<128xi32, #tpu.memory_space<vmem>>
      %dma_start3A_432 = tpu.memref_slice %arg2[%add3A_21] : memref<16384xi32, #tpu.memory_space<hbm>> -> memref<128xi32, #tpu.memory_space<hbm>>
      tpu.enqueue_dma source(%dma_start3A_432 : memref<128xi32, #tpu.memory_space<hbm>>) target(%dma_start3A_431 : memref<128xi32, #tpu.memory_space<vmem>>) target_semaphore(%run_scoped3A_424 : memref<!tpu.dma_semaphore, #tpu.memory_space<semaphore_mem>>)
      %dma_wait3A_433 = arith.constant 0 : i32
      %dma_wait3A_434 = tpu.memref_slice %arg11[%run_scoped3A_22, %dma_wait3A_433] : memref<4x128xi32, #tpu.memory_space<vmem>> -> memref<1x128xi32, #tpu.memory_space<vmem>>
      %dma_wait3A_435 = tpu.memref_squeeze %dma_wait3A_434 : memref<1x128xi32, #tpu.memory_space<vmem>> -> memref<128xi32, #tpu.memory_space<vmem>>
      %dma_wait3A_436 = tpu.memref_slice %arg2[%add3A_21] : memref<16384xi32, #tpu.memory_space<hbm>> -> memref<128xi32, #tpu.memory_space<hbm>>
      %dma_wait3A_437 = arith.constant 0 : i32
      %dma_wait3A_438 = tpu.memref_slice %arg11[%run_scoped3A_22, %dma_wait3A_437] : memref<4x128xi32, #tpu.memory_space<vmem>> -> memref<1x128xi32, #tpu.memory_space<vmem>>
      %dma_wait3A_439 = tpu.memref_squeeze %dma_wait3A_438 : memref<1x128xi32, #tpu.memory_space<vmem>> -> memref<128xi32, #tpu.memory_space<vmem>>
      %dma_wait3A_440 = tpu.memref_slice %arg2[%add3A_21] : memref<16384xi32, #tpu.memory_space<hbm>> -> memref<128xi32, #tpu.memory_space<hbm>>
      tpu.wait_dma2 semaphore(%run_scoped3A_424 : memref<!tpu.dma_semaphore, #tpu.memory_space<semaphore_mem>>) src(%dma_wait3A_440 : memref<128xi32, #tpu.memory_space<hbm>>) dst(%dma_wait3A_439 : memref<128xi32, #tpu.memory_space<vmem>>)
      tpu.yield
    }) : () -> ()
    %add3A_23 = arith.constant 384 : i32
    %add3A_24 = arith.addi %mul3A_2, %add3A_23 : i32
    %run_scoped3A_25 = arith.constant 3 : i32
    "tpu.region"() ({
      %run_scoped3A_424 = tpu.sem_alloc : memref<!tpu.dma_semaphore, #tpu.memory_space<semaphore_mem>>
      %dma_start3A_425 = arith.constant 0 : i32
      %dma_start3A_426 = tpu.memref_slice %arg12[%run_scoped3A_25, %dma_start3A_425] : memref<4x128xi32, #tpu.memory_space<vmem>> -> memref<1x128xi32, #tpu.memory_space<vmem>>
      %dma_start3A_427 = tpu.memref_squeeze %dma_start3A_426 : memref<1x128xi32, #tpu.memory_space<vmem>> -> memref<128xi32, #tpu.memory_space<vmem>>
      %dma_start3A_428 = tpu.memref_slice %arg3[%add3A_24] : memref<16384xi32, #tpu.memory_space<hbm>> -> memref<128xi32, #tpu.memory_space<hbm>>
      %dma_start3A_429 = arith.constant 0 : i32
      %dma_start3A_430 = tpu.memref_slice %arg12[%run_scoped3A_25, %dma_start3A_429] : memref<4x128xi32, #tpu.memory_space<vmem>> -> memref<1x128xi32, #tpu.memory_space<vmem>>
      %dma_start3A_431 = tpu.memref_squeeze %dma_start3A_430 : memref<1x128xi32, #tpu.memory_space<vmem>> -> memref<128xi32, #tpu.memory_space<vmem>>
      %dma_start3A_432 = tpu.memref_slice %arg3[%add3A_24] : memref<16384xi32, #tpu.memory_space<hbm>> -> memref<128xi32, #tpu.memory_space<hbm>>
      tpu.enqueue_dma source(%dma_start3A_432 : memref<128xi32, #tpu.memory_space<hbm>>) target(%dma_start3A_431 : memref<128xi32, #tpu.memory_space<vmem>>) target_semaphore(%run_scoped3A_424 : memref<!tpu.dma_semaphore, #tpu.memory_space<semaphore_mem>>)
      %dma_wait3A_433 = arith.constant 0 : i32
      %dma_wait3A_434 = tpu.memref_slice %arg12[%run_scoped3A_25, %dma_wait3A_433] : memref<4x128xi32, #tpu.memory_space<vmem>> -> memref<1x128xi32, #tpu.memory_space<vmem>>
      %dma_wait3A_435 = tpu.memref_squeeze %dma_wait3A_434 : memref<1x128xi32, #tpu.memory_space<vmem>> -> memref<128xi32, #tpu.memory_space<vmem>>
      %dma_wait3A_436 = tpu.memref_slice %arg3[%add3A_24] : memref<16384xi32, #tpu.memory_space<hbm>> -> memref<128xi32, #tpu.memory_space<hbm>>
      %dma_wait3A_437 = arith.constant 0 : i32
      %dma_wait3A_438 = tpu.memref_slice %arg12[%run_scoped3A_25, %dma_wait3A_437] : memref<4x128xi32, #tpu.memory_space<vmem>> -> memref<1x128xi32, #tpu.memory_space<vmem>>
      %dma_wait3A_439 = tpu.memref_squeeze %dma_wait3A_438 : memref<1x128xi32, #tpu.memory_space<vmem>> -> memref<128xi32, #tpu.memory_space<vmem>>
      %dma_wait3A_440 = tpu.memref_slice %arg3[%add3A_24] : memref<16384xi32, #tpu.memory_space<hbm>> -> memref<128xi32, #tpu.memory_space<hbm>>
      tpu.wait_dma2 semaphore(%run_scoped3A_424 : memref<!tpu.dma_semaphore, #tpu.memory_space<semaphore_mem>>) src(%dma_wait3A_440 : memref<128xi32, #tpu.memory_space<hbm>>) dst(%dma_wait3A_439 : memref<128xi32, #tpu.memory_space<vmem>>)
      tpu.yield
    }) : () -> ()
    %dma_start3A = arith.constant 0 : i32
    %dma_start3A_26 = arith.constant 0 : i32
    %dma_start3A_27 = arith.constant 0 : i32
    %dma_start3A_28 = tpu.memref_slice %arg13[%dma_start3A_26, %dma_start3A_27] : memref<4x128xi32, #tpu.memory_space<vmem>> -> memref<1x128xi32, #tpu.memory_space<vmem>>
    %dma_start3A_29 = tpu.memref_squeeze %dma_start3A_28 : memref<1x128xi32, #tpu.memory_space<vmem>> -> memref<128xi32, #tpu.memory_space<vmem>>
    %dma_start3A_30 = arith.constant 0 : i32
    %dma_start3A_31 = tpu.memref_slice %arg11[%dma_start3A, %dma_start3A_30] : memref<4x128xi32, #tpu.memory_space<vmem>> -> memref<1x128xi32, #tpu.memory_space<vmem>>
    %dma_start3A_32 = tpu.memref_squeeze %dma_start3A_31 : memref<1x128xi32, #tpu.memory_space<vmem>> -> memref<128xi32, #tpu.memory_space<vmem>>
    %dma_start3A_33 = arith.constant 0 : i32
    %dma_start3A_34 = tpu.memref_slice %arg4[%dma_start3A_33] : memref<1000000xi32, #tpu.memory_space<hbm>> -> memref<1000000xi32, #tpu.memory_space<hbm>>
    tpu.enqueue_indirect_dma source(%dma_start3A_34 : memref<1000000xi32, #tpu.memory_space<hbm>>) target(%dma_start3A_29 : memref<128xi32, #tpu.memory_space<vmem>>) offsets(%dma_start3A_32 : memref<128xi32, #tpu.memory_space<vmem>>) semaphore(%arg16 : memref<!tpu.dma_semaphore, #tpu.memory_space<semaphore_mem>>)
    %dma_wait3A = arith.constant 0 : i32
    %dma_wait3A_35 = arith.constant 0 : i32
    %dma_wait3A_36 = arith.constant 0 : i32
    %dma_wait3A_37 = tpu.memref_slice %arg13[%dma_wait3A_35, %dma_wait3A_36] : memref<4x128xi32, #tpu.memory_space<vmem>> -> memref<1x128xi32, #tpu.memory_space<vmem>>
    %dma_wait3A_38 = tpu.memref_squeeze %dma_wait3A_37 : memref<1x128xi32, #tpu.memory_space<vmem>> -> memref<128xi32, #tpu.memory_space<vmem>>
    %dma_wait3A_39 = arith.constant 0 : i32
    %dma_wait3A_40 = tpu.memref_slice %arg11[%dma_wait3A, %dma_wait3A_39] : memref<4x128xi32, #tpu.memory_space<vmem>> -> memref<1x128xi32, #tpu.memory_space<vmem>>
    %dma_wait3A_41 = tpu.memref_squeeze %dma_wait3A_40 : memref<1x128xi32, #tpu.memory_space<vmem>> -> memref<128xi32, #tpu.memory_space<vmem>>
    %dma_wait3A_42 = arith.constant 0 : i32
    %dma_wait3A_43 = tpu.memref_slice %arg4[%dma_wait3A_42] : memref<1000000xi32, #tpu.memory_space<hbm>> -> memref<1000000xi32, #tpu.memory_space<hbm>>
    tpu.wait_indirect_dma semaphore(%arg16 : memref<!tpu.dma_semaphore, #tpu.memory_space<semaphore_mem>>) src(%dma_wait3A_43 : memref<1000000xi32, #tpu.memory_space<hbm>>) dst(%dma_wait3A_38 : memref<128xi32, #tpu.memory_space<vmem>>)
    %dma_start3A_44 = arith.constant 1 : i32
    %dma_start3A_45 = arith.constant 1 : i32
    %dma_start3A_46 = arith.constant 0 : i32
    %dma_start3A_47 = tpu.memref_slice %arg13[%dma_start3A_45, %dma_start3A_46] : memref<4x128xi32, #tpu.memory_space<vmem>> -> memref<1x128xi32, #tpu.memory_space<vmem>>
    %dma_start3A_48 = tpu.memref_squeeze %dma_start3A_47 : memref<1x128xi32, #tpu.memory_space<vmem>> -> memref<128xi32, #tpu.memory_space<vmem>>
    %dma_start3A_49 = arith.constant 0 : i32
    %dma_start3A_50 = tpu.memref_slice %arg11[%dma_start3A_44, %dma_start3A_49] : memref<4x128xi32, #tpu.memory_space<vmem>> -> memref<1x128xi32, #tpu.memory_space<vmem>>
    %dma_start3A_51 = tpu.memref_squeeze %dma_start3A_50 : memref<1x128xi32, #tpu.memory_space<vmem>> -> memref<128xi32, #tpu.memory_space<vmem>>
    %dma_start3A_52 = arith.constant 0 : i32
    %dma_start3A_53 = tpu.memref_slice %arg4[%dma_start3A_52] : memref<1000000xi32, #tpu.memory_space<hbm>> -> memref<1000000xi32, #tpu.memory_space<hbm>>
    tpu.enqueue_indirect_dma source(%dma_start3A_53 : memref<1000000xi32, #tpu.memory_space<hbm>>) target(%dma_start3A_48 : memref<128xi32, #tpu.memory_space<vmem>>) offsets(%dma_start3A_51 : memref<128xi32, #tpu.memory_space<vmem>>) semaphore(%arg16 : memref<!tpu.dma_semaphore, #tpu.memory_space<semaphore_mem>>)
    %dma_wait3A_54 = arith.constant 1 : i32
    %dma_wait3A_55 = arith.constant 1 : i32
    %dma_wait3A_56 = arith.constant 0 : i32
    %dma_wait3A_57 = tpu.memref_slice %arg13[%dma_wait3A_55, %dma_wait3A_56] : memref<4x128xi32, #tpu.memory_space<vmem>> -> memref<1x128xi32, #tpu.memory_space<vmem>>
    %dma_wait3A_58 = tpu.memref_squeeze %dma_wait3A_57 : memref<1x128xi32, #tpu.memory_space<vmem>> -> memref<128xi32, #tpu.memory_space<vmem>>
    %dma_wait3A_59 = arith.constant 0 : i32
    %dma_wait3A_60 = tpu.memref_slice %arg11[%dma_wait3A_54, %dma_wait3A_59] : memref<4x128xi32, #tpu.memory_space<vmem>> -> memref<1x128xi32, #tpu.memory_space<vmem>>
    %dma_wait3A_61 = tpu.memref_squeeze %dma_wait3A_60 : memref<1x128xi32, #tpu.memory_space<vmem>> -> memref<128xi32, #tpu.memory_space<vmem>>
    %dma_wait3A_62 = arith.constant 0 : i32
    %dma_wait3A_63 = tpu.memref_slice %arg4[%dma_wait3A_62] : memref<1000000xi32, #tpu.memory_space<hbm>> -> memref<1000000xi32, #tpu.memory_space<hbm>>
    tpu.wait_indirect_dma semaphore(%arg16 : memref<!tpu.dma_semaphore, #tpu.memory_space<semaphore_mem>>) src(%dma_wait3A_63 : memref<1000000xi32, #tpu.memory_space<hbm>>) dst(%dma_wait3A_58 : memref<128xi32, #tpu.memory_space<vmem>>)
    %dma_start3A_64 = arith.constant 2 : i32
    %dma_start3A_65 = arith.constant 2 : i32
    %dma_start3A_66 = arith.constant 0 : i32
    %dma_start3A_67 = tpu.memref_slice %arg13[%dma_start3A_65, %dma_start3A_66] : memref<4x128xi32, #tpu.memory_space<vmem>> -> memref<1x128xi32, #tpu.memory_space<vmem>>
    %dma_start3A_68 = tpu.memref_squeeze %dma_start3A_67 : memref<1x128xi32, #tpu.memory_space<vmem>> -> memref<128xi32, #tpu.memory_space<vmem>>
    %dma_start3A_69 = arith.constant 0 : i32
    %dma_start3A_70 = tpu.memref_slice %arg11[%dma_start3A_64, %dma_start3A_69] : memref<4x128xi32, #tpu.memory_space<vmem>> -> memref<1x128xi32, #tpu.memory_space<vmem>>
    %dma_start3A_71 = tpu.memref_squeeze %dma_start3A_70 : memref<1x128xi32, #tpu.memory_space<vmem>> -> memref<128xi32, #tpu.memory_space<vmem>>
    %dma_start3A_72 = arith.constant 0 : i32
    %dma_start3A_73 = tpu.memref_slice %arg4[%dma_start3A_72] : memref<1000000xi32, #tpu.memory_space<hbm>> -> memref<1000000xi32, #tpu.memory_space<hbm>>
    tpu.enqueue_indirect_dma source(%dma_start3A_73 : memref<1000000xi32, #tpu.memory_space<hbm>>) target(%dma_start3A_68 : memref<128xi32, #tpu.memory_space<vmem>>) offsets(%dma_start3A_71 : memref<128xi32, #tpu.memory_space<vmem>>) semaphore(%arg16 : memref<!tpu.dma_semaphore, #tpu.memory_space<semaphore_mem>>)
    %dma_wait3A_74 = arith.constant 2 : i32
    %dma_wait3A_75 = arith.constant 2 : i32
    %dma_wait3A_76 = arith.constant 0 : i32
    %dma_wait3A_77 = tpu.memref_slice %arg13[%dma_wait3A_75, %dma_wait3A_76] : memref<4x128xi32, #tpu.memory_space<vmem>> -> memref<1x128xi32, #tpu.memory_space<vmem>>
    %dma_wait3A_78 = tpu.memref_squeeze %dma_wait3A_77 : memref<1x128xi32, #tpu.memory_space<vmem>> -> memref<128xi32, #tpu.memory_space<vmem>>
    %dma_wait3A_79 = arith.constant 0 : i32
    %dma_wait3A_80 = tpu.memref_slice %arg11[%dma_wait3A_74, %dma_wait3A_79] : memref<4x128xi32, #tpu.memory_space<vmem>> -> memref<1x128xi32, #tpu.memory_space<vmem>>
    %dma_wait3A_81 = tpu.memref_squeeze %dma_wait3A_80 : memref<1x128xi32, #tpu.memory_space<vmem>> -> memref<128xi32, #tpu.memory_space<vmem>>
    %dma_wait3A_82 = arith.constant 0 : i32
    %dma_wait3A_83 = tpu.memref_slice %arg4[%dma_wait3A_82] : memref<1000000xi32, #tpu.memory_space<hbm>> -> memref<1000000xi32, #tpu.memory_space<hbm>>
    tpu.wait_indirect_dma semaphore(%arg16 : memref<!tpu.dma_semaphore, #tpu.memory_space<semaphore_mem>>) src(%dma_wait3A_83 : memref<1000000xi32, #tpu.memory_space<hbm>>) dst(%dma_wait3A_78 : memref<128xi32, #tpu.memory_space<vmem>>)
    %dma_start3A_84 = arith.constant 3 : i32
    %dma_start3A_85 = arith.constant 3 : i32
    %dma_start3A_86 = arith.constant 0 : i32
    %dma_start3A_87 = tpu.memref_slice %arg13[%dma_start3A_85, %dma_start3A_86] : memref<4x128xi32, #tpu.memory_space<vmem>> -> memref<1x128xi32, #tpu.memory_space<vmem>>
    %dma_start3A_88 = tpu.memref_squeeze %dma_start3A_87 : memref<1x128xi32, #tpu.memory_space<vmem>> -> memref<128xi32, #tpu.memory_space<vmem>>
    %dma_start3A_89 = arith.constant 0 : i32
    %dma_start3A_90 = tpu.memref_slice %arg11[%dma_start3A_84, %dma_start3A_89] : memref<4x128xi32, #tpu.memory_space<vmem>> -> memref<1x128xi32, #tpu.memory_space<vmem>>
    %dma_start3A_91 = tpu.memref_squeeze %dma_start3A_90 : memref<1x128xi32, #tpu.memory_space<vmem>> -> memref<128xi32, #tpu.memory_space<vmem>>
    %dma_start3A_92 = arith.constant 0 : i32
    %dma_start3A_93 = tpu.memref_slice %arg4[%dma_start3A_92] : memref<1000000xi32, #tpu.memory_space<hbm>> -> memref<1000000xi32, #tpu.memory_space<hbm>>
    tpu.enqueue_indirect_dma source(%dma_start3A_93 : memref<1000000xi32, #tpu.memory_space<hbm>>) target(%dma_start3A_88 : memref<128xi32, #tpu.memory_space<vmem>>) offsets(%dma_start3A_91 : memref<128xi32, #tpu.memory_space<vmem>>) semaphore(%arg16 : memref<!tpu.dma_semaphore, #tpu.memory_space<semaphore_mem>>)
    %dma_wait3A_94 = arith.constant 3 : i32
    %dma_wait3A_95 = arith.constant 3 : i32
    %dma_wait3A_96 = arith.constant 0 : i32
    %dma_wait3A_97 = tpu.memref_slice %arg13[%dma_wait3A_95, %dma_wait3A_96] : memref<4x128xi32, #tpu.memory_space<vmem>> -> memref<1x128xi32, #tpu.memory_space<vmem>>
    %dma_wait3A_98 = tpu.memref_squeeze %dma_wait3A_97 : memref<1x128xi32, #tpu.memory_space<vmem>> -> memref<128xi32, #tpu.memory_space<vmem>>
    %dma_wait3A_99 = arith.constant 0 : i32
    %dma_wait3A_100 = tpu.memref_slice %arg11[%dma_wait3A_94, %dma_wait3A_99] : memref<4x128xi32, #tpu.memory_space<vmem>> -> memref<1x128xi32, #tpu.memory_space<vmem>>
    %dma_wait3A_101 = tpu.memref_squeeze %dma_wait3A_100 : memref<1x128xi32, #tpu.memory_space<vmem>> -> memref<128xi32, #tpu.memory_space<vmem>>
    %dma_wait3A_102 = arith.constant 0 : i32
    %dma_wait3A_103 = tpu.memref_slice %arg4[%dma_wait3A_102] : memref<1000000xi32, #tpu.memory_space<hbm>> -> memref<1000000xi32, #tpu.memory_space<hbm>>
    tpu.wait_indirect_dma semaphore(%arg16 : memref<!tpu.dma_semaphore, #tpu.memory_space<semaphore_mem>>) src(%dma_wait3A_103 : memref<1000000xi32, #tpu.memory_space<hbm>>) dst(%dma_wait3A_98 : memref<128xi32, #tpu.memory_space<vmem>>)
    %dma_start3A_104 = arith.constant 0 : i32
    %dma_start3A_105 = arith.constant 0 : i32
    %dma_start3A_106 = arith.constant 0 : i32
    %dma_start3A_107 = tpu.memref_slice %arg14[%dma_start3A_105, %dma_start3A_106] : memref<512x64xf32, #tpu.memory_space<vmem>> -> memref<128x64xf32, #tpu.memory_space<vmem>>
    %dma_start3A_108 = arith.constant 0 : i32
    %dma_start3A_109 = tpu.memref_slice %arg13[%dma_start3A_104, %dma_start3A_108] : memref<4x128xi32, #tpu.memory_space<vmem>> -> memref<1x128xi32, #tpu.memory_space<vmem>>
    %dma_start3A_110 = tpu.memref_squeeze %dma_start3A_109 : memref<1x128xi32, #tpu.memory_space<vmem>> -> memref<128xi32, #tpu.memory_space<vmem>>
    %dma_start3A_111 = arith.constant 0 : i32
    %dma_start3A_112 = arith.constant 0 : i32
    %dma_start3A_113 = tpu.memref_slice %arg5[%dma_start3A_111, %dma_start3A_112] : memref<16384x64xf32, #tpu.memory_space<hbm>> -> memref<16384x64xf32, #tpu.memory_space<hbm>>
    tpu.enqueue_indirect_dma source(%dma_start3A_113 : memref<16384x64xf32, #tpu.memory_space<hbm>>) target(%dma_start3A_107 : memref<128x64xf32, #tpu.memory_space<vmem>>) offsets(%dma_start3A_110 : memref<128xi32, #tpu.memory_space<vmem>>) semaphore(%arg16 : memref<!tpu.dma_semaphore, #tpu.memory_space<semaphore_mem>>)
    %dma_wait3A_114 = arith.constant 0 : i32
    %dma_wait3A_115 = arith.constant 0 : i32
    %dma_wait3A_116 = arith.constant 0 : i32
    %dma_wait3A_117 = tpu.memref_slice %arg14[%dma_wait3A_115, %dma_wait3A_116] : memref<512x64xf32, #tpu.memory_space<vmem>> -> memref<128x64xf32, #tpu.memory_space<vmem>>
    %dma_wait3A_118 = arith.constant 0 : i32
    %dma_wait3A_119 = tpu.memref_slice %arg13[%dma_wait3A_114, %dma_wait3A_118] : memref<4x128xi32, #tpu.memory_space<vmem>> -> memref<1x128xi32, #tpu.memory_space<vmem>>
    %dma_wait3A_120 = tpu.memref_squeeze %dma_wait3A_119 : memref<1x128xi32, #tpu.memory_space<vmem>> -> memref<128xi32, #tpu.memory_space<vmem>>
    %dma_wait3A_121 = arith.constant 0 : i32
    %dma_wait3A_122 = arith.constant 0 : i32
    %dma_wait3A_123 = tpu.memref_slice %arg5[%dma_wait3A_121, %dma_wait3A_122] : memref<16384x64xf32, #tpu.memory_space<hbm>> -> memref<16384x64xf32, #tpu.memory_space<hbm>>
    tpu.wait_indirect_dma semaphore(%arg16 : memref<!tpu.dma_semaphore, #tpu.memory_space<semaphore_mem>>) src(%dma_wait3A_123 : memref<16384x64xf32, #tpu.memory_space<hbm>>) dst(%dma_wait3A_117 : memref<128x64xf32, #tpu.memory_space<vmem>>)
    %dma_start3A_124 = arith.constant 0 : i32
    %dma_start3A_125 = arith.constant 0 : i32
    %dma_start3A_126 = arith.constant 0 : i32
    %dma_start3A_127 = tpu.memref_slice %arg15[%dma_start3A_125, %dma_start3A_126] : memref<4x128xi32, #tpu.memory_space<vmem>> -> memref<1x128xi32, #tpu.memory_space<vmem>>
    %dma_start3A_128 = tpu.memref_squeeze %dma_start3A_127 : memref<1x128xi32, #tpu.memory_space<vmem>> -> memref<128xi32, #tpu.memory_space<vmem>>
    %dma_start3A_129 = arith.constant 0 : i32
    %dma_start3A_130 = tpu.memref_slice %arg13[%dma_start3A_124, %dma_start3A_129] : memref<4x128xi32, #tpu.memory_space<vmem>> -> memref<1x128xi32, #tpu.memory_space<vmem>>
    %dma_start3A_131 = tpu.memref_squeeze %dma_start3A_130 : memref<1x128xi32, #tpu.memory_space<vmem>> -> memref<128xi32, #tpu.memory_space<vmem>>
    %dma_start3A_132 = arith.constant 0 : i32
    %dma_start3A_133 = tpu.memref_slice %arg6[%dma_start3A_132] : memref<16384xi32, #tpu.memory_space<hbm>> -> memref<16384xi32, #tpu.memory_space<hbm>>
    tpu.enqueue_indirect_dma source(%dma_start3A_133 : memref<16384xi32, #tpu.memory_space<hbm>>) target(%dma_start3A_128 : memref<128xi32, #tpu.memory_space<vmem>>) offsets(%dma_start3A_131 : memref<128xi32, #tpu.memory_space<vmem>>) semaphore(%arg16 : memref<!tpu.dma_semaphore, #tpu.memory_space<semaphore_mem>>)
    %dma_wait3A_134 = arith.constant 0 : i32
    %dma_wait3A_135 = arith.constant 0 : i32
    %dma_wait3A_136 = arith.constant 0 : i32
    %dma_wait3A_137 = tpu.memref_slice %arg15[%dma_wait3A_135, %dma_wait3A_136] : memref<4x128xi32, #tpu.memory_space<vmem>> -> memref<1x128xi32, #tpu.memory_space<vmem>>
    %dma_wait3A_138 = tpu.memref_squeeze %dma_wait3A_137 : memref<1x128xi32, #tpu.memory_space<vmem>> -> memref<128xi32, #tpu.memory_space<vmem>>
    %dma_wait3A_139 = arith.constant 0 : i32
    %dma_wait3A_140 = tpu.memref_slice %arg13[%dma_wait3A_134, %dma_wait3A_139] : memref<4x128xi32, #tpu.memory_space<vmem>> -> memref<1x128xi32, #tpu.memory_space<vmem>>
    %dma_wait3A_141 = tpu.memref_squeeze %dma_wait3A_140 : memref<1x128xi32, #tpu.memory_space<vmem>> -> memref<128xi32, #tpu.memory_space<vmem>>
    %dma_wait3A_142 = arith.constant 0 : i32
    %dma_wait3A_143 = tpu.memref_slice %arg6[%dma_wait3A_142] : memref<16384xi32, #tpu.memory_space<hbm>> -> memref<16384xi32, #tpu.memory_space<hbm>>
    tpu.wait_indirect_dma semaphore(%arg16 : memref<!tpu.dma_semaphore, #tpu.memory_space<semaphore_mem>>) src(%dma_wait3A_143 : memref<16384xi32, #tpu.memory_space<hbm>>) dst(%dma_wait3A_138 : memref<128xi32, #tpu.memory_space<vmem>>)
    %dma_start3A_144 = arith.constant 1 : i32
    %dma_start3A_145 = arith.constant 128 : i32
    %dma_start3A_146 = arith.constant 0 : i32
    %dma_start3A_147 = tpu.memref_slice %arg14[%dma_start3A_145, %dma_start3A_146] : memref<512x64xf32, #tpu.memory_space<vmem>> -> memref<128x64xf32, #tpu.memory_space<vmem>>
    %dma_start3A_148 = arith.constant 0 : i32
    %dma_start3A_149 = tpu.memref_slice %arg13[%dma_start3A_144, %dma_start3A_148] : memref<4x128xi32, #tpu.memory_space<vmem>> -> memref<1x128xi32, #tpu.memory_space<vmem>>
    %dma_start3A_150 = tpu.memref_squeeze %dma_start3A_149 : memref<1x128xi32, #tpu.memory_space<vmem>> -> memref<128xi32, #tpu.memory_space<vmem>>
    %dma_start3A_151 = arith.constant 0 : i32
    %dma_start3A_152 = arith.constant 0 : i32
    %dma_start3A_153 = tpu.memref_slice %arg5[%dma_start3A_151, %dma_start3A_152] : memref<16384x64xf32, #tpu.memory_space<hbm>> -> memref<16384x64xf32, #tpu.memory_space<hbm>>
    tpu.enqueue_indirect_dma source(%dma_start3A_153 : memref<16384x64xf32, #tpu.memory_space<hbm>>) target(%dma_start3A_147 : memref<128x64xf32, #tpu.memory_space<vmem>>) offsets(%dma_start3A_150 : memref<128xi32, #tpu.memory_space<vmem>>) semaphore(%arg16 : memref<!tpu.dma_semaphore, #tpu.memory_space<semaphore_mem>>)
    %dma_wait3A_154 = arith.constant 1 : i32
    %dma_wait3A_155 = arith.constant 128 : i32
    %dma_wait3A_156 = arith.constant 0 : i32
    %dma_wait3A_157 = tpu.memref_slice %arg14[%dma_wait3A_155, %dma_wait3A_156] : memref<512x64xf32, #tpu.memory_space<vmem>> -> memref<128x64xf32, #tpu.memory_space<vmem>>
    %dma_wait3A_158 = arith.constant 0 : i32
    %dma_wait3A_159 = tpu.memref_slice %arg13[%dma_wait3A_154, %dma_wait3A_158] : memref<4x128xi32, #tpu.memory_space<vmem>> -> memref<1x128xi32, #tpu.memory_space<vmem>>
    %dma_wait3A_160 = tpu.memref_squeeze %dma_wait3A_159 : memref<1x128xi32, #tpu.memory_space<vmem>> -> memref<128xi32, #tpu.memory_space<vmem>>
    %dma_wait3A_161 = arith.constant 0 : i32
    %dma_wait3A_162 = arith.constant 0 : i32
    %dma_wait3A_163 = tpu.memref_slice %arg5[%dma_wait3A_161, %dma_wait3A_162] : memref<16384x64xf32, #tpu.memory_space<hbm>> -> memref<16384x64xf32, #tpu.memory_space<hbm>>
    tpu.wait_indirect_dma semaphore(%arg16 : memref<!tpu.dma_semaphore, #tpu.memory_space<semaphore_mem>>) src(%dma_wait3A_163 : memref<16384x64xf32, #tpu.memory_space<hbm>>) dst(%dma_wait3A_157 : memref<128x64xf32, #tpu.memory_space<vmem>>)
    %dma_start3A_164 = arith.constant 1 : i32
    %dma_start3A_165 = arith.constant 1 : i32
    %dma_start3A_166 = arith.constant 0 : i32
    %dma_start3A_167 = tpu.memref_slice %arg15[%dma_start3A_165, %dma_start3A_166] : memref<4x128xi32, #tpu.memory_space<vmem>> -> memref<1x128xi32, #tpu.memory_space<vmem>>
    %dma_start3A_168 = tpu.memref_squeeze %dma_start3A_167 : memref<1x128xi32, #tpu.memory_space<vmem>> -> memref<128xi32, #tpu.memory_space<vmem>>
    %dma_start3A_169 = arith.constant 0 : i32
    %dma_start3A_170 = tpu.memref_slice %arg13[%dma_start3A_164, %dma_start3A_169] : memref<4x128xi32, #tpu.memory_space<vmem>> -> memref<1x128xi32, #tpu.memory_space<vmem>>
    %dma_start3A_171 = tpu.memref_squeeze %dma_start3A_170 : memref<1x128xi32, #tpu.memory_space<vmem>> -> memref<128xi32, #tpu.memory_space<vmem>>
    %dma_start3A_172 = arith.constant 0 : i32
    %dma_start3A_173 = tpu.memref_slice %arg6[%dma_start3A_172] : memref<16384xi32, #tpu.memory_space<hbm>> -> memref<16384xi32, #tpu.memory_space<hbm>>
    tpu.enqueue_indirect_dma source(%dma_start3A_173 : memref<16384xi32, #tpu.memory_space<hbm>>) target(%dma_start3A_168 : memref<128xi32, #tpu.memory_space<vmem>>) offsets(%dma_start3A_171 : memref<128xi32, #tpu.memory_space<vmem>>) semaphore(%arg16 : memref<!tpu.dma_semaphore, #tpu.memory_space<semaphore_mem>>)
    %dma_wait3A_174 = arith.constant 1 : i32
    %dma_wait3A_175 = arith.constant 1 : i32
    %dma_wait3A_176 = arith.constant 0 : i32
    %dma_wait3A_177 = tpu.memref_slice %arg15[%dma_wait3A_175, %dma_wait3A_176] : memref<4x128xi32, #tpu.memory_space<vmem>> -> memref<1x128xi32, #tpu.memory_space<vmem>>
    %dma_wait3A_178 = tpu.memref_squeeze %dma_wait3A_177 : memref<1x128xi32, #tpu.memory_space<vmem>> -> memref<128xi32, #tpu.memory_space<vmem>>
    %dma_wait3A_179 = arith.constant 0 : i32
    %dma_wait3A_180 = tpu.memref_slice %arg13[%dma_wait3A_174, %dma_wait3A_179] : memref<4x128xi32, #tpu.memory_space<vmem>> -> memref<1x128xi32, #tpu.memory_space<vmem>>
    %dma_wait3A_181 = tpu.memref_squeeze %dma_wait3A_180 : memref<1x128xi32, #tpu.memory_space<vmem>> -> memref<128xi32, #tpu.memory_space<vmem>>
    %dma_wait3A_182 = arith.constant 0 : i32
    %dma_wait3A_183 = tpu.memref_slice %arg6[%dma_wait3A_182] : memref<16384xi32, #tpu.memory_space<hbm>> -> memref<16384xi32, #tpu.memory_space<hbm>>
    tpu.wait_indirect_dma semaphore(%arg16 : memref<!tpu.dma_semaphore, #tpu.memory_space<semaphore_mem>>) src(%dma_wait3A_183 : memref<16384xi32, #tpu.memory_space<hbm>>) dst(%dma_wait3A_178 : memref<128xi32, #tpu.memory_space<vmem>>)
    %dma_start3A_184 = arith.constant 2 : i32
    %dma_start3A_185 = arith.constant 256 : i32
    %dma_start3A_186 = arith.constant 0 : i32
    %dma_start3A_187 = tpu.memref_slice %arg14[%dma_start3A_185, %dma_start3A_186] : memref<512x64xf32, #tpu.memory_space<vmem>> -> memref<128x64xf32, #tpu.memory_space<vmem>>
    %dma_start3A_188 = arith.constant 0 : i32
    %dma_start3A_189 = tpu.memref_slice %arg13[%dma_start3A_184, %dma_start3A_188] : memref<4x128xi32, #tpu.memory_space<vmem>> -> memref<1x128xi32, #tpu.memory_space<vmem>>
    %dma_start3A_190 = tpu.memref_squeeze %dma_start3A_189 : memref<1x128xi32, #tpu.memory_space<vmem>> -> memref<128xi32, #tpu.memory_space<vmem>>
    %dma_start3A_191 = arith.constant 0 : i32
    %dma_start3A_192 = arith.constant 0 : i32
    %dma_start3A_193 = tpu.memref_slice %arg5[%dma_start3A_191, %dma_start3A_192] : memref<16384x64xf32, #tpu.memory_space<hbm>> -> memref<16384x64xf32, #tpu.memory_space<hbm>>
    tpu.enqueue_indirect_dma source(%dma_start3A_193 : memref<16384x64xf32, #tpu.memory_space<hbm>>) target(%dma_start3A_187 : memref<128x64xf32, #tpu.memory_space<vmem>>) offsets(%dma_start3A_190 : memref<128xi32, #tpu.memory_space<vmem>>) semaphore(%arg16 : memref<!tpu.dma_semaphore, #tpu.memory_space<semaphore_mem>>)
    %dma_wait3A_194 = arith.constant 2 : i32
    %dma_wait3A_195 = arith.constant 256 : i32
    %dma_wait3A_196 = arith.constant 0 : i32
    %dma_wait3A_197 = tpu.memref_slice %arg14[%dma_wait3A_195, %dma_wait3A_196] : memref<512x64xf32, #tpu.memory_space<vmem>> -> memref<128x64xf32, #tpu.memory_space<vmem>>
    %dma_wait3A_198 = arith.constant 0 : i32
    %dma_wait3A_199 = tpu.memref_slice %arg13[%dma_wait3A_194, %dma_wait3A_198] : memref<4x128xi32, #tpu.memory_space<vmem>> -> memref<1x128xi32, #tpu.memory_space<vmem>>
    %dma_wait3A_200 = tpu.memref_squeeze %dma_wait3A_199 : memref<1x128xi32, #tpu.memory_space<vmem>> -> memref<128xi32, #tpu.memory_space<vmem>>
    %dma_wait3A_201 = arith.constant 0 : i32
    %dma_wait3A_202 = arith.constant 0 : i32
    %dma_wait3A_203 = tpu.memref_slice %arg5[%dma_wait3A_201, %dma_wait3A_202] : memref<16384x64xf32, #tpu.memory_space<hbm>> -> memref<16384x64xf32, #tpu.memory_space<hbm>>
    tpu.wait_indirect_dma semaphore(%arg16 : memref<!tpu.dma_semaphore, #tpu.memory_space<semaphore_mem>>) src(%dma_wait3A_203 : memref<16384x64xf32, #tpu.memory_space<hbm>>) dst(%dma_wait3A_197 : memref<128x64xf32, #tpu.memory_space<vmem>>)
    %dma_start3A_204 = arith.constant 2 : i32
    %dma_start3A_205 = arith.constant 2 : i32
    %dma_start3A_206 = arith.constant 0 : i32
    %dma_start3A_207 = tpu.memref_slice %arg15[%dma_start3A_205, %dma_start3A_206] : memref<4x128xi32, #tpu.memory_space<vmem>> -> memref<1x128xi32, #tpu.memory_space<vmem>>
    %dma_start3A_208 = tpu.memref_squeeze %dma_start3A_207 : memref<1x128xi32, #tpu.memory_space<vmem>> -> memref<128xi32, #tpu.memory_space<vmem>>
    %dma_start3A_209 = arith.constant 0 : i32
    %dma_start3A_210 = tpu.memref_slice %arg13[%dma_start3A_204, %dma_start3A_209] : memref<4x128xi32, #tpu.memory_space<vmem>> -> memref<1x128xi32, #tpu.memory_space<vmem>>
    %dma_start3A_211 = tpu.memref_squeeze %dma_start3A_210 : memref<1x128xi32, #tpu.memory_space<vmem>> -> memref<128xi32, #tpu.memory_space<vmem>>
    %dma_start3A_212 = arith.constant 0 : i32
    %dma_start3A_213 = tpu.memref_slice %arg6[%dma_start3A_212] : memref<16384xi32, #tpu.memory_space<hbm>> -> memref<16384xi32, #tpu.memory_space<hbm>>
    tpu.enqueue_indirect_dma source(%dma_start3A_213 : memref<16384xi32, #tpu.memory_space<hbm>>) target(%dma_start3A_208 : memref<128xi32, #tpu.memory_space<vmem>>) offsets(%dma_start3A_211 : memref<128xi32, #tpu.memory_space<vmem>>) semaphore(%arg16 : memref<!tpu.dma_semaphore, #tpu.memory_space<semaphore_mem>>)
    %dma_wait3A_214 = arith.constant 2 : i32
    %dma_wait3A_215 = arith.constant 2 : i32
    %dma_wait3A_216 = arith.constant 0 : i32
    %dma_wait3A_217 = tpu.memref_slice %arg15[%dma_wait3A_215, %dma_wait3A_216] : memref<4x128xi32, #tpu.memory_space<vmem>> -> memref<1x128xi32, #tpu.memory_space<vmem>>
    %dma_wait3A_218 = tpu.memref_squeeze %dma_wait3A_217 : memref<1x128xi32, #tpu.memory_space<vmem>> -> memref<128xi32, #tpu.memory_space<vmem>>
    %dma_wait3A_219 = arith.constant 0 : i32
    %dma_wait3A_220 = tpu.memref_slice %arg13[%dma_wait3A_214, %dma_wait3A_219] : memref<4x128xi32, #tpu.memory_space<vmem>> -> memref<1x128xi32, #tpu.memory_space<vmem>>
    %dma_wait3A_221 = tpu.memref_squeeze %dma_wait3A_220 : memref<1x128xi32, #tpu.memory_space<vmem>> -> memref<128xi32, #tpu.memory_space<vmem>>
    %dma_wait3A_222 = arith.constant 0 : i32
    %dma_wait3A_223 = tpu.memref_slice %arg6[%dma_wait3A_222] : memref<16384xi32, #tpu.memory_space<hbm>> -> memref<16384xi32, #tpu.memory_space<hbm>>
    tpu.wait_indirect_dma semaphore(%arg16 : memref<!tpu.dma_semaphore, #tpu.memory_space<semaphore_mem>>) src(%dma_wait3A_223 : memref<16384xi32, #tpu.memory_space<hbm>>) dst(%dma_wait3A_218 : memref<128xi32, #tpu.memory_space<vmem>>)
    %dma_start3A_224 = arith.constant 3 : i32
    %dma_start3A_225 = arith.constant 384 : i32
    %dma_start3A_226 = arith.constant 0 : i32
    %dma_start3A_227 = tpu.memref_slice %arg14[%dma_start3A_225, %dma_start3A_226] : memref<512x64xf32, #tpu.memory_space<vmem>> -> memref<128x64xf32, #tpu.memory_space<vmem>>
    %dma_start3A_228 = arith.constant 0 : i32
    %dma_start3A_229 = tpu.memref_slice %arg13[%dma_start3A_224, %dma_start3A_228] : memref<4x128xi32, #tpu.memory_space<vmem>> -> memref<1x128xi32, #tpu.memory_space<vmem>>
    %dma_start3A_230 = tpu.memref_squeeze %dma_start3A_229 : memref<1x128xi32, #tpu.memory_space<vmem>> -> memref<128xi32, #tpu.memory_space<vmem>>
    %dma_start3A_231 = arith.constant 0 : i32
    %dma_start3A_232 = arith.constant 0 : i32
    %dma_start3A_233 = tpu.memref_slice %arg5[%dma_start3A_231, %dma_start3A_232] : memref<16384x64xf32, #tpu.memory_space<hbm>> -> memref<16384x64xf32, #tpu.memory_space<hbm>>
    tpu.enqueue_indirect_dma source(%dma_start3A_233 : memref<16384x64xf32, #tpu.memory_space<hbm>>) target(%dma_start3A_227 : memref<128x64xf32, #tpu.memory_space<vmem>>) offsets(%dma_start3A_230 : memref<128xi32, #tpu.memory_space<vmem>>) semaphore(%arg16 : memref<!tpu.dma_semaphore, #tpu.memory_space<semaphore_mem>>)
    %dma_wait3A_234 = arith.constant 3 : i32
    %dma_wait3A_235 = arith.constant 384 : i32
    %dma_wait3A_236 = arith.constant 0 : i32
    %dma_wait3A_237 = tpu.memref_slice %arg14[%dma_wait3A_235, %dma_wait3A_236] : memref<512x64xf32, #tpu.memory_space<vmem>> -> memref<128x64xf32, #tpu.memory_space<vmem>>
    %dma_wait3A_238 = arith.constant 0 : i32
    %dma_wait3A_239 = tpu.memref_slice %arg13[%dma_wait3A_234, %dma_wait3A_238] : memref<4x128xi32, #tpu.memory_space<vmem>> -> memref<1x128xi32, #tpu.memory_space<vmem>>
    %dma_wait3A_240 = tpu.memref_squeeze %dma_wait3A_239 : memref<1x128xi32, #tpu.memory_space<vmem>> -> memref<128xi32, #tpu.memory_space<vmem>>
    %dma_wait3A_241 = arith.constant 0 : i32
    %dma_wait3A_242 = arith.constant 0 : i32
    %dma_wait3A_243 = tpu.memref_slice %arg5[%dma_wait3A_241, %dma_wait3A_242] : memref<16384x64xf32, #tpu.memory_space<hbm>> -> memref<16384x64xf32, #tpu.memory_space<hbm>>
    tpu.wait_indirect_dma semaphore(%arg16 : memref<!tpu.dma_semaphore, #tpu.memory_space<semaphore_mem>>) src(%dma_wait3A_243 : memref<16384x64xf32, #tpu.memory_space<hbm>>) dst(%dma_wait3A_237 : memref<128x64xf32, #tpu.memory_space<vmem>>)
    %dma_start3A_244 = arith.constant 3 : i32
    %dma_start3A_245 = arith.constant 3 : i32
    %dma_start3A_246 = arith.constant 0 : i32
    %dma_start3A_247 = tpu.memref_slice %arg15[%dma_start3A_245, %dma_start3A_246] : memref<4x128xi32, #tpu.memory_space<vmem>> -> memref<1x128xi32, #tpu.memory_space<vmem>>
    %dma_start3A_248 = tpu.memref_squeeze %dma_start3A_247 : memref<1x128xi32, #tpu.memory_space<vmem>> -> memref<128xi32, #tpu.memory_space<vmem>>
    %dma_start3A_249 = arith.constant 0 : i32
    %dma_start3A_250 = tpu.memref_slice %arg13[%dma_start3A_244, %dma_start3A_249] : memref<4x128xi32, #tpu.memory_space<vmem>> -> memref<1x128xi32, #tpu.memory_space<vmem>>
    %dma_start3A_251 = tpu.memref_squeeze %dma_start3A_250 : memref<1x128xi32, #tpu.memory_space<vmem>> -> memref<128xi32, #tpu.memory_space<vmem>>
    %dma_start3A_252 = arith.constant 0 : i32
    %dma_start3A_253 = tpu.memref_slice %arg6[%dma_start3A_252] : memref<16384xi32, #tpu.memory_space<hbm>> -> memref<16384xi32, #tpu.memory_space<hbm>>
    tpu.enqueue_indirect_dma source(%dma_start3A_253 : memref<16384xi32, #tpu.memory_space<hbm>>) target(%dma_start3A_248 : memref<128xi32, #tpu.memory_space<vmem>>) offsets(%dma_start3A_251 : memref<128xi32, #tpu.memory_space<vmem>>) semaphore(%arg16 : memref<!tpu.dma_semaphore, #tpu.memory_space<semaphore_mem>>)
    %dma_wait3A_254 = arith.constant 3 : i32
    %dma_wait3A_255 = arith.constant 3 : i32
    %dma_wait3A_256 = arith.constant 0 : i32
    %dma_wait3A_257 = tpu.memref_slice %arg15[%dma_wait3A_255, %dma_wait3A_256] : memref<4x128xi32, #tpu.memory_space<vmem>> -> memref<1x128xi32, #tpu.memory_space<vmem>>
    %dma_wait3A_258 = tpu.memref_squeeze %dma_wait3A_257 : memref<1x128xi32, #tpu.memory_space<vmem>> -> memref<128xi32, #tpu.memory_space<vmem>>
    %dma_wait3A_259 = arith.constant 0 : i32
    %dma_wait3A_260 = tpu.memref_slice %arg13[%dma_wait3A_254, %dma_wait3A_259] : memref<4x128xi32, #tpu.memory_space<vmem>> -> memref<1x128xi32, #tpu.memory_space<vmem>>
    %dma_wait3A_261 = tpu.memref_squeeze %dma_wait3A_260 : memref<1x128xi32, #tpu.memory_space<vmem>> -> memref<128xi32, #tpu.memory_space<vmem>>
    %dma_wait3A_262 = arith.constant 0 : i32
    %dma_wait3A_263 = tpu.memref_slice %arg6[%dma_wait3A_262] : memref<16384xi32, #tpu.memory_space<hbm>> -> memref<16384xi32, #tpu.memory_space<hbm>>
    tpu.wait_indirect_dma semaphore(%arg16 : memref<!tpu.dma_semaphore, #tpu.memory_space<semaphore_mem>>) src(%dma_wait3A_263 : memref<16384xi32, #tpu.memory_space<hbm>>) dst(%dma_wait3A_258 : memref<128xi32, #tpu.memory_space<vmem>>)
    %dma_start3A_264 = arith.constant 0 : i32
    %dma_start3A_265 = arith.constant 0 : i32
    %dma_start3A_266 = arith.constant 0 : i32
    %dma_start3A_267 = tpu.memref_slice %arg14[%dma_start3A_265, %dma_start3A_266] : memref<512x64xf32, #tpu.memory_space<vmem>> -> memref<128x64xf32, #tpu.memory_space<vmem>>
    %dma_start3A_268 = arith.constant 0 : i32
    %dma_start3A_269 = tpu.memref_slice %arg12[%dma_start3A_264, %dma_start3A_268] : memref<4x128xi32, #tpu.memory_space<vmem>> -> memref<1x128xi32, #tpu.memory_space<vmem>>
    %dma_start3A_270 = tpu.memref_squeeze %dma_start3A_269 : memref<1x128xi32, #tpu.memory_space<vmem>> -> memref<128xi32, #tpu.memory_space<vmem>>
    %dma_start3A_271 = arith.constant 0 : i32
    %dma_start3A_272 = arith.constant 0 : i32
    %dma_start3A_273 = tpu.memref_slice %arg7[%dma_start3A_271, %dma_start3A_272] : memref<1001472x64xf32, #tpu.memory_space<hbm>> -> memref<1001472x64xf32, #tpu.memory_space<hbm>>
    tpu.enqueue_indirect_dma source(%dma_start3A_267 : memref<128x64xf32, #tpu.memory_space<vmem>>) target(%dma_start3A_273 : memref<1001472x64xf32, #tpu.memory_space<hbm>>) offsets(%dma_start3A_270 : memref<128xi32, #tpu.memory_space<vmem>>) semaphore(%arg16 : memref<!tpu.dma_semaphore, #tpu.memory_space<semaphore_mem>>)
    %dma_wait3A_274 = arith.constant 0 : i32
    %dma_wait3A_275 = arith.constant 0 : i32
    %dma_wait3A_276 = arith.constant 0 : i32
    %dma_wait3A_277 = tpu.memref_slice %arg14[%dma_wait3A_275, %dma_wait3A_276] : memref<512x64xf32, #tpu.memory_space<vmem>> -> memref<128x64xf32, #tpu.memory_space<vmem>>
    %dma_wait3A_278 = arith.constant 0 : i32
    %dma_wait3A_279 = tpu.memref_slice %arg12[%dma_wait3A_274, %dma_wait3A_278] : memref<4x128xi32, #tpu.memory_space<vmem>> -> memref<1x128xi32, #tpu.memory_space<vmem>>
    %dma_wait3A_280 = tpu.memref_squeeze %dma_wait3A_279 : memref<1x128xi32, #tpu.memory_space<vmem>> -> memref<128xi32, #tpu.memory_space<vmem>>
    %dma_wait3A_281 = arith.constant 0 : i32
    %dma_wait3A_282 = arith.constant 0 : i32
    %dma_wait3A_283 = tpu.memref_slice %arg7[%dma_wait3A_281, %dma_wait3A_282] : memref<1001472x64xf32, #tpu.memory_space<hbm>> -> memref<1001472x64xf32, #tpu.memory_space<hbm>>
    tpu.wait_indirect_dma semaphore(%arg16 : memref<!tpu.dma_semaphore, #tpu.memory_space<semaphore_mem>>) src(%dma_wait3A_277 : memref<128x64xf32, #tpu.memory_space<vmem>>) dst(%dma_wait3A_283 : memref<1001472x64xf32, #tpu.memory_space<hbm>>)
    %dma_start3A_284 = arith.constant 0 : i32
    %dma_start3A_285 = arith.constant 0 : i32
    %dma_start3A_286 = arith.constant 0 : i32
    %dma_start3A_287 = tpu.memref_slice %arg15[%dma_start3A_284, %dma_start3A_286] : memref<4x128xi32, #tpu.memory_space<vmem>> -> memref<1x128xi32, #tpu.memory_space<vmem>>
    %dma_start3A_288 = tpu.memref_squeeze %dma_start3A_287 : memref<1x128xi32, #tpu.memory_space<vmem>> -> memref<128xi32, #tpu.memory_space<vmem>>
    %dma_start3A_289 = arith.constant 0 : i32
    %dma_start3A_290 = tpu.memref_slice %arg11[%dma_start3A_285, %dma_start3A_289] : memref<4x128xi32, #tpu.memory_space<vmem>> -> memref<1x128xi32, #tpu.memory_space<vmem>>
    %dma_start3A_291 = tpu.memref_squeeze %dma_start3A_290 : memref<1x128xi32, #tpu.memory_space<vmem>> -> memref<128xi32, #tpu.memory_space<vmem>>
    %dma_start3A_292 = arith.constant 0 : i32
    %dma_start3A_293 = tpu.memref_slice %arg8[%dma_start3A_292] : memref<1000000xi32, #tpu.memory_space<hbm>> -> memref<1000000xi32, #tpu.memory_space<hbm>>
    tpu.enqueue_indirect_dma source(%dma_start3A_288 : memref<128xi32, #tpu.memory_space<vmem>>) target(%dma_start3A_293 : memref<1000000xi32, #tpu.memory_space<hbm>>) offsets(%dma_start3A_291 : memref<128xi32, #tpu.memory_space<vmem>>) semaphore(%arg16 : memref<!tpu.dma_semaphore, #tpu.memory_space<semaphore_mem>>)
    %dma_wait3A_294 = arith.constant 0 : i32
    %dma_wait3A_295 = arith.constant 0 : i32
    %dma_wait3A_296 = arith.constant 0 : i32
    %dma_wait3A_297 = tpu.memref_slice %arg15[%dma_wait3A_294, %dma_wait3A_296] : memref<4x128xi32, #tpu.memory_space<vmem>> -> memref<1x128xi32, #tpu.memory_space<vmem>>
    %dma_wait3A_298 = tpu.memref_squeeze %dma_wait3A_297 : memref<1x128xi32, #tpu.memory_space<vmem>> -> memref<128xi32, #tpu.memory_space<vmem>>
    %dma_wait3A_299 = arith.constant 0 : i32
    %dma_wait3A_300 = tpu.memref_slice %arg11[%dma_wait3A_295, %dma_wait3A_299] : memref<4x128xi32, #tpu.memory_space<vmem>> -> memref<1x128xi32, #tpu.memory_space<vmem>>
    %dma_wait3A_301 = tpu.memref_squeeze %dma_wait3A_300 : memref<1x128xi32, #tpu.memory_space<vmem>> -> memref<128xi32, #tpu.memory_space<vmem>>
    %dma_wait3A_302 = arith.constant 0 : i32
    %dma_wait3A_303 = tpu.memref_slice %arg8[%dma_wait3A_302] : memref<1000000xi32, #tpu.memory_space<hbm>> -> memref<1000000xi32, #tpu.memory_space<hbm>>
    tpu.wait_indirect_dma semaphore(%arg16 : memref<!tpu.dma_semaphore, #tpu.memory_space<semaphore_mem>>) src(%dma_wait3A_298 : memref<128xi32, #tpu.memory_space<vmem>>) dst(%dma_wait3A_303 : memref<1000000xi32, #tpu.memory_space<hbm>>)
    %dma_start3A_304 = arith.constant 1 : i32
    %dma_start3A_305 = arith.constant 128 : i32
    %dma_start3A_306 = arith.constant 0 : i32
    %dma_start3A_307 = tpu.memref_slice %arg14[%dma_start3A_305, %dma_start3A_306] : memref<512x64xf32, #tpu.memory_space<vmem>> -> memref<128x64xf32, #tpu.memory_space<vmem>>
    %dma_start3A_308 = arith.constant 0 : i32
    %dma_start3A_309 = tpu.memref_slice %arg12[%dma_start3A_304, %dma_start3A_308] : memref<4x128xi32, #tpu.memory_space<vmem>> -> memref<1x128xi32, #tpu.memory_space<vmem>>
    %dma_start3A_310 = tpu.memref_squeeze %dma_start3A_309 : memref<1x128xi32, #tpu.memory_space<vmem>> -> memref<128xi32, #tpu.memory_space<vmem>>
    %dma_start3A_311 = arith.constant 0 : i32
    %dma_start3A_312 = arith.constant 0 : i32
    %dma_start3A_313 = tpu.memref_slice %arg7[%dma_start3A_311, %dma_start3A_312] : memref<1001472x64xf32, #tpu.memory_space<hbm>> -> memref<1001472x64xf32, #tpu.memory_space<hbm>>
    tpu.enqueue_indirect_dma source(%dma_start3A_307 : memref<128x64xf32, #tpu.memory_space<vmem>>) target(%dma_start3A_313 : memref<1001472x64xf32, #tpu.memory_space<hbm>>) offsets(%dma_start3A_310 : memref<128xi32, #tpu.memory_space<vmem>>) semaphore(%arg16 : memref<!tpu.dma_semaphore, #tpu.memory_space<semaphore_mem>>)
    %dma_wait3A_314 = arith.constant 1 : i32
    %dma_wait3A_315 = arith.constant 128 : i32
    %dma_wait3A_316 = arith.constant 0 : i32
    %dma_wait3A_317 = tpu.memref_slice %arg14[%dma_wait3A_315, %dma_wait3A_316] : memref<512x64xf32, #tpu.memory_space<vmem>> -> memref<128x64xf32, #tpu.memory_space<vmem>>
    %dma_wait3A_318 = arith.constant 0 : i32
    %dma_wait3A_319 = tpu.memref_slice %arg12[%dma_wait3A_314, %dma_wait3A_318] : memref<4x128xi32, #tpu.memory_space<vmem>> -> memref<1x128xi32, #tpu.memory_space<vmem>>
    %dma_wait3A_320 = tpu.memref_squeeze %dma_wait3A_319 : memref<1x128xi32, #tpu.memory_space<vmem>> -> memref<128xi32, #tpu.memory_space<vmem>>
    %dma_wait3A_321 = arith.constant 0 : i32
    %dma_wait3A_322 = arith.constant 0 : i32
    %dma_wait3A_323 = tpu.memref_slice %arg7[%dma_wait3A_321, %dma_wait3A_322] : memref<1001472x64xf32, #tpu.memory_space<hbm>> -> memref<1001472x64xf32, #tpu.memory_space<hbm>>
    tpu.wait_indirect_dma semaphore(%arg16 : memref<!tpu.dma_semaphore, #tpu.memory_space<semaphore_mem>>) src(%dma_wait3A_317 : memref<128x64xf32, #tpu.memory_space<vmem>>) dst(%dma_wait3A_323 : memref<1001472x64xf32, #tpu.memory_space<hbm>>)
    %dma_start3A_324 = arith.constant 1 : i32
    %dma_start3A_325 = arith.constant 1 : i32
    %dma_start3A_326 = arith.constant 0 : i32
    %dma_start3A_327 = tpu.memref_slice %arg15[%dma_start3A_324, %dma_start3A_326] : memref<4x128xi32, #tpu.memory_space<vmem>> -> memref<1x128xi32, #tpu.memory_space<vmem>>
    %dma_start3A_328 = tpu.memref_squeeze %dma_start3A_327 : memref<1x128xi32, #tpu.memory_space<vmem>> -> memref<128xi32, #tpu.memory_space<vmem>>
    %dma_start3A_329 = arith.constant 0 : i32
    %dma_start3A_330 = tpu.memref_slice %arg11[%dma_start3A_325, %dma_start3A_329] : memref<4x128xi32, #tpu.memory_space<vmem>> -> memref<1x128xi32, #tpu.memory_space<vmem>>
    %dma_start3A_331 = tpu.memref_squeeze %dma_start3A_330 : memref<1x128xi32, #tpu.memory_space<vmem>> -> memref<128xi32, #tpu.memory_space<vmem>>
    %dma_start3A_332 = arith.constant 0 : i32
    %dma_start3A_333 = tpu.memref_slice %arg8[%dma_start3A_332] : memref<1000000xi32, #tpu.memory_space<hbm>> -> memref<1000000xi32, #tpu.memory_space<hbm>>
    tpu.enqueue_indirect_dma source(%dma_start3A_328 : memref<128xi32, #tpu.memory_space<vmem>>) target(%dma_start3A_333 : memref<1000000xi32, #tpu.memory_space<hbm>>) offsets(%dma_start3A_331 : memref<128xi32, #tpu.memory_space<vmem>>) semaphore(%arg16 : memref<!tpu.dma_semaphore, #tpu.memory_space<semaphore_mem>>)
    %dma_wait3A_334 = arith.constant 1 : i32
    %dma_wait3A_335 = arith.constant 1 : i32
    %dma_wait3A_336 = arith.constant 0 : i32
    %dma_wait3A_337 = tpu.memref_slice %arg15[%dma_wait3A_334, %dma_wait3A_336] : memref<4x128xi32, #tpu.memory_space<vmem>> -> memref<1x128xi32, #tpu.memory_space<vmem>>
    %dma_wait3A_338 = tpu.memref_squeeze %dma_wait3A_337 : memref<1x128xi32, #tpu.memory_space<vmem>> -> memref<128xi32, #tpu.memory_space<vmem>>
    %dma_wait3A_339 = arith.constant 0 : i32
    %dma_wait3A_340 = tpu.memref_slice %arg11[%dma_wait3A_335, %dma_wait3A_339] : memref<4x128xi32, #tpu.memory_space<vmem>> -> memref<1x128xi32, #tpu.memory_space<vmem>>
    %dma_wait3A_341 = tpu.memref_squeeze %dma_wait3A_340 : memref<1x128xi32, #tpu.memory_space<vmem>> -> memref<128xi32, #tpu.memory_space<vmem>>
    %dma_wait3A_342 = arith.constant 0 : i32
    %dma_wait3A_343 = tpu.memref_slice %arg8[%dma_wait3A_342] : memref<1000000xi32, #tpu.memory_space<hbm>> -> memref<1000000xi32, #tpu.memory_space<hbm>>
    tpu.wait_indirect_dma semaphore(%arg16 : memref<!tpu.dma_semaphore, #tpu.memory_space<semaphore_mem>>) src(%dma_wait3A_338 : memref<128xi32, #tpu.memory_space<vmem>>) dst(%dma_wait3A_343 : memref<1000000xi32, #tpu.memory_space<hbm>>)
    %dma_start3A_344 = arith.constant 2 : i32
    %dma_start3A_345 = arith.constant 256 : i32
    %dma_start3A_346 = arith.constant 0 : i32
    %dma_start3A_347 = tpu.memref_slice %arg14[%dma_start3A_345, %dma_start3A_346] : memref<512x64xf32, #tpu.memory_space<vmem>> -> memref<128x64xf32, #tpu.memory_space<vmem>>
    %dma_start3A_348 = arith.constant 0 : i32
    %dma_start3A_349 = tpu.memref_slice %arg12[%dma_start3A_344, %dma_start3A_348] : memref<4x128xi32, #tpu.memory_space<vmem>> -> memref<1x128xi32, #tpu.memory_space<vmem>>
    %dma_start3A_350 = tpu.memref_squeeze %dma_start3A_349 : memref<1x128xi32, #tpu.memory_space<vmem>> -> memref<128xi32, #tpu.memory_space<vmem>>
    %dma_start3A_351 = arith.constant 0 : i32
    %dma_start3A_352 = arith.constant 0 : i32
    %dma_start3A_353 = tpu.memref_slice %arg7[%dma_start3A_351, %dma_start3A_352] : memref<1001472x64xf32, #tpu.memory_space<hbm>> -> memref<1001472x64xf32, #tpu.memory_space<hbm>>
    tpu.enqueue_indirect_dma source(%dma_start3A_347 : memref<128x64xf32, #tpu.memory_space<vmem>>) target(%dma_start3A_353 : memref<1001472x64xf32, #tpu.memory_space<hbm>>) offsets(%dma_start3A_350 : memref<128xi32, #tpu.memory_space<vmem>>) semaphore(%arg16 : memref<!tpu.dma_semaphore, #tpu.memory_space<semaphore_mem>>)
    %dma_wait3A_354 = arith.constant 2 : i32
    %dma_wait3A_355 = arith.constant 256 : i32
    %dma_wait3A_356 = arith.constant 0 : i32
    %dma_wait3A_357 = tpu.memref_slice %arg14[%dma_wait3A_355, %dma_wait3A_356] : memref<512x64xf32, #tpu.memory_space<vmem>> -> memref<128x64xf32, #tpu.memory_space<vmem>>
    %dma_wait3A_358 = arith.constant 0 : i32
    %dma_wait3A_359 = tpu.memref_slice %arg12[%dma_wait3A_354, %dma_wait3A_358] : memref<4x128xi32, #tpu.memory_space<vmem>> -> memref<1x128xi32, #tpu.memory_space<vmem>>
    %dma_wait3A_360 = tpu.memref_squeeze %dma_wait3A_359 : memref<1x128xi32, #tpu.memory_space<vmem>> -> memref<128xi32, #tpu.memory_space<vmem>>
    %dma_wait3A_361 = arith.constant 0 : i32
    %dma_wait3A_362 = arith.constant 0 : i32
    %dma_wait3A_363 = tpu.memref_slice %arg7[%dma_wait3A_361, %dma_wait3A_362] : memref<1001472x64xf32, #tpu.memory_space<hbm>> -> memref<1001472x64xf32, #tpu.memory_space<hbm>>
    tpu.wait_indirect_dma semaphore(%arg16 : memref<!tpu.dma_semaphore, #tpu.memory_space<semaphore_mem>>) src(%dma_wait3A_357 : memref<128x64xf32, #tpu.memory_space<vmem>>) dst(%dma_wait3A_363 : memref<1001472x64xf32, #tpu.memory_space<hbm>>)
    %dma_start3A_364 = arith.constant 2 : i32
    %dma_start3A_365 = arith.constant 2 : i32
    %dma_start3A_366 = arith.constant 0 : i32
    %dma_start3A_367 = tpu.memref_slice %arg15[%dma_start3A_364, %dma_start3A_366] : memref<4x128xi32, #tpu.memory_space<vmem>> -> memref<1x128xi32, #tpu.memory_space<vmem>>
    %dma_start3A_368 = tpu.memref_squeeze %dma_start3A_367 : memref<1x128xi32, #tpu.memory_space<vmem>> -> memref<128xi32, #tpu.memory_space<vmem>>
    %dma_start3A_369 = arith.constant 0 : i32
    %dma_start3A_370 = tpu.memref_slice %arg11[%dma_start3A_365, %dma_start3A_369] : memref<4x128xi32, #tpu.memory_space<vmem>> -> memref<1x128xi32, #tpu.memory_space<vmem>>
    %dma_start3A_371 = tpu.memref_squeeze %dma_start3A_370 : memref<1x128xi32, #tpu.memory_space<vmem>> -> memref<128xi32, #tpu.memory_space<vmem>>
    %dma_start3A_372 = arith.constant 0 : i32
    %dma_start3A_373 = tpu.memref_slice %arg8[%dma_start3A_372] : memref<1000000xi32, #tpu.memory_space<hbm>> -> memref<1000000xi32, #tpu.memory_space<hbm>>
    tpu.enqueue_indirect_dma source(%dma_start3A_368 : memref<128xi32, #tpu.memory_space<vmem>>) target(%dma_start3A_373 : memref<1000000xi32, #tpu.memory_space<hbm>>) offsets(%dma_start3A_371 : memref<128xi32, #tpu.memory_space<vmem>>) semaphore(%arg16 : memref<!tpu.dma_semaphore, #tpu.memory_space<semaphore_mem>>)
    %dma_wait3A_374 = arith.constant 2 : i32
    %dma_wait3A_375 = arith.constant 2 : i32
    %dma_wait3A_376 = arith.constant 0 : i32
    %dma_wait3A_377 = tpu.memref_slice %arg15[%dma_wait3A_374, %dma_wait3A_376] : memref<4x128xi32, #tpu.memory_space<vmem>> -> memref<1x128xi32, #tpu.memory_space<vmem>>
    %dma_wait3A_378 = tpu.memref_squeeze %dma_wait3A_377 : memref<1x128xi32, #tpu.memory_space<vmem>> -> memref<128xi32, #tpu.memory_space<vmem>>
    %dma_wait3A_379 = arith.constant 0 : i32
    %dma_wait3A_380 = tpu.memref_slice %arg11[%dma_wait3A_375, %dma_wait3A_379] : memref<4x128xi32, #tpu.memory_space<vmem>> -> memref<1x128xi32, #tpu.memory_space<vmem>>
    %dma_wait3A_381 = tpu.memref_squeeze %dma_wait3A_380 : memref<1x128xi32, #tpu.memory_space<vmem>> -> memref<128xi32, #tpu.memory_space<vmem>>
    %dma_wait3A_382 = arith.constant 0 : i32
    %dma_wait3A_383 = tpu.memref_slice %arg8[%dma_wait3A_382] : memref<1000000xi32, #tpu.memory_space<hbm>> -> memref<1000000xi32, #tpu.memory_space<hbm>>
    tpu.wait_indirect_dma semaphore(%arg16 : memref<!tpu.dma_semaphore, #tpu.memory_space<semaphore_mem>>) src(%dma_wait3A_378 : memref<128xi32, #tpu.memory_space<vmem>>) dst(%dma_wait3A_383 : memref<1000000xi32, #tpu.memory_space<hbm>>)
    %dma_start3A_384 = arith.constant 3 : i32
    %dma_start3A_385 = arith.constant 384 : i32
    %dma_start3A_386 = arith.constant 0 : i32
    %dma_start3A_387 = tpu.memref_slice %arg14[%dma_start3A_385, %dma_start3A_386] : memref<512x64xf32, #tpu.memory_space<vmem>> -> memref<128x64xf32, #tpu.memory_space<vmem>>
    %dma_start3A_388 = arith.constant 0 : i32
    %dma_start3A_389 = tpu.memref_slice %arg12[%dma_start3A_384, %dma_start3A_388] : memref<4x128xi32, #tpu.memory_space<vmem>> -> memref<1x128xi32, #tpu.memory_space<vmem>>
    %dma_start3A_390 = tpu.memref_squeeze %dma_start3A_389 : memref<1x128xi32, #tpu.memory_space<vmem>> -> memref<128xi32, #tpu.memory_space<vmem>>
    %dma_start3A_391 = arith.constant 0 : i32
    %dma_start3A_392 = arith.constant 0 : i32
    %dma_start3A_393 = tpu.memref_slice %arg7[%dma_start3A_391, %dma_start3A_392] : memref<1001472x64xf32, #tpu.memory_space<hbm>> -> memref<1001472x64xf32, #tpu.memory_space<hbm>>
    tpu.enqueue_indirect_dma source(%dma_start3A_387 : memref<128x64xf32, #tpu.memory_space<vmem>>) target(%dma_start3A_393 : memref<1001472x64xf32, #tpu.memory_space<hbm>>) offsets(%dma_start3A_390 : memref<128xi32, #tpu.memory_space<vmem>>) semaphore(%arg16 : memref<!tpu.dma_semaphore, #tpu.memory_space<semaphore_mem>>)
    %dma_wait3A_394 = arith.constant 3 : i32
    %dma_wait3A_395 = arith.constant 384 : i32
    %dma_wait3A_396 = arith.constant 0 : i32
    %dma_wait3A_397 = tpu.memref_slice %arg14[%dma_wait3A_395, %dma_wait3A_396] : memref<512x64xf32, #tpu.memory_space<vmem>> -> memref<128x64xf32, #tpu.memory_space<vmem>>
    %dma_wait3A_398 = arith.constant 0 : i32
    %dma_wait3A_399 = tpu.memref_slice %arg12[%dma_wait3A_394, %dma_wait3A_398] : memref<4x128xi32, #tpu.memory_space<vmem>> -> memref<1x128xi32, #tpu.memory_space<vmem>>
    %dma_wait3A_400 = tpu.memref_squeeze %dma_wait3A_399 : memref<1x128xi32, #tpu.memory_space<vmem>> -> memref<128xi32, #tpu.memory_space<vmem>>
    %dma_wait3A_401 = arith.constant 0 : i32
    %dma_wait3A_402 = arith.constant 0 : i32
    %dma_wait3A_403 = tpu.memref_slice %arg7[%dma_wait3A_401, %dma_wait3A_402] : memref<1001472x64xf32, #tpu.memory_space<hbm>> -> memref<1001472x64xf32, #tpu.memory_space<hbm>>
    tpu.wait_indirect_dma semaphore(%arg16 : memref<!tpu.dma_semaphore, #tpu.memory_space<semaphore_mem>>) src(%dma_wait3A_397 : memref<128x64xf32, #tpu.memory_space<vmem>>) dst(%dma_wait3A_403 : memref<1001472x64xf32, #tpu.memory_space<hbm>>)
    %dma_start3A_404 = arith.constant 3 : i32
    %dma_start3A_405 = arith.constant 3 : i32
    %dma_start3A_406 = arith.constant 0 : i32
    %dma_start3A_407 = tpu.memref_slice %arg15[%dma_start3A_404, %dma_start3A_406] : memref<4x128xi32, #tpu.memory_space<vmem>> -> memref<1x128xi32, #tpu.memory_space<vmem>>
    %dma_start3A_408 = tpu.memref_squeeze %dma_start3A_407 : memref<1x128xi32, #tpu.memory_space<vmem>> -> memref<128xi32, #tpu.memory_space<vmem>>
    %dma_start3A_409 = arith.constant 0 : i32
    %dma_start3A_410 = tpu.memref_slice %arg11[%dma_start3A_405, %dma_start3A_409] : memref<4x128xi32, #tpu.memory_space<vmem>> -> memref<1x128xi32, #tpu.memory_space<vmem>>
    %dma_start3A_411 = tpu.memref_squeeze %dma_start3A_410 : memref<1x128xi32, #tpu.memory_space<vmem>> -> memref<128xi32, #tpu.memory_space<vmem>>
    %dma_start3A_412 = arith.constant 0 : i32
    %dma_start3A_413 = tpu.memref_slice %arg8[%dma_start3A_412] : memref<1000000xi32, #tpu.memory_space<hbm>> -> memref<1000000xi32, #tpu.memory_space<hbm>>
    tpu.enqueue_indirect_dma source(%dma_start3A_408 : memref<128xi32, #tpu.memory_space<vmem>>) target(%dma_start3A_413 : memref<1000000xi32, #tpu.memory_space<hbm>>) offsets(%dma_start3A_411 : memref<128xi32, #tpu.memory_space<vmem>>) semaphore(%arg16 : memref<!tpu.dma_semaphore, #tpu.memory_space<semaphore_mem>>)
    %dma_wait3A_414 = arith.constant 3 : i32
    %dma_wait3A_415 = arith.constant 3 : i32
    %dma_wait3A_416 = arith.constant 0 : i32
    %dma_wait3A_417 = tpu.memref_slice %arg15[%dma_wait3A_414, %dma_wait3A_416] : memref<4x128xi32, #tpu.memory_space<vmem>> -> memref<1x128xi32, #tpu.memory_space<vmem>>
    %dma_wait3A_418 = tpu.memref_squeeze %dma_wait3A_417 : memref<1x128xi32, #tpu.memory_space<vmem>> -> memref<128xi32, #tpu.memory_space<vmem>>
    %dma_wait3A_419 = arith.constant 0 : i32
    %dma_wait3A_420 = tpu.memref_slice %arg11[%dma_wait3A_415, %dma_wait3A_419] : memref<4x128xi32, #tpu.memory_space<vmem>> -> memref<1x128xi32, #tpu.memory_space<vmem>>
    %dma_wait3A_421 = tpu.memref_squeeze %dma_wait3A_420 : memref<1x128xi32, #tpu.memory_space<vmem>> -> memref<128xi32, #tpu.memory_space<vmem>>
    %dma_wait3A_422 = arith.constant 0 : i32
    %dma_wait3A_423 = tpu.memref_slice %arg8[%dma_wait3A_422] : memref<1000000xi32, #tpu.memory_space<hbm>> -> memref<1000000xi32, #tpu.memory_space<hbm>>
    tpu.wait_indirect_dma semaphore(%arg16 : memref<!tpu.dma_semaphore, #tpu.memory_space<semaphore_mem>>) src(%dma_wait3A_418 : memref<128xi32, #tpu.memory_space<vmem>>) dst(%dma_wait3A_423 : memref<1000000xi32, #tpu.memory_space<hbm>>)
    return
  }
}

module attributes {stable_mosaic.version = 14 : i64} {
  func.func @_tr_in_body(%arg0: i32, %arg1: memref<64x2048xf32, #tpu.memory_space<vmem>>, %arg2: memref<1024x128xf32, #tpu.memory_space<vmem>>) attributes {dimension_semantics = [#tpu.dimension_semantics<arbitrary>], iteration_bounds = array<i64: 489>, scalar_prefetch = 0 : i64, scratch_operands = 0 : i64, tpu.core_type = #tpu.core_type<tc>, window_params = [{transform_indices = @transform_0, window_bounds = array<i64: 64, 2048>}, {transform_indices = @transform_1, window_bounds = array<i64: 1024, 128>}]} {
    %get3A = arith.constant 0 : index
    %get3A_0 = arith.constant 0 : index
    %get3A_1 = vector.load %arg1[%get3A, %get3A_0] : memref<64x2048xf32, #tpu.memory_space<vmem>>, vector<64x2048xf32>
    %transpose3A = tpu.transpose %get3A_1, [1, 0] : vector<64x2048xf32> -> vector<2048x64xf32>
    %slice3A = vector.extract_strided_slice %transpose3A {offsets = [0, 0], sizes = [1024, 64], strides = [1, 1]} : vector<2048x64xf32> to vector<1024x64xf32>
    %slice3A_2 = vector.extract_strided_slice %transpose3A {offsets = [1024, 0], sizes = [1024, 64], strides = [1, 1]} : vector<2048x64xf32> to vector<1024x64xf32>
    %concatenate3A = tpu.concatenate %slice3A, %slice3A_2 in 1 : vector<1024x64xf32>, vector<1024x64xf32> -> vector<1024x128xf32>
    %swap3A = arith.constant 0 : index
    %swap3A_3 = arith.constant 0 : index
    %swap3A_4 = vector.load %arg2[%swap3A, %swap3A_3] : memref<1024x128xf32, #tpu.memory_space<vmem>>, vector<1024x128xf32>
    tpu.vector_store %arg2[%swap3A, %swap3A_3], %concatenate3A {strides = array<i32>} : memref<1024x128xf32, #tpu.memory_space<vmem>>, vector<1024x128xf32>,
    return
  }
  func.func @transform_0(%arg0: i32) -> (i32, i32) {
    %c0_i32 = arith.constant 0 : i32
    %c0_i32_0 = arith.constant 0 : i32
    return %c0_i32, %arg0 : i32, i32
  }
  func.func @transform_1(%arg0: i32) -> (i32, i32) {
    %c0_i32 = arith.constant 0 : i32
    %c0_i32_0 = arith.constant 0 : i32
    return %arg0, %c0_i32 : i32, i32
  }
}

module attributes {stable_mosaic.version = 14 : i64} {
  func.func @_tc_body(%arg0: i32, %arg1: memref<1024x64xf32, #tpu.memory_space<vmem>>, %arg2: memref<1024x64xf32, #tpu.memory_space<vmem>>, %arg3: memref<1024xi32, #tpu.memory_space<vmem>>, %arg4: memref<1000x64xf32, #tpu.memory_space<vmem>>, %arg5: memref<1024x64xf32, #tpu.memory_space<vmem>>, %arg6: memref<1024xi32, #tpu.memory_space<vmem>>, %arg7: memref<1x1xf32, #tpu.memory_space<smem>>) attributes {dimension_semantics = [#tpu.dimension_semantics<arbitrary>], iteration_bounds = array<i64: 16>, scalar_prefetch = 0 : i64, scratch_operands = 0 : i64, tpu.core_type = #tpu.core_type<tc>, window_params = [{transform_indices = @transform_0, window_bounds = array<i64: 1024, 64>}, {transform_indices = @transform_1, window_bounds = array<i64: 1024, 64>}, {transform_indices = @transform_2, window_bounds = array<i64: 1024>}, {pipeline_mode = #tpu.pipeline_mode<synchronous>, transform_indices = @transform_3, window_bounds = array<i64: 1000, 64>}, {transform_indices = @transform_4, window_bounds = array<i64: 1024, 64>}, {transform_indices = @transform_5, window_bounds = array<i64: 1024>}, {transform_indices = @transform_6, window_bounds = array<i64: 1, 1>}]} {
    %get3A = arith.constant 0 : index
    %get3A_0 = arith.constant 0 : index
    %get3A_1 = vector.load %arg1[%get3A, %get3A_0] : memref<1024x64xf32, #tpu.memory_space<vmem>>, vector<1024x64xf32>
    %get3A_2 = arith.constant 0 : index
    %get3A_3 = arith.constant 0 : index
    %get3A_4 = vector.load %arg2[%get3A_2, %get3A_3] : memref<1024x64xf32, #tpu.memory_space<vmem>>, vector<1024x64xf32>
    %mul3A = arith.mulf %get3A_1, %get3A_1 : vector<1024x64xf32>
    %reduce_sum3A = arith.constant dense<0.000000e+00> : vector<1024xf32>
    %reduce_sum3A_5 = vector.multi_reduction <add>, %mul3A, %reduce_sum3A [1] : vector<1024x64xf32> to vector<1024xf32>
    %broadcast_in_dim3A = vector.shape_cast %reduce_sum3A_5 : vector<1024xf32> to vector<1024x1xf32>
    %sqrt3A = math.sqrt %broadcast_in_dim3A : vector<1024x1xf32>
    %add3A = arith.constant 1.000000e-10 : f32
    %add3A_6 = vector.broadcast %add3A : f32 to vector<1024x1xf32>
    %add3A_7 = arith.addf %sqrt3A, %add3A_6 : vector<1024x1xf32>
    %div3A = vector.broadcast %add3A_7 : vector<1024x1xf32> to vector<1024x64xf32>
    %div3A_8 = arith.divf %get3A_1, %div3A : vector<1024x64xf32>
    %mul3A_9 = arith.constant 5.000000e-01 : f32
    %mul3A_10 = vector.broadcast %mul3A_9 : f32 to vector<1024x64xf32>
    %mul3A_11 = arith.mulf %mul3A_10, %get3A_4 : vector<1024x64xf32>
    %mul3A_12 = arith.constant 5.000000e-01 : f32
    %mul3A_13 = vector.broadcast %mul3A_12 : f32 to vector<1024x64xf32>
    %mul3A_14 = arith.mulf %mul3A_13, %div3A_8 : vector<1024x64xf32>
    %add3A_15 = arith.addf %mul3A_11, %mul3A_14 : vector<1024x64xf32>
    %mul3A_16 = arith.mulf %add3A_15, %add3A_15 : vector<1024x64xf32>
    %reduce_sum3A_17 = arith.constant dense<0.000000e+00> : vector<1024xf32>
    %reduce_sum3A_18 = vector.multi_reduction <add>, %mul3A_16, %reduce_sum3A_17 [1] : vector<1024x64xf32> to vector<1024xf32>
    %broadcast_in_dim3A_19 = vector.shape_cast %reduce_sum3A_18 : vector<1024xf32> to vector<1024x1xf32>
    %sqrt3A_20 = math.sqrt %broadcast_in_dim3A_19 : vector<1024x1xf32>
    %add3A_21 = arith.constant 1.000000e-10 : f32
    %add3A_22 = vector.broadcast %add3A_21 : f32 to vector<1024x1xf32>
    %add3A_23 = arith.addf %sqrt3A_20, %add3A_22 : vector<1024x1xf32>
    %div3A_24 = vector.broadcast %add3A_23 : vector<1024x1xf32> to vector<1024x64xf32>
    %div3A_25 = arith.divf %add3A_15, %div3A_24 : vector<1024x64xf32>
    %swap3A = arith.constant 0 : index
    %swap3A_26 = arith.constant 0 : index
    %swap3A_27 = vector.load %arg5[%swap3A, %swap3A_26] : memref<1024x64xf32, #tpu.memory_space<vmem>>, vector<1024x64xf32>
    tpu.vector_store %arg5[%swap3A, %swap3A_26], %div3A_25 {strides = array<i32>} : memref<1024x64xf32, #tpu.memory_space<vmem>>, vector<1024x64xf32>,
    %get3A_28 = arith.constant 0 : index
    %get3A_29 = arith.constant 0 : index
    %get3A_30 = vector.load %arg4[%get3A_28, %get3A_29] : memref<1000x64xf32, #tpu.memory_space<vmem>>, vector<1000x64xf32>
    %dot_general3A = arith.constant dense<0.000000e+00> : vector<1024x1000xf32>
    %dot_general3A_31 = tpu.matmul %div3A_25, %get3A_30, %dot_general3A {dimension_numbers = #tpu.dot_dimension_numbers<[1], [1], [0], [0], [0, 0, 1, 0], [], []>, transpose_lhs_hint = false} : vector<1024x64xf32>, vector<1000x64xf32>, vector<1024x1000xf32> -> vector<1024x1000xf32>
    %reduce_max3A = arith.constant dense<0xFF800000> : vector<1024xf32>
    %reduce_max3A_32 = vector.multi_reduction <maximumf>, %dot_general3A_31, %reduce_max3A [1] : vector<1024x1000xf32> to vector<1024xf32>
    %broadcast_in_dim3A_33 = vector.shape_cast %reduce_max3A_32 : vector<1024xf32> to vector<1024x1xf32>
    %iota3A = tpu.iota {dimensions = array<i32: 1>} : vector<1024x1000xi32>
    %ge3A = vector.broadcast %broadcast_in_dim3A_33 : vector<1024x1xf32> to vector<1024x1000xf32>
    %ge3A_34 = arith.cmpf oge, %dot_general3A_31, %ge3A : vector<1024x1000xf32>
    %jit3A = arith.constant 1000 : i32
    %broadcast_in_dim3A_35 = vector.broadcast %jit3A : i32 to vector<1024x1000xi32>
    %select_n3A = arith.select %ge3A_34, %iota3A, %broadcast_in_dim3A_35 : vector<1024x1000xi1>, vector<1024x1000xi32>
    %reduce_min3A = arith.constant dense<2147483647> : vector<1024xi32>
    %reduce_min3A_36 = vector.multi_reduction <minsi>, %select_n3A, %reduce_min3A [1] : vector<1024x1000xi32> to vector<1024xi32>
    %swap3A_37 = arith.constant 0 : index
    %swap3A_38 = vector.load %arg6[%swap3A_37] : memref<1024xi32, #tpu.memory_space<vmem>>, vector<1024xi32>
    tpu.vector_store %arg6[%swap3A_37], %reduce_min3A_36 {strides = array<i32>} : memref<1024xi32, #tpu.memory_space<vmem>>, vector<1024xi32>,
    %get3A_39 = arith.constant 0 : index
    %get3A_40 = vector.load %arg3[%get3A_39] : memref<1024xi32, #tpu.memory_space<vmem>>, vector<1024xi32>
    %ne3A = arith.cmpi ne, %reduce_min3A_36, %get3A_40 : vector<1024xi32>
    %convert_element_type3A = arith.extui %ne3A : vector<1024xi1> to vector<1024xi32>
    %convert_element_type3A_41 = arith.sitofp %convert_element_type3A : vector<1024xi32> to vector<1024xf32>
    %reduce_sum3A_42 = vector.shape_cast %convert_element_type3A_41 : vector<1024xf32> to vector<1x1024xf32>
    %reduce_sum3A_43 = arith.constant dense<0.000000e+00> : vector<1xf32>
    %reduce_sum3A_44 = vector.multi_reduction <add>, %reduce_sum3A_42, %reduce_sum3A_43 [1] : vector<1x1024xf32> to vector<1xf32>
    %reduce_sum3A_45 = vector.shape_cast %reduce_sum3A_44 : vector<1xf32> to vector<1x1xf32>
    %reduce_sum3A_46 = vector.extract %reduce_sum3A_45[0, 0] : f32 from vector<1x1xf32>
    %eq3A = arith.constant 0 : i32
    %eq3A_47 = arith.cmpi eq, %arg0, %eq3A : i32
    %convert_element_type3A_48 = arith.extui %eq3A_47 : i1 to i32
    %cond3A = arith.constant 0 : i32
    %cond3A_49 = arith.cmpi ne, %convert_element_type3A_48, %cond3A : i32
    scf.if %cond3A_49 {
      %swap3A_57 = arith.constant 0.000000e+00 : f32
      %swap3A_58 = arith.constant 0 : index
      %swap3A_59 = arith.constant 0 : index
      %swap3A_60 = memref.load %arg7[%swap3A_58, %swap3A_59] : memref<1x1xf32, #tpu.memory_space<smem>>
      memref.store %swap3A_57, %arg7[%swap3A_58, %swap3A_59] : memref<1x1xf32, #tpu.memory_space<smem>>
    } else {
    }
    %get3A_50 = arith.constant 0 : index
    %get3A_51 = arith.constant 0 : index
    %get3A_52 = memref.load %arg7[%get3A_50, %get3A_51] : memref<1x1xf32, #tpu.memory_space<smem>>
    %add3A_53 = arith.addf %get3A_52, %reduce_sum3A_46 : f32
    %swap3A_54 = arith.constant 0 : index
    %swap3A_55 = arith.constant 0 : index
    %swap3A_56 = memref.load %arg7[%swap3A_54, %swap3A_55] : memref<1x1xf32, #tpu.memory_space<smem>>
    memref.store %add3A_53, %arg7[%swap3A_54, %swap3A_55] : memref<1x1xf32, #tpu.memory_space<smem>>
    return
  }
  func.func @transform_0(%arg0: i32) -> (i32, i32) {
    %c0_i32 = arith.constant 0 : i32
    %c0_i32_0 = arith.constant 0 : i32
    return %arg0, %c0_i32 : i32, i32
  }
  func.func @transform_1(%arg0: i32) -> (i32, i32) {
    %c0_i32 = arith.constant 0 : i32
    %c0_i32_0 = arith.constant 0 : i32
    return %arg0, %c0_i32 : i32, i32
  }
  func.func @transform_2(%arg0: i32) -> i32 {
    %c0_i32 = arith.constant 0 : i32
    return %arg0 : i32
  }
  func.func @transform_3(%arg0: i32) -> (i32, i32) {
    %c0_i32 = arith.constant 0 : i32
    %c0_i32_0 = arith.constant 0 : i32
    %c0_i32_1 = arith.constant 0 : i32
    return %c0_i32, %c0_i32_0 : i32, i32
  }
  func.func @transform_4(%arg0: i32) -> (i32, i32) {
    %c0_i32 = arith.constant 0 : i32
    %c0_i32_0 = arith.constant 0 : i32
    return %arg0, %c0_i32 : i32, i32
  }
  func.func @transform_5(%arg0: i32) -> i32 {
    %c0_i32 = arith.constant 0 : i32
    return %arg0 : i32
  }
  func.func @transform_6(%arg0: i32) -> (i32, i32) {
    %c0_i32 = arith.constant 0 : i32
    %c0_i32_0 = arith.constant 0 : i32
    %c0_i32_1 = arith.constant 0 : i32
    return %c0_i32, %c0_i32_0 : i32, i32
  }
}

module attributes {stable_mosaic.version = 14 : i64} {
  func.func @_tr_out_body(%arg0: i32, %arg1: memref<1024x128xf32, #tpu.memory_space<vmem>>, %arg2: memref<64x2048xf32, #tpu.memory_space<vmem>>) attributes {dimension_semantics = [#tpu.dimension_semantics<arbitrary>], iteration_bounds = array<i64: 489>, scalar_prefetch = 0 : i64, scratch_operands = 0 : i64, tpu.core_type = #tpu.core_type<tc>, window_params = [{transform_indices = @transform_0, window_bounds = array<i64: 1024, 128>}, {transform_indices = @transform_1, window_bounds = array<i64: 64, 2048>}]} {
    %get3A = arith.constant 0 : index
    %get3A_0 = arith.constant 0 : index
    %get3A_1 = vector.load %arg1[%get3A, %get3A_0] : memref<1024x128xf32, #tpu.memory_space<vmem>>, vector<1024x128xf32>
    %slice3A = vector.extract_strided_slice %get3A_1 {offsets = [0, 0], sizes = [1024, 64], strides = [1, 1]} : vector<1024x128xf32> to vector<1024x64xf32>
    %slice3A_2 = vector.extract_strided_slice %get3A_1 {offsets = [0, 64], sizes = [1024, 64], strides = [1, 1]} : vector<1024x128xf32> to vector<1024x64xf32>
    %concatenate3A = tpu.concatenate %slice3A, %slice3A_2 in 0 : vector<1024x64xf32>, vector<1024x64xf32> -> vector<2048x64xf32>
    %transpose3A = tpu.transpose %concatenate3A, [1, 0] : vector<2048x64xf32> -> vector<64x2048xf32>
    %swap3A = arith.constant 0 : index
    %swap3A_3 = arith.constant 0 : index
    %swap3A_4 = vector.load %arg2[%swap3A, %swap3A_3] : memref<64x2048xf32, #tpu.memory_space<vmem>>, vector<64x2048xf32>
    tpu.vector_store %arg2[%swap3A, %swap3A_3], %transpose3A {strides = array<i32>} : memref<64x2048xf32, #tpu.memory_space<vmem>>, vector<64x2048xf32>,
    return
  }
  func.func @transform_0(%arg0: i32) -> (i32, i32) {
    %c0_i32 = arith.constant 0 : i32
    %c0_i32_0 = arith.constant 0 : i32
    return %arg0, %c0_i32 : i32, i32
  }
  func.func @transform_1(%arg0: i32) -> (i32, i32) {
    %c0_i32 = arith.constant 0 : i32
    %c0_i32_0 = arith.constant 0 : i32
    return %c0_i32, %arg0 : i32, i32
  }
}

</mosaic_0001>

<sc_bundles>
// kernel: kernel.10.cloned.1.call-start
scs
__scs_entry_jumppad:
0x0: {  	(pc) =	sbr.rel $0x88, $3  }
0x1: {  	(tag) =	ssettag $0x0;
	lr =	simm.s32 $0x1  }
0x2: {  	[smem:$0x3F9C] =	sst lr;
	_ =	strace $0xD0000000  }
0x3: {  	_ = 	snop  }
0x4: {  	_ = 	snop  }
0x5: {  	_ = 	snop  }
0x6: {  	_ = 	snop  }
0x7: {  	_ = 	snop  }
__scs_overlays_trampoline_lowered:
0x8: {  	[smem:$0x3FAB] =	sst s0  }
0x9: {  	[smem:$0x3FAC] =	sst s1  }
0xa: {  	[smem:$0x3FAD] =	sst s2  }
0xb: {  	[smem:$0x3FAE] =	sst s3  }
0xc: {  	[smem:$0x3FAF] =	sst s4  }
0xd: {  	[smem:$0x3FB0] =	sst s5  }
0xe: {  	[smem:$0x3FB1] =	sst s6  }
0xf: {  	[smem:$0x3FB2] =	sst s7  }
0x10: {  	[smem:$0x3FB3] =	sst s8  }
0x11: {  	[smem:$0x3FB4] =	sst s9;
	s0 =	simm.s32 @!p0 $0x0  }
0x12: {  	s1 =	sld [smem:$0x3F9A];
	s0 =	simm.s32 @p0 $0x1  }
0x13: {  	[smem:$0x3FB5] =	sst s0;
	s0 =	simm.s32 @!p1 $0x0  }
0x14: {  	s2 =	sld [smem:$0x3F99];
	s0 =	simm.s32 @p1 $0x1  }
0x15: {  	[smem:$0x3FB6] =	sst s0;
	s0 =	simm.s32 @!p2 $0x0  }
0x16: {  	s3 =	sld [smem:$0x3FDB];
	s0 =	simm.s32 @p2 $0x1  }
0x17: {  	s4 =	simm.s32 $0x1BF5;
	[smem:$0x3FB8] =	sst s0  }
0x18: {  	s0 =	sld [smem:$0x3F9B];
	_ =	swait.ge [sflag:s4], $0x0  }
0x19: {  	s7 =	sld [smem:$0x3F9C]  }
0x1a: {  	s8 =	sadd.s32 $0xFFFFE003, lr  }
0x1b: {  	s9 =	sadd.s32 $0xFFFFFEF7, lr;
	s5 =	simm.s32 $0xFFFFFFFF;
	p2 =	slt.u32 s8, $0xFFFFF086  }
0x1c: {  	p1 =	slt.u32 s9, $0xF7A;
	s5 =	simm.s32 @!p2 $0x0  }
0x1d: {  	s5 =	simm.s32 @p1 $0x1;
	p0 =	seq.s32 s7, s2  }
0x1e: {  	s7 =	smul.u32 @!p0 $0xF7A, s2;
	p2 =	seq.s32 @!p0 s5, $0x0  }
0x1f: {  	s9 =	smul.u32 $0xF7A, s1;
	s8 =	simm.s32 @!p0 $0x1BF5;
	p2 =	por !p2, p0  }
0x20: {  	[sflag:s8] =	ssyncset.s32 @!p0 $0xFFFFF086;
	s6 =	sadd.s32 @!p0 s3, s7;
	s7 =	simm.s32 @!p0 $0x108  }
0x21: {  	s3 =	sadd.s32 s3, s9;
	s6 =	sadd.s32 @!p0 $0x88, s6;
	s7 =	simm.s32 @p2 $0x1082  }
0x22: {  	[simem:s7], [sflag:s8] =	dma.local @!p0 [hbm:s6], $0xF7A  }
0x23: {  	s9 =	sor.u32 $0xD0000000, s2;
	s6 =	simm.s32 $0x108;
	_ =	swait.ge @!p0 [sflag:s8], $0x0  }
0x24: {  	s3 =	sadd.s32 $0x88, s3;
	s6 =	simm.s32 @!p1 $0x1082;
	[sflag:s4] =	ssyncset.s32 $0xFFFFF086  }
0x25: {  	[simem:s6], [sflag:s4] =	dma.local [hbm:s3], $0xF7A  }
0x26: {  	[smem:$0x3F9C] =	sst s1;
	(tag) =	ssettag s2;
	_ =	strace s9  }
0x27: {  	s1 =	sld [smem:$0x3FAC]  }
0x28: {  	s2 =	sld [smem:$0x3FAD]  }
0x29: {  	s4 =	sld [smem:$0x3FAF]  }
0x2a: {  	p0 =	seq.s32 s5, $0x0;
	s5 =	sld [smem:$0x3FB0]  }
0x2b: {  	s6 =	sld [smem:$0x3FB1]  }
0x2c: {  	s7 =	sld [smem:$0x3FB2]  }
0x2d: {  	s3 =	simm.s32 $0x108;
	s8 =	sld [smem:$0x3FB3]  }
0x2e: {  	s3 =	simm.s32 @!p0 $0x1082;
	s9 =	sld [smem:$0x3FB4]  }
0x2f: {  	lr =	sadd.s32 s0, s3;
	s0 =	sld [smem:$0x3FAB]  }
0x30: {  	s3 =	sld [smem:$0x3FAE]  }
0x31: {  	[smem:$0x3FB7] =	sst s10  }
0x32: {  	s10 =	sld [smem:$0x3FB5];
	_ =	sdelay $0x3  }
0x33: {  	p0 =	seq.s32 s10, $0x1;
	s10 =	sld [smem:$0x3FB7];
	_ =	sdelay $0x3  }
0x34: {  	[smem:$0x3FB7] =	sst s10  }
0x35: {  	s10 =	sld [smem:$0x3FB6];
	_ =	sdelay $0x3  }
0x36: {  	p1 =	seq.s32 s10, $0x1;
	s10 =	sld [smem:$0x3FB7];
	_ =	sdelay $0x3  }
0x37: {  	[smem:$0x3FB7] =	sst s10  }
0x38: {  	s10 =	sld [smem:$0x3FB8]  }
0x39: {  	_ = 	snop;
	(pc) =	sbr.ind lr, $3  }
0x3a: {  	_ = 	snop  }
0x3b: {  	_ = 	snop  }
0x3c: {  	p2 =	seq.s32 s10, $0x1;
	s10 =	sld [smem:$0x3FB7]  }
0x3d: {  	_ =	shalt  }
0x3e: {  	_ =	shalt  }
0x3f: {  	_ =	shalt  }
0x40: {  	_ =	shalt  }
0x41: {  	_ =	shalt  }
0x42: {  	_ =	shalt  }
0x43: {  	_ =	shalt  }
0x44: {  	_ =	shalt  }
0x45: {  	_ =	shalt  }
0x46: {  	_ =	shalt  }
0x47: {  	_ =	shalt  }
0x48: {  	_ =	shalt  }
0x49: {  	_ =	shalt  }
0x4a: {  	_ =	shalt  }
0x4b: {  	_ =	shalt  }
0x4c: {  	_ =	shalt  }
0x4d: {  	_ =	shalt  }
0x4e: {  	_ =	shalt  }
0x4f: {  	_ =	shalt  }
0x50: {  	_ =	shalt  }
0x51: {  	_ =	shalt  }
0x52: {  	_ =	shalt  }
0x53: {  	_ =	shalt  }
0x54: {  	_ =	shalt  }
0x55: {  	_ =	shalt  }
0x56: {  	_ =	shalt  }
0x57: {  	_ =	shalt  }
0x58: {  	_ =	shalt  }
0x59: {  	_ =	shalt  }
0x5a: {  	_ =	shalt  }
0x5b: {  	_ =	shalt  }
0x5c: {  	_ =	shalt  }
0x5d: {  	_ =	shalt  }
0x5e: {  	_ =	shalt  }
0x5f: {  	_ =	shalt  }
0x60: {  	_ =	shalt  }
0x61: {  	_ =	shalt  }
0x62: {  	_ =	shalt  }
0x63: {  	_ =	shalt  }
0x64: {  	_ =	shalt  }
0x65: {  	_ =	shalt  }
0x66: {  	_ =	shalt  }
0x67: {  	_ =	shalt  }
0x68: {  	_ =	shalt  }
0x69: {  	_ =	shalt  }
0x6a: {  	_ =	shalt  }
0x6b: {  	_ =	shalt  }
0x6c: {  	_ =	shalt  }
0x6d: {  	_ =	shalt  }
0x6e: {  	_ =	shalt  }
0x6f: {  	_ =	shalt  }
0x70: {  	_ =	shalt  }
0x71: {  	_ =	shalt  }
0x72: {  	_ =	shalt  }
0x73: {  	_ =	shalt  }
0x74: {  	_ =	shalt  }
0x75: {  	_ =	shalt  }
0x76: {  	_ =	shalt  }
0x77: {  	_ =	shalt  }
0x78: {  	_ =	shalt  }
0x79: {  	_ =	shalt  }
0x7a: {  	_ =	shalt  }
0x7b: {  	_ =	shalt  }
0x7c: {  	_ =	shalt  }
0x7d: {  	_ =	shalt  }
0x7e: {  	_ =	shalt  }
0x7f: {  	_ =	shalt  }
0x80: {  	_ =	shalt  }
0x81: {  	_ =	shalt  }
0x82: {  	_ =	shalt  }
0x83: {  	_ =	shalt  }
0x84: {  	_ =	shalt  }
0x85: {  	_ =	shalt  }
0x86: {  	_ =	shalt  }
0x87: {  	_ =	shalt  }
.Lfunc_end0:
.L_simem_size_0:
called_computation.2_lowered:
.L_overlay_start_0:
0x88: {  	s2 =	sld [smem:$0x3FD9]  }
0x89: {  	s3 =	sld [smem:$0x3FFE];
	_ =	sdelay $0x1  }
0x8a: {  	s1 =	srdreg.scid  }
0x8b: {  	s0 =	sand.u32 $0x1, s1  }
0x8c: {  	s14 =	sshll.u32 s0, $0xA;
	s2 =	sadd.s32 s3, s2  }
0x8d: {  	s2 =	sadd.s32 s2, s14  }
0x8e: {  	[smem:$0x3FC3] =	sst s2  }
0x8f: {  	_ = 	snop  }
0x90: {  	s2 =	sld [smem:$0x3FD0];
	_ =	sdelay $0x2  }
0x91: {  	s4 =	simm.s32 $0xA;
	s5 =	simm.s32 $0x10;
	s15 =	sld [smem:$0x3FC9]  }
0x92: {  	[smem:s5], [sflag:s4] =	dma.local [hbm:s2], $0x1  }
0x93: {  	_ =	swait.eq [sflag:s4], $0x1  }
0x94: {  	[sflag:s4] =	ssyncset.done $0x0  }
0x95: {  	s16 =	sld [smem:$0x11];
	[sflag:s4] =	ssyncadd.s32 $0xFFFFFFFF  }
0x96: {  	s17 =	sld [smem:$0x12];
	(tm) =	ssettm $0x1  }
0x97: {  	s18 =	sld [smem:$0x3FFB];
	_ =	sdelay $0x3  }
0x98: {  	_ =	strace s18  }
0x99: {  	s5 =	sld [smem:$0x3FFC];
	_ =	sdelay $0x3  }
0x9a: {  	_ =	strace s5  }
0x9b: {  	s5 =	sld [smem:$0x3FFD];
	_ =	sdelay $0x3  }
0x9c: {  	_ =	strace s5  }
0x9d: {  	_ =	strace $0x8FFFFFFF  }
0x9e: {  	s19 =	sld [smem:$0x3FDB];
	_ =	sdelay $0x1  }
0x9f: {  	s6 =	simm.s32 $_scs_section_size  }
0xa0: {  	s7 =	simm.s32 $_size__tile_overlayer_lowered;
	s8 =	simm.s32 $_tile_overlayer_lowered  }
0xa1: {  	s22 =	simm.s32 $0x1BFF;
	s21 =	sshll.u32 s8, $0x1;
	s5 =	sadd.s32 s6, s19  }
0xa2: {  	s9 =	simm.s32 $0x0;
	s20 =	sshll.u32 s7, $0x1;
	s7 =	sadd.s32 s21, s5  }
0xa3: {  	[timem:s9], [sflag:s22] =	dma.local [hbm:s7], s20  }
0xa4: {  	_ =	swait.ge [sflag:s22], s20  }
0xa5: {  	s6 =	ssub.s32 $0x0, s20;
	[sflag:s22] =	ssyncset.done $0x0  }
0xa6: {  	[sflag:s22] =	ssyncadd.s32 s6;
	_ =	sdelay $0x1  }
0xa7: {  	s23 =	simm.s32 $0x1B8B  }
0xa8: {  	_ =	swait.ge [sflag:s23], $0x1  }
0xa9: {  	[sflag:s23] =	ssyncset.done $0x0  }
0xaa: {  	s25 =	simm.s32 $0x1B8E;
	s24 =	sld [smem:$0x3FFE];
	[sflag:s23] =	ssyncadd.s32 $0xFFFFFFFF  }
0xab: {  	s26 =	simm.s32 $execute0_lowered;
	[smem:$0x3FD2] =	sst s25  }
0xac: {  	s7 =	sshll.u32 s26, $0x1;
	_ =	strace $0x8000004C;
	[dreg:$0x1] =	wrdreg $0xFFFFFFFF  }
0xad: {  	s28 =	simm.s32 $_size_execute0_lowered;
	s5 =	sadd.s32 s5, s7;
	[dreg:$0x0] =	wrdreg $0x0  }
0xae: {  	s7 =	sshll.u32 s28, $0x1;
	[dreg:$0x2] =	wrdreg s5  }
0xaf: {  	[dreg:$0x3] =	wrdreg s7  }
0xb0: {  	[dreg:$0x4] =	wrdreg $0xC0  }
0xb1: {  	_ =	task [dreg:s9], $0x5FFFF  }
0xb2: {  	[dreg:$0x1] =	wrdreg $0xFFFFFFFF  }
0xb3: {  	[dreg:$0x0] =	wrdreg $0x60  }
0xb4: {  	[dreg:$0x2] =	wrdreg s15  }
0xb5: {  	[dreg:$0x3] =	wrdreg s24  }
0xb6: {  	[dreg:$0x4] =	wrdreg s16  }
0xb7: {  	[dreg:$0x5] =	wrdreg s17  }
0xb8: {  	[dreg:$0x6] =	wrdreg $0x9  }
0xb9: {  	_ =	task.clear_ibuf [dreg:s9], $0x7FFFF;
	_ =	strace $0x9000004C  }
0xba: {  	s29 =	simm.s32 $0x9;
	_ =	strace $0x8000004E  }
0xbb: {  	_ =	swait.ge [sflag:s29], $0x1  }
0xbc: {  	[sflag:s29] =	ssyncadd.s32 $0xFFFFFFFF  }
0xbd: {  	_ =	strace $0x9000004E  }
0xbe: {  	_ =	sfence  }
0xbf: {  	s30 =	sld [smem:$0x0];
	_ =	sdelay $0x2  }
0xc0: {  	s31 =	sshll.u32 s1, $0xD;
	s1 =	sshrl.u32 s1, $0x2  }
0xc1: {  	s3 =	sand.u32 $0x4000, s31;
	s1 =	sadd.s32 s1, s30  }
0xc2: {  	s0 =	sor.u32 s3, s0;
	s1 =	sshll.u32 s1, $0x11  }
0xc3: {  	s0 =	sor.u32 s1, s0  }
0xc4: {  	s0 =	sadd.s32 $0x8F2B, s0  }
0xc5: {  	[sflag:s0] =	ssyncadd.remote.s32 $0x1  }
0xc6: {  	_ =	sfence.sel $0xFFFF  }
0xc7: {  	[dreg:$0x0] =	wrdreg $0xFFFFFFFF;
	(pc) =	sbr.abs _section_cstart, $3  }
0xc8: {  	[dreg:$0x1] =	wrdreg $0xFFFFFFFF  }
0xc9: {  	_ =	task.clear_ibuf [dreg:s9], $0x2FFFF;
	_ =	strace $0x9FFFFFFF  }
0xca: {  	(tm) =	ssettm $0x7FFFFFFF  }
0xcb: {  	_ =	shalt  }
tec
execute0_lowered:
.L_overlay_start_1:
0x0: {  	(tag) =	ssettag $0x1  }
0x1: {  	s11 =	rddreg [dreg:$0x0]  }
0x2: {  	s31 =	rddreg [dreg:$0x1]  }
0x3: {  	s2 =	rddreg [dreg:$0x2];
	s0 =	srdreg.scid  }
0x4: {  	s3 =	rddreg [dreg:$0x3];
	s1 =	stileid.u32;
	s0 =	sand.u32 $0x1, s0  }
0x5: {  	s4 =	simm.s32 $0x0;
	s5 =	sshll.u32 s1, $0x7;
	s6 =	sshll.u32 s0, $0x6  }
0x6: {  	[smem:$0x7FF] =	sst s4;
	s12 =	sor.u32 s6, s5  }
0x7: {  	s13 =	sadd.s32 $0x1800, s31;
	_ =	strace $0x8000004D;
	s5 =	sadd.s32 s11, s12  }
0x8: {  	s20 =	sadd.s32 s13, s12;
	s6 =	sor.u32 $0x10, s12;
	[dreg:$0x5] =	wrdreg s5  }
0x9: {  	[dreg:$0x6] =	wrdreg s20;
	s21 =	sadd.s32 s11, s6  }
0xa: {  	s22 =	sadd.s32 s13, s6;
	[dreg:$0x7] =	wrdreg s21  }
0xb: {  	s23 =	sor.u32 $0x20, s12;
	[dreg:$0x8] =	wrdreg s22  }
0xc: {  	s24 =	sadd.s32 s11, s23;
	s7 =	rddreg [dreg:$0x5]  }
0xd: {  	s5 =	sadd.s32 s13, s23;
	[dreg:$0x9] =	wrdreg s24  }
0xe: {  	[dreg:$0xa] =	wrdreg s5;
	s5 =	simm.s32 $0x2  }
0xf: {  	[tilespmem:s4], [sflag:$0x2] =	stream.linear.gather [hbm4b:s7+s4], $0x80, $0x38;
	[tilespmem:$0x8800] =	vst v63  }
0x10: {  	_ =	swait.ge [sflag:s5], $0x80  }
0x11: {  	[sflag:s5] =	ssyncset.done $0x0  }
0x12: {  	s6 =	simm.s32 $0x200;
	s25 =	rddreg [dreg:$0x6];
	[sflag:s5] =	ssyncadd.s32 $0xFFFFFF80  }
0x13: {  	[tilespmem:s6], [sflag:$0x2] =	stream.linear.gather [hbm4b:s25+s4], $0x80, $0x38;
	[tilespmem:$0x8800] =	vst v63  }
0x14: {  	_ =	swait.ge [sflag:s5], $0x80  }
0x15: {  	[sflag:s5] =	ssyncset.done $0x0  }
0x16: {  	s7 =	simm.s32 $0x80;
	s8 =	rddreg [dreg:$0x7];
	[sflag:s5] =	ssyncadd.s32 $0xFFFFFF80  }
0x17: {  	[tilespmem:s7], [sflag:$0x2] =	stream.linear.gather [hbm4b:s8+s4], $0x80, $0x38;
	[tilespmem:$0x8800] =	vst v63  }
0x18: {  	_ =	swait.ge [sflag:s5], $0x80  }
0x19: {  	[sflag:s5] =	ssyncset.done $0x0  }
0x1a: {  	s8 =	simm.s32 $0x280;
	s9 =	rddreg [dreg:$0x8];
	[sflag:s5] =	ssyncadd.s32 $0xFFFFFF80  }
0x1b: {  	[tilespmem:s8], [sflag:$0x2] =	stream.linear.gather [hbm4b:s9+s4], $0x80, $0x38;
	[tilespmem:$0x8800] =	vst v63  }
0x1c: {  	_ =	swait.ge [sflag:s5], $0x80  }
0x1d: {  	[sflag:s5] =	ssyncset.done $0x0  }
0x1e: {  	s9 =	simm.s32 $0x100;
	s10 =	rddreg [dreg:$0x9];
	[sflag:s5] =	ssyncadd.s32 $0xFFFFFF80  }
0x1f: {  	[tilespmem:s9], [sflag:$0x2] =	stream.linear.gather [hbm4b:s10+s4], $0x80, $0x38;
	[tilespmem:$0x8800] =	vst v63  }
0x20: {  	_ =	swait.ge [sflag:s5], $0x80  }
0x21: {  	[sflag:s5] =	ssyncset.done $0x0  }
0x22: {  	s10 =	simm.s32 $0x300;
	s14 =	rddreg [dreg:$0xa];
	[sflag:s5] =	ssyncadd.s32 $0xFFFFFF80  }
0x23: {  	[tilespmem:s10], [sflag:$0x2] =	stream.linear.gather [hbm4b:s14+s4], $0x80, $0x38;
	[tilespmem:$0x8800] =	vst v63  }
0x24: {  	_ =	swait.ge [sflag:s5], $0x80  }
0x25: {  	s26 =	sor.u32 $0x30, s12;
	[sflag:s5] =	ssyncset.done $0x0  }
0x26: {  	s12 =	simm.s32 $0x180;
	s11 =	sadd.s32 s11, s26;
	[sflag:s5] =	ssyncadd.s32 $0xFFFFFF80  }
0x27: {  	[tilespmem:s12], [sflag:$0x2] =	stream.linear.gather [hbm4b:s11+s4], $0x80, $0x38;
	[tilespmem:$0x8800] =	vst v63  }
0x28: {  	_ =	swait.ge [sflag:s5], $0x80  }
0x29: {  	[sflag:s5] =	ssyncset.done $0x0  }
0x2a: {  	s13 =	sadd.s32 s13, s26;
	s14 =	simm.s32 $0x380;
	[sflag:s5] =	ssyncadd.s32 $0xFFFFFF80  }
0x2b: {  	[tilespmem:s14], [sflag:$0x2] =	stream.linear.gather [hbm4b:s13+s4], $0x80, $0x38;
	[tilespmem:$0x8800] =	vst v63  }
0x2c: {  	_ =	swait.ge [sflag:s5], $0x80  }
0x2d: {  	s17 =	simm.s32 $0x400;
	[sflag:s5] =	ssyncset.done $0x0  }
0x2e: {  	s16 =	simm.s32 $0x1;
	s15 =	sadd.s32 $0x7A6800, s31;
	[sflag:s5] =	ssyncadd.s32 $0xFFFFFF80  }
0x2f: {  	[tilespmem:s17], [sflag:$0x1] =	stream.indirect.gather [hbm4b:s15+s7], $0x1, s4, s7, $0xb8;
	[tilespmem:$0x8800] =	vst v63  }
0x30: {  	_ =	swait.ge [sflag:s16], $0x80  }
0x31: {  	[sflag:s16] =	ssyncset.done $0x0  }
0x32: {  	s18 =	simm.s32 $0x480;
	[sflag:s16] =	ssyncadd.s32 $0xFFFFFF80  }
0x33: {  	[tilespmem:s18], [sflag:$0x1] =	stream.indirect.gather [hbm4b:s15+s7], $0x1, s7, s7, $0xb8;
	[tilespmem:$0x8800] =	vst v63  }
0x34: {  	_ =	swait.ge [sflag:s16], $0x80  }
0x35: {  	[sflag:s16] =	ssyncset.done $0x0  }
0x36: {  	s19 =	simm.s32 $0x500;
	[sflag:s16] =	ssyncadd.s32 $0xFFFFFF80  }
0x37: {  	[tilespmem:s19], [sflag:$0x1] =	stream.indirect.gather [hbm4b:s15+s7], $0x1, s9, s7, $0xb8;
	[tilespmem:$0x8800] =	vst v63  }
0x38: {  	_ =	swait.ge [sflag:s16], $0x80  }
0x39: {  	[sflag:s16] =	ssyncset.done $0x0  }
0x3a: {  	s20 =	simm.s32 $0x580;
	[sflag:s16] =	ssyncadd.s32 $0xFFFFFF80  }
0x3b: {  	[tilespmem:s20], [sflag:$0x1] =	stream.indirect.gather [hbm4b:s15+s7], $0x1, s12, s7, $0xb8;
	[tilespmem:$0x8800] =	vst v63  }
0x3c: {  	_ =	swait.ge [sflag:s16], $0x80  }
0x3d: {  	[sflag:s16] =	ssyncset.done $0x0  }
0x3e: {  	s21 =	simm.s32 $0x600;
	[sflag:s16] =	ssyncadd.s32 $0xFFFFFF80  }
0x3f: {  	[tilespmem:s21], [sflag:$0x1] =	stream.indirect.gather [hbm4b:s2+s7], $0x40, s17, s7, $0xb8;
	[tilespmem:$0x8800] =	vst v63  }
0x40: {  	_ =	swait.ge [sflag:s16], $0x2000  }
0x41: {  	[sflag:s16] =	ssyncset.done $0x0  }
0x42: {  	s23 =	simm.s32 $0x8600;
	s22 =	sadd.s32 $0x7A6000, s31;
	[sflag:s16] =	ssyncadd.s32 $0xFFFFE000  }
0x43: {  	[tilespmem:s23], [sflag:$0x1] =	stream.indirect.gather [hbm4b:s22+s7], $0x1, s17, s7, $0xb8;
	[tilespmem:$0x8800] =	vst v63  }
0x44: {  	_ =	swait.ge [sflag:s16], $0x80  }
0x45: {  	[sflag:s16] =	ssyncset.done $0x0  }
0x46: {  	s24 =	simm.s32 $0x2600;
	[sflag:s16] =	ssyncadd.s32 $0xFFFFFF80  }
0x47: {  	[tilespmem:s24], [sflag:$0x1] =	stream.indirect.gather [hbm4b:s2+s7], $0x40, s18, s7, $0xb8;
	[tilespmem:$0x8800] =	vst v63  }
0x48: {  	_ =	swait.ge [sflag:s16], $0x2000  }
0x49: {  	[sflag:s16] =	ssyncset.done $0x0  }
0x4a: {  	s25 =	simm.s32 $0x8680;
	[sflag:s16] =	ssyncadd.s32 $0xFFFFE000  }
0x4b: {  	[tilespmem:s25], [sflag:$0x1] =	stream.indirect.gather [hbm4b:s22+s7], $0x1, s18, s7, $0xb8;
	[tilespmem:$0x8800] =	vst v63  }
0x4c: {  	_ =	swait.ge [sflag:s16], $0x80  }
0x4d: {  	[sflag:s16] =	ssyncset.done $0x0  }
0x4e: {  	s26 =	simm.s32 $0x4600;
	[sflag:s16] =	ssyncadd.s32 $0xFFFFFF80  }
0x4f: {  	[tilespmem:s26], [sflag:$0x1] =	stream.indirect.gather [hbm4b:s2+s7], $0x40, s19, s7, $0xb8;
	[tilespmem:$0x8800] =	vst v63  }
0x50: {  	_ =	swait.ge [sflag:s16], $0x2000  }
0x51: {  	[sflag:s16] =	ssyncset.done $0x0  }
0x52: {  	s28 =	simm.s32 $0x8700;
	[sflag:s16] =	ssyncadd.s32 $0xFFFFE000  }
0x53: {  	[tilespmem:s28], [sflag:$0x1] =	stream.indirect.gather [hbm4b:s22+s7], $0x1, s19, s7, $0xb8;
	[tilespmem:$0x8800] =	vst v63  }
0x54: {  	_ =	swait.ge [sflag:s16], $0x80  }
0x55: {  	[sflag:s16] =	ssyncset.done $0x0  }
0x56: {  	s29 =	simm.s32 $0x6600;
	[sflag:s16] =	ssyncadd.s32 $0xFFFFFF80  }
0x57: {  	[tilespmem:s29], [sflag:$0x1] =	stream.indirect.gather [hbm4b:s2+s7], $0x40, s20, s7, $0xb8;
	[tilespmem:$0x8800] =	vst v63  }
0x58: {  	_ =	swait.ge [sflag:s16], $0x2000  }
0x59: {  	[sflag:s16] =	ssyncset.done $0x0  }
0x5a: {  	s30 =	simm.s32 $0x8780;
	[sflag:s16] =	ssyncadd.s32 $0xFFFFE000  }
0x5b: {  	[tilespmem:s30], [sflag:$0x1] =	stream.indirect.gather [hbm4b:s22+s7], $0x1, s20, s7, $0xb8;
	[tilespmem:$0x8800] =	vst v63  }
0x5c: {  	_ =	swait.ge [sflag:s16], $0x80  }
0x5d: {  	[sflag:s16] =	ssyncset.done $0x0  }
0x5e: {  	s31 =	sadd.s32 $0x2000, s31;
	[sflag:s16] =	ssyncadd.s32 $0xFFFFFF80  }
0x5f: {  	[hbm4b:s31+s7] =	stream.indirect.scatter [tilespmem:s21], [sflag:$0x1], $0x40, s6, s7, $0xb8;
	[tilespmem:$0x8800] =	vst v63  }
0x60: {  	_ =	swait.ge [sflag:s16], $0x2000  }
0x61: {  	[sflag:s16] =	ssyncset.done $0x0  }
0x62: {  	[sflag:s16] =	ssyncadd.s32 $0xFFFFE000  }
0x63: {  	[hbm4b:s3+s7] =	stream.indirect.scatter [tilespmem:s23], [sflag:$0x1], $0x1, s4, s7, $0xb8;
	[tilespmem:$0x8800] =	vst v63  }
0x64: {  	_ =	swait.ge [sflag:s16], $0x80  }
0x65: {  	[sflag:s16] =	ssyncset.done $0x0  }
0x66: {  	[sflag:s16] =	ssyncadd.s32 $0xFFFFFF80  }
0x67: {  	[hbm4b:s31+s7] =	stream.indirect.scatter [tilespmem:s24], [sflag:$0x1], $0x40, s8, s7, $0xb8;
	[tilespmem:$0x8800] =	vst v63  }
0x68: {  	_ =	swait.ge [sflag:s16], $0x2000  }
0x69: {  	[sflag:s16] =	ssyncset.done $0x0  }
0x6a: {  	[sflag:s16] =	ssyncadd.s32 $0xFFFFE000  }
0x6b: {  	[hbm4b:s3+s7] =	stream.indirect.scatter [tilespmem:s25], [sflag:$0x1], $0x1, s7, s7, $0xb8;
	[tilespmem:$0x8800] =	vst v63  }
0x6c: {  	_ =	swait.ge [sflag:s16], $0x80  }
0x6d: {  	[sflag:s16] =	ssyncset.done $0x0  }
0x6e: {  	[sflag:s16] =	ssyncadd.s32 $0xFFFFFF80  }
0x6f: {  	[hbm4b:s31+s7] =	stream.indirect.scatter [tilespmem:s26], [sflag:$0x1], $0x40, s10, s7, $0xb8;
	[tilespmem:$0x8800] =	vst v63  }
0x70: {  	_ =	swait.ge [sflag:s16], $0x2000  }
0x71: {  	s0 =	ssub.s32 $0x2, s0;
	[sflag:s16] =	ssyncset.done $0x0  }
0x72: {  	s1 =	sshrl.u32 s0, $0x1;
	[sflag:s16] =	ssyncadd.s32 $0xFFFFE000  }
0x73: {  	[hbm4b:s3+s7] =	stream.indirect.scatter [tilespmem:s28], [sflag:$0x1], $0x1, s9, s7, $0xb8;
	[tilespmem:$0x8800] =	vst v63  }
0x74: {  	s0 =	ssub.s32 s0, s1;
	_ =	swait.ge [sflag:s16], $0x80  }
0x75: {  	s0 =	smax.u32 s0, $0x1;
	[sflag:s16] =	ssyncset.done $0x0  }
0x76: {  	p0 =	sne.s32 s0, $0x1;
	[sflag:s16] =	ssyncadd.s32 $0xFFFFFF80  }
0x77: {  	[hbm4b:s31+s7] =	stream.indirect.scatter [tilespmem:s29], [sflag:$0x1], $0x40, s14, s7, $0xb8;
	[tilespmem:$0x8800] =	vst v63  }
.Ltmp0:
0x78: {  	_ =	swait.ge [sflag:s16], $0x2000;
	(pc) =	sbr.rel @!p0 .LBB2_2-.Ltmp0, $4  }
0x79: {  	[sflag:s16] =	ssyncset.done $0x0  }
0x7a: {  	[sflag:s16] =	ssyncadd.s32 $0xFFFFE000  }
0x7b: {  	[hbm4b:s3+s7] =	stream.indirect.scatter [tilespmem:s30], [sflag:$0x1], $0x1, s12, s7, $0xb8;
	[tilespmem:$0x8800] =	vst v63  }
0x7c: {  	s0 =	sadd.s32 $0xFFFFFFFF, s0;
	_ =	swait.ge [sflag:s16], $0x80  }
.LBB2_1:
0x7d: {  	[sflag:s16] =	ssyncset.done $0x0  }
0x7e: {  	s1 =	rddreg [dreg:$0x5];
	[sflag:s16] =	ssyncadd.s32 $0xFFFFFF80  }
0x7f: {  	[tilespmem:s4], [sflag:$0x2] =	stream.linear.gather [hbm4b:s1+s4], $0x80, $0x38;
	[tilespmem:$0x8800] =	vst v63  }
0x80: {  	_ =	swait.ge [sflag:s5], $0x80  }
0x81: {  	[sflag:s5] =	ssyncset.done $0x0  }
0x82: {  	s1 =	rddreg [dreg:$0x6];
	[sflag:s5] =	ssyncadd.s32 $0xFFFFFF80  }
0x83: {  	[tilespmem:s6], [sflag:$0x2] =	stream.linear.gather [hbm4b:s1+s4], $0x80, $0x38;
	[tilespmem:$0x8800] =	vst v63  }
0x84: {  	_ =	swait.ge [sflag:s5], $0x80  }
0x85: {  	[sflag:s5] =	ssyncset.done $0x0  }
0x86: {  	s1 =	rddreg [dreg:$0x7];
	[sflag:s5] =	ssyncadd.s32 $0xFFFFFF80  }
0x87: {  	[tilespmem:s7], [sflag:$0x2] =	stream.linear.gather [hbm4b:s1+s4], $0x80, $0x38;
	[tilespmem:$0x8800] =	vst v63  }
0x88: {  	_ =	swait.ge [sflag:s5], $0x80  }
0x89: {  	[sflag:s5] =	ssyncset.done $0x0  }
0x8a: {  	s1 =	rddreg [dreg:$0x8];
	[sflag:s5] =	ssyncadd.s32 $0xFFFFFF80  }
0x8b: {  	[tilespmem:s8], [sflag:$0x2] =	stream.linear.gather [hbm4b:s1+s4], $0x80, $0x38;
	[tilespmem:$0x8800] =	vst v63  }
0x8c: {  	_ =	swait.ge [sflag:s5], $0x80  }
0x8d: {  	[sflag:s5] =	ssyncset.done $0x0  }
0x8e: {  	s1 =	rddreg [dreg:$0x9];
	[sflag:s5] =	ssyncadd.s32 $0xFFFFFF80  }
0x8f: {  	[tilespmem:s9], [sflag:$0x2] =	stream.linear.gather [hbm4b:s1+s4], $0x80, $0x38;
	[tilespmem:$0x8800] =	vst v63  }
0x90: {  	_ =	swait.ge [sflag:s5], $0x80  }
0x91: {  	[sflag:s5] =	ssyncset.done $0x0  }
0x92: {  	s1 =	rddreg [dreg:$0xa];
	[sflag:s5] =	ssyncadd.s32 $0xFFFFFF80  }
0x93: {  	[tilespmem:s10], [sflag:$0x2] =	stream.linear.gather [hbm4b:s1+s4], $0x80, $0x38;
	[tilespmem:$0x8800] =	vst v63  }
0x94: {  	_ =	swait.ge [sflag:s5], $0x80  }
0x95: {  	[sflag:s5] =	ssyncset.done $0x0  }
0x96: {  	[sflag:s5] =	ssyncadd.s32 $0xFFFFFF80  }
0x97: {  	[tilespmem:s12], [sflag:$0x2] =	stream.linear.gather [hbm4b:s11+s4], $0x80, $0x38;
	[tilespmem:$0x8800] =	vst v63  }
0x98: {  	_ =	swait.ge [sflag:s5], $0x80  }
0x99: {  	[sflag:s5] =	ssyncset.done $0x0  }
0x9a: {  	[sflag:s5] =	ssyncadd.s32 $0xFFFFFF80  }
0x9b: {  	[tilespmem:s14], [sflag:$0x2] =	stream.linear.gather [hbm4b:s13+s4], $0x80, $0x38;
	[tilespmem:$0x8800] =	vst v63  }
0x9c: {  	_ =	swait.ge [sflag:s5], $0x80  }
0x9d: {  	[sflag:s5] =	ssyncset.done $0x0  }
0x9e: {  	[sflag:s5] =	ssyncadd.s32 $0xFFFFFF80  }
0x9f: {  	[tilespmem:s17], [sflag:$0x1] =	stream.indirect.gather [hbm4b:s15+s7], $0x1, s4, s7, $0xb8;
	[tilespmem:$0x8800] =	vst v63  }
0xa0: {  	_ =	swait.ge [sflag:s16], $0x80  }
0xa1: {  	[sflag:s16] =	ssyncset.done $0x0  }
0xa2: {  	[sflag:s16] =	ssyncadd.s32 $0xFFFFFF80  }
0xa3: {  	[tilespmem:s18], [sflag:$0x1] =	stream.indirect.gather [hbm4b:s15+s7], $0x1, s7, s7, $0xb8;
	[tilespmem:$0x8800] =	vst v63  }
0xa4: {  	_ =	swait.ge [sflag:s16], $0x80  }
0xa5: {  	[sflag:s16] =	ssyncset.done $0x0  }
0xa6: {  	[sflag:s16] =	ssyncadd.s32 $0xFFFFFF80  }
0xa7: {  	[tilespmem:s19], [sflag:$0x1] =	stream.indirect.gather [hbm4b:s15+s7], $0x1, s9, s7, $0xb8;
	[tilespmem:$0x8800] =	vst v63  }
0xa8: {  	_ =	swait.ge [sflag:s16], $0x80  }
0xa9: {  	[sflag:s16] =	ssyncset.done $0x0  }
0xaa: {  	[sflag:s16] =	ssyncadd.s32 $0xFFFFFF80  }
0xab: {  	[tilespmem:s20], [sflag:$0x1] =	stream.indirect.gather [hbm4b:s15+s7], $0x1, s12, s7, $0xb8;
	[tilespmem:$0x8800] =	vst v63  }
0xac: {  	_ =	swait.ge [sflag:s16], $0x80  }
0xad: {  	[sflag:s16] =	ssyncset.done $0x0  }
0xae: {  	[sflag:s16] =	ssyncadd.s32 $0xFFFFFF80  }
0xaf: {  	[tilespmem:s21], [sflag:$0x1] =	stream.indirect.gather [hbm4b:s2+s7], $0x40, s17, s7, $0xb8;
	[tilespmem:$0x8800] =	vst v63  }
0xb0: {  	_ =	swait.ge [sflag:s16], $0x2000  }
0xb1: {  	[sflag:s16] =	ssyncset.done $0x0  }
0xb2: {  	[sflag:s16] =	ssyncadd.s32 $0xFFFFE000  }
0xb3: {  	[tilespmem:s23], [sflag:$0x1] =	stream.indirect.gather [hbm4b:s22+s7], $0x1, s17, s7, $0xb8;
	[tilespmem:$0x8800] =	vst v63  }
0xb4: {  	_ =	swait.ge [sflag:s16], $0x80  }
0xb5: {  	[sflag:s16] =	ssyncset.done $0x0  }
0xb6: {  	[sflag:s16] =	ssyncadd.s32 $0xFFFFFF80  }
0xb7: {  	[tilespmem:s24], [sflag:$0x1] =	stream.indirect.gather [hbm4b:s2+s7], $0x40, s18, s7, $0xb8;
	[tilespmem:$0x8800] =	vst v63  }
0xb8: {  	_ =	swait.ge [sflag:s16], $0x2000  }
0xb9: {  	[sflag:s16] =	ssyncset.done $0x0  }
0xba: {  	[sflag:s16] =	ssyncadd.s32 $0xFFFFE000  }
0xbb: {  	[tilespmem:s25], [sflag:$0x1] =	stream.indirect.gather [hbm4b:s22+s7], $0x1, s18, s7, $0xb8;
	[tilespmem:$0x8800] =	vst v63  }
0xbc: {  	_ =	swait.ge [sflag:s16], $0x80  }
0xbd: {  	[sflag:s16] =	ssyncset.done $0x0  }
0xbe: {  	[sflag:s16] =	ssyncadd.s32 $0xFFFFFF80  }
0xbf: {  	[tilespmem:s26], [sflag:$0x1] =	stream.indirect.gather [hbm4b:s2+s7], $0x40, s19, s7, $0xb8;
	[tilespmem:$0x8800] =	vst v63  }
0xc0: {  	_ =	swait.ge [sflag:s16], $0x2000  }
0xc1: {  	[sflag:s16] =	ssyncset.done $0x0  }
0xc2: {  	[sflag:s16] =	ssyncadd.s32 $0xFFFFE000  }
0xc3: {  	[tilespmem:s28], [sflag:$0x1] =	stream.indirect.gather [hbm4b:s22+s7], $0x1, s19, s7, $0xb8;
	[tilespmem:$0x8800] =	vst v63  }
0xc4: {  	_ =	swait.ge [sflag:s16], $0x80  }
0xc5: {  	[sflag:s16] =	ssyncset.done $0x0  }
0xc6: {  	[sflag:s16] =	ssyncadd.s32 $0xFFFFFF80  }
0xc7: {  	[tilespmem:s29], [sflag:$0x1] =	stream.indirect.gather [hbm4b:s2+s7], $0x40, s20, s7, $0xb8;
	[tilespmem:$0x8800] =	vst v63  }
0xc8: {  	_ =	swait.ge [sflag:s16], $0x2000  }
0xc9: {  	[sflag:s16] =	ssyncset.done $0x0  }
0xca: {  	[sflag:s16] =	ssyncadd.s32 $0xFFFFE000  }
0xcb: {  	[tilespmem:s30], [sflag:$0x1] =	stream.indirect.gather [hbm4b:s22+s7], $0x1, s20, s7, $0xb8;
	[tilespmem:$0x8800] =	vst v63  }
0xcc: {  	_ =	swait.ge [sflag:s16], $0x80  }
0xcd: {  	[sflag:s16] =	ssyncset.done $0x0  }
0xce: {  	[sflag:s16] =	ssyncadd.s32 $0xFFFFFF80  }
0xcf: {  	[hbm4b:s31+s7] =	stream.indirect.scatter [tilespmem:s21], [sflag:$0x1], $0x40, s6, s7, $0xb8;
	[tilespmem:$0x8800] =	vst v63  }
0xd0: {  	_ =	swait.ge [sflag:s16], $0x2000  }
0xd1: {  	[sflag:s16] =	ssyncset.done $0x0  }
0xd2: {  	[sflag:s16] =	ssyncadd.s32 $0xFFFFE000  }
0xd3: {  	[hbm4b:s3+s7] =	stream.indirect.scatter [tilespmem:s23], [sflag:$0x1], $0x1, s4, s7, $0xb8;
	[tilespmem:$0x8800] =	vst v63  }
0xd4: {  	_ =	swait.ge [sflag:s16], $0x80  }
0xd5: {  	[sflag:s16] =	ssyncset.done $0x0  }
0xd6: {  	[sflag:s16] =	ssyncadd.s32 $0xFFFFFF80  }
0xd7: {  	[hbm4b:s31+s7] =	stream.indirect.scatter [tilespmem:s24], [sflag:$0x1], $0x40, s8, s7, $0xb8;
	[tilespmem:$0x8800] =	vst v63  }
0xd8: {  	_ =	swait.ge [sflag:s16], $0x2000  }
0xd9: {  	[sflag:s16] =	ssyncset.done $0x0  }
0xda: {  	[sflag:s16] =	ssyncadd.s32 $0xFFFFE000  }
0xdb: {  	[hbm4b:s3+s7] =	stream.indirect.scatter [tilespmem:s25], [sflag:$0x1], $0x1, s7, s7, $0xb8;
	[tilespmem:$0x8800] =	vst v63  }
0xdc: {  	_ =	swait.ge [sflag:s16], $0x80  }
0xdd: {  	[sflag:s16] =	ssyncset.done $0x0  }
0xde: {  	[sflag:s16] =	ssyncadd.s32 $0xFFFFFF80  }
0xdf: {  	[hbm4b:s31+s7] =	stream.indirect.scatter [tilespmem:s26], [sflag:$0x1], $0x40, s10, s7, $0xb8;
	[tilespmem:$0x8800] =	vst v63  }
0xe0: {  	_ =	swait.ge [sflag:s16], $0x2000  }
0xe1: {  	[sflag:s16] =	ssyncset.done $0x0  }
0xe2: {  	[sflag:s16] =	ssyncadd.s32 $0xFFFFE000  }
0xe3: {  	[hbm4b:s3+s7] =	stream.indirect.scatter [tilespmem:s28], [sflag:$0x1], $0x1, s9, s7, $0xb8;
	[tilespmem:$0x8800] =	vst v63  }
0xe4: {  	_ =	swait.ge [sflag:s16], $0x80  }
0xe5: {  	[sflag:s16] =	ssyncset.done $0x0  }
0xe6: {  	p0 =	sne.s32 s0, $0x1;
	[sflag:s16] =	ssyncadd.s32 $0xFFFFFF80  }
0xe7: {  	[hbm4b:s31+s7] =	stream.indirect.scatter [tilespmem:s29], [sflag:$0x1], $0x40, s14, s7, $0xb8;
	[tilespmem:$0x8800] =	vst v63  }
.Ltmp1:
0xe8: {  	_ =	swait.ge [sflag:s16], $0x2000;
	(pc) =	sbr.rel @p0 .LBB2_1-.Ltmp1, $4  }
0xe9: {  	[sflag:s16] =	ssyncset.done $0x0  }
0xea: {  	[sflag:s16] =	ssyncadd.s32 $0xFFFFE000  }
0xeb: {  	[hbm4b:s3+s7] =	stream.indirect.scatter [tilespmem:s30], [sflag:$0x1], $0x1, s12, s7, $0xb8;
	[tilespmem:$0x8800] =	vst v63  }
0xec: {  	s0 =	sadd.s32 $0xFFFFFFFF, s0;
	_ =	swait.ge [sflag:s16], $0x80  }
.LBB2_2:
0xed: {  	[sflag:s16] =	ssyncset.done $0x0  }
0xee: {  	[sflag:s16] =	ssyncadd.s32 $0xFFFFFF80  }
0xef: {  	_ =	sfence.sel $0x180000  }
0xf0: {  	[bflag:$0x0] =	sbarrier.arrive $0xFFFF  }
0xf1: {  	_ =	strace $0x9000004D  }
0xf2: {  	s0 =	stileid.u32;
	[bflag:$0x2] =	sbarrier.arrive $0xFFFF  }
0xf3: {  	p0 =	sne.s32 s0, $0x0;
	s0 =	rddreg [dreg:$0x4]  }
0xf4: {  	s0 =	sadd.s32 @!p0 $0x100000, s0  }
0xf5: {  	[sflag:s0] =	ssyncadd.tile.s32 @!p0 $0x1;
	_ =	shalt  }
.Lfunc_end2:
_tile_overlayer_lowered:
.L_overlay_start_2:
0xf6: {  	(tag) =	ssettag $0x2  }
0xf7: {  	s0 =	rddreg [dreg:$0x0];
	s2 =	stileid.u32  }
0xf8: {  	s1 =	rddreg [dreg:$0x1];
	p0 =	sne.s32 s2, $0x0  }
0xf9: {  	s3 =	rddreg [dreg:$0x2];
	[bflag:$0x3] =	sbarrier.arrive $0xFFFF;
	s2 =	simm.s32 @!p0 $0x1C02  }
0xfa: {  	[timem:s3], [sflag:s2] =	dma.local @!p0 [hbm:s0], s1  }
0xfb: {  	s0 =	simm.s32 @!p0 $0x2  }
0xfc: {  	_ =	swait.ge @!p0 [sflag:s0], s1  }
0xfd: {  	s1 =	ssub.s32 @!p0 $0x0, s1;
	[sflag:s0] =	ssyncset.done @!p0 $0x0  }
0xfe: {  	[sflag:s0] =	ssyncadd.s32 @!p0 s1  }
0xff: {  	[bflag:$0x3] =	sbarrier.arrive $0xFFFF  }
0x100: {  	_ =	shalt  }

// kernel: kernel.7.cloned.1.call-start
scs
__scs_entry_jumppad:
0x0: {  	(pc) =	sbr.rel $0x88, $3  }
0x1: {  	(tag) =	ssettag $0x0;
	lr =	simm.s32 $0x1  }
0x2: {  	[smem:$0x3F9C] =	sst lr;
	_ =	strace $0xD0000000  }
0x3: {  	_ = 	snop  }
0x4: {  	_ = 	snop  }
0x5: {  	_ = 	snop  }
0x6: {  	_ = 	snop  }
0x7: {  	_ = 	snop  }
__scs_overlays_trampoline_lowered:
0x8: {  	[smem:$0x3FAB] =	sst s0  }
0x9: {  	[smem:$0x3FAC] =	sst s1  }
0xa: {  	[smem:$0x3FAD] =	sst s2  }
0xb: {  	[smem:$0x3FAE] =	sst s3  }
0xc: {  	[smem:$0x3FAF] =	sst s4  }
0xd: {  	[smem:$0x3FB0] =	sst s5  }
0xe: {  	[smem:$0x3FB1] =	sst s6  }
0xf: {  	[smem:$0x3FB2] =	sst s7  }
0x10: {  	[smem:$0x3FB3] =	sst s8  }
0x11: {  	[smem:$0x3FB4] =	sst s9;
	s0 =	simm.s32 @!p0 $0x0  }
0x12: {  	s1 =	sld [smem:$0x3F9A];
	s0 =	simm.s32 @p0 $0x1  }
0x13: {  	[smem:$0x3FB5] =	sst s0;
	s0 =	simm.s32 @!p1 $0x0  }
0x14: {  	s2 =	sld [smem:$0x3F99];
	s0 =	simm.s32 @p1 $0x1  }
0x15: {  	[smem:$0x3FB6] =	sst s0;
	s0 =	simm.s32 @!p2 $0x0  }
0x16: {  	s3 =	sld [smem:$0x3FDB];
	s0 =	simm.s32 @p2 $0x1  }
0x17: {  	s4 =	simm.s32 $0x1BF5;
	[smem:$0x3FB8] =	sst s0  }
0x18: {  	s0 =	sld [smem:$0x3F9B];
	_ =	swait.ge [sflag:s4], $0x0  }
0x19: {  	s7 =	sld [smem:$0x3F9C]  }
0x1a: {  	s8 =	sadd.s32 $0xFFFFE003, lr  }
0x1b: {  	s9 =	sadd.s32 $0xFFFFFEF7, lr;
	s5 =	simm.s32 $0xFFFFFFFF;
	p2 =	slt.u32 s8, $0xFFFFF086  }
0x1c: {  	p1 =	slt.u32 s9, $0xF7A;
	s5 =	simm.s32 @!p2 $0x0  }
0x1d: {  	s5 =	simm.s32 @p1 $0x1;
	p0 =	seq.s32 s7, s2  }
0x1e: {  	s7 =	smul.u32 @!p0 $0xF7A, s2;
	p2 =	seq.s32 @!p0 s5, $0x0  }
0x1f: {  	s9 =	smul.u32 $0xF7A, s1;
	s8 =	simm.s32 @!p0 $0x1BF5;
	p2 =	por !p2, p0  }
0x20: {  	[sflag:s8] =	ssyncset.s32 @!p0 $0xFFFFF086;
	s6 =	sadd.s32 @!p0 s3, s7;
	s7 =	simm.s32 @!p0 $0x108  }
0x21: {  	s3 =	sadd.s32 s3, s9;
	s6 =	sadd.s32 @!p0 $0x88, s6;
	s7 =	simm.s32 @p2 $0x1082  }
0x22: {  	[simem:s7], [sflag:s8] =	dma.local @!p0 [hbm:s6], $0xF7A  }
0x23: {  	s9 =	sor.u32 $0xD0000000, s2;
	s6 =	simm.s32 $0x108;
	_ =	swait.ge @!p0 [sflag:s8], $0x0  }
0x24: {  	s3 =	sadd.s32 $0x88, s3;
	s6 =	simm.s32 @!p1 $0x1082;
	[sflag:s4] =	ssyncset.s32 $0xFFFFF086  }
0x25: {  	[simem:s6], [sflag:s4] =	dma.local [hbm:s3], $0xF7A  }
0x26: {  	[smem:$0x3F9C] =	sst s1;
	(tag) =	ssettag s2;
	_ =	strace s9  }
0x27: {  	s1 =	sld [smem:$0x3FAC]  }
0x28: {  	s2 =	sld [smem:$0x3FAD]  }
0x29: {  	s4 =	sld [smem:$0x3FAF]  }
0x2a: {  	p0 =	seq.s32 s5, $0x0;
	s5 =	sld [smem:$0x3FB0]  }
0x2b: {  	s6 =	sld [smem:$0x3FB1]  }
0x2c: {  	s7 =	sld [smem:$0x3FB2]  }
0x2d: {  	s3 =	simm.s32 $0x108;
	s8 =	sld [smem:$0x3FB3]  }
0x2e: {  	s3 =	simm.s32 @!p0 $0x1082;
	s9 =	sld [smem:$0x3FB4]  }
0x2f: {  	lr =	sadd.s32 s0, s3;
	s0 =	sld [smem:$0x3FAB]  }
0x30: {  	s3 =	sld [smem:$0x3FAE]  }
0x31: {  	[smem:$0x3FB7] =	sst s10  }
0x32: {  	s10 =	sld [smem:$0x3FB5];
	_ =	sdelay $0x3  }
0x33: {  	p0 =	seq.s32 s10, $0x1;
	s10 =	sld [smem:$0x3FB7];
	_ =	sdelay $0x3  }
0x34: {  	[smem:$0x3FB7] =	sst s10  }
0x35: {  	s10 =	sld [smem:$0x3FB6];
	_ =	sdelay $0x3  }
0x36: {  	p1 =	seq.s32 s10, $0x1;
	s10 =	sld [smem:$0x3FB7];
	_ =	sdelay $0x3  }
0x37: {  	[smem:$0x3FB7] =	sst s10  }
0x38: {  	s10 =	sld [smem:$0x3FB8]  }
0x39: {  	_ = 	snop;
	(pc) =	sbr.ind lr, $3  }
0x3a: {  	_ = 	snop  }
0x3b: {  	_ = 	snop  }
0x3c: {  	p2 =	seq.s32 s10, $0x1;
	s10 =	sld [smem:$0x3FB7]  }
0x3d: {  	_ =	shalt  }
0x3e: {  	_ =	shalt  }
0x3f: {  	_ =	shalt  }
0x40: {  	_ =	shalt  }
0x41: {  	_ =	shalt  }
0x42: {  	_ =	shalt  }
0x43: {  	_ =	shalt  }
0x44: {  	_ =	shalt  }
0x45: {  	_ =	shalt  }
0x46: {  	_ =	shalt  }
0x47: {  	_ =	shalt  }
0x48: {  	_ =	shalt  }
0x49: {  	_ =	shalt  }
0x4a: {  	_ =	shalt  }
0x4b: {  	_ =	shalt  }
0x4c: {  	_ =	shalt  }
0x4d: {  	_ =	shalt  }
0x4e: {  	_ =	shalt  }
0x4f: {  	_ =	shalt  }
0x50: {  	_ =	shalt  }
0x51: {  	_ =	shalt  }
0x52: {  	_ =	shalt  }
0x53: {  	_ =	shalt  }
0x54: {  	_ =	shalt  }
0x55: {  	_ =	shalt  }
0x56: {  	_ =	shalt  }
0x57: {  	_ =	shalt  }
0x58: {  	_ =	shalt  }
0x59: {  	_ =	shalt  }
0x5a: {  	_ =	shalt  }
0x5b: {  	_ =	shalt  }
0x5c: {  	_ =	shalt  }
0x5d: {  	_ =	shalt  }
0x5e: {  	_ =	shalt  }
0x5f: {  	_ =	shalt  }
0x60: {  	_ =	shalt  }
0x61: {  	_ =	shalt  }
0x62: {  	_ =	shalt  }
0x63: {  	_ =	shalt  }
0x64: {  	_ =	shalt  }
0x65: {  	_ =	shalt  }
0x66: {  	_ =	shalt  }
0x67: {  	_ =	shalt  }
0x68: {  	_ =	shalt  }
0x69: {  	_ =	shalt  }
0x6a: {  	_ =	shalt  }
0x6b: {  	_ =	shalt  }
0x6c: {  	_ =	shalt  }
0x6d: {  	_ =	shalt  }
0x6e: {  	_ =	shalt  }
0x6f: {  	_ =	shalt  }
0x70: {  	_ =	shalt  }
0x71: {  	_ =	shalt  }
0x72: {  	_ =	shalt  }
0x73: {  	_ =	shalt  }
0x74: {  	_ =	shalt  }
0x75: {  	_ =	shalt  }
0x76: {  	_ =	shalt  }
0x77: {  	_ =	shalt  }
0x78: {  	_ =	shalt  }
0x79: {  	_ =	shalt  }
0x7a: {  	_ =	shalt  }
0x7b: {  	_ =	shalt  }
0x7c: {  	_ =	shalt  }
0x7d: {  	_ =	shalt  }
0x7e: {  	_ =	shalt  }
0x7f: {  	_ =	shalt  }
0x80: {  	_ =	shalt  }
0x81: {  	_ =	shalt  }
0x82: {  	_ =	shalt  }
0x83: {  	_ =	shalt  }
0x84: {  	_ =	shalt  }
0x85: {  	_ =	shalt  }
0x86: {  	_ =	shalt  }
0x87: {  	_ =	shalt  }
.Lfunc_end0:
.L_simem_size_0:
called_computation.1_lowered:
.L_overlay_start_0:
0x88: {  	s2 =	sld [smem:$0x3FD9]  }
0x89: {  	s3 =	sld [smem:$0x3FFE];
	_ =	sdelay $0x1  }
0x8a: {  	s1 =	srdreg.scid  }
0x8b: {  	s0 =	sand.u32 $0x1, s1  }
0x8c: {  	s14 =	sshll.u32 s0, $0xA;
	s2 =	sadd.s32 s3, s2  }
0x8d: {  	s2 =	sadd.s32 s2, s14  }
0x8e: {  	[smem:$0x3FC3] =	sst s2  }
0x8f: {  	_ = 	snop  }
0x90: {  	s2 =	sld [smem:$0x3FD0];
	_ =	sdelay $0x2  }
0x91: {  	s4 =	simm.s32 $0xA;
	s5 =	simm.s32 $0x10;
	s15 =	sld [smem:$0x3FC9]  }
0x92: {  	[smem:s5], [sflag:s4] =	dma.local [hbm:s2], $0x1  }
0x93: {  	_ =	swait.eq [sflag:s4], $0x1  }
0x94: {  	[sflag:s4] =	ssyncset.done $0x0  }
0x95: {  	[sflag:s4] =	ssyncadd.s32 $0xFFFFFFFF  }
0x96: {  	s16 =	sld [smem:$0x12];
	(tm) =	ssettm $0x1  }
0x97: {  	s17 =	sld [smem:$0x3FFB];
	_ =	sdelay $0x3  }
0x98: {  	_ =	strace s17  }
0x99: {  	s4 =	sld [smem:$0x3FFC];
	_ =	sdelay $0x3  }
0x9a: {  	_ =	strace s4  }
0x9b: {  	s4 =	sld [smem:$0x3FFD];
	_ =	sdelay $0x3  }
0x9c: {  	_ =	strace s4  }
0x9d: {  	_ =	strace $0x8FFFFFFF  }
0x9e: {  	s18 =	sld [smem:$0x3FDB];
	_ =	sdelay $0x1  }
0x9f: {  	s19 =	simm.s32 $_scs_section_size  }
0xa0: {  	s6 =	simm.s32 $_size__tile_overlayer_lowered;
	s7 =	simm.s32 $_tile_overlayer_lowered  }
0xa1: {  	s22 =	simm.s32 $0x1BFF;
	s21 =	sshll.u32 s7, $0x1;
	s4 =	sadd.s32 s19, s18  }
0xa2: {  	s8 =	simm.s32 $0x0;
	s20 =	sshll.u32 s6, $0x1;
	s6 =	sadd.s32 s21, s4  }
0xa3: {  	[timem:s8], [sflag:s22] =	dma.local [hbm:s6], s20  }
0xa4: {  	_ =	swait.ge [sflag:s22], s20  }
0xa5: {  	s5 =	ssub.s32 $0x0, s20;
	[sflag:s22] =	ssyncset.done $0x0  }
0xa6: {  	[sflag:s22] =	ssyncadd.s32 s5;
	_ =	sdelay $0x1  }
0xa7: {  	s23 =	simm.s32 $0x1B8B  }
0xa8: {  	_ =	swait.ge [sflag:s23], $0x1  }
0xa9: {  	[sflag:s23] =	ssyncset.done $0x0  }
0xaa: {  	s25 =	simm.s32 $0x1B8E;
	s24 =	sld [smem:$0x3FFE];
	[sflag:s23] =	ssyncadd.s32 $0xFFFFFFFF  }
0xab: {  	s26 =	simm.s32 $execute0_lowered;
	[smem:$0x3FD2] =	sst s25  }
0xac: {  	s6 =	sshll.u32 s26, $0x1;
	_ =	strace $0x80000046;
	[dreg:$0x1] =	wrdreg $0xFFFFFFFF  }
0xad: {  	s28 =	simm.s32 $_size_execute0_lowered;
	s4 =	sadd.s32 s4, s6;
	[dreg:$0x0] =	wrdreg $0x0  }
0xae: {  	s6 =	sshll.u32 s28, $0x1;
	[dreg:$0x2] =	wrdreg s4  }
0xaf: {  	[dreg:$0x3] =	wrdreg s6  }
0xb0: {  	[dreg:$0x4] =	wrdreg $0xC0  }
0xb1: {  	_ =	task [dreg:s8], $0x5FFFF  }
0xb2: {  	[dreg:$0x1] =	wrdreg $0xFFFFFFFF  }
0xb3: {  	[dreg:$0x0] =	wrdreg $0x60  }
0xb4: {  	[dreg:$0x2] =	wrdreg s15  }
0xb5: {  	[dreg:$0x3] =	wrdreg s24  }
0xb6: {  	[dreg:$0x4] =	wrdreg s16  }
0xb7: {  	[dreg:$0x5] =	wrdreg $0x9  }
0xb8: {  	_ =	task.clear_ibuf [dreg:s8], $0x6FFFF;
	_ =	strace $0x90000046  }
0xb9: {  	s29 =	simm.s32 $0x9;
	_ =	strace $0x80000048  }
0xba: {  	_ =	swait.ge [sflag:s29], $0x1  }
0xbb: {  	[sflag:s29] =	ssyncadd.s32 $0xFFFFFFFF  }
0xbc: {  	_ =	strace $0x90000048  }
0xbd: {  	_ =	sfence  }
0xbe: {  	s30 =	sld [smem:$0x0];
	_ =	sdelay $0x2  }
0xbf: {  	s31 =	sshll.u32 s1, $0xD;
	s1 =	sshrl.u32 s1, $0x2  }
0xc0: {  	s3 =	sand.u32 $0x4000, s31;
	s1 =	sadd.s32 s1, s30  }
0xc1: {  	s0 =	sor.u32 s3, s0;
	s1 =	sshll.u32 s1, $0x11  }
0xc2: {  	s0 =	sor.u32 s1, s0  }
0xc3: {  	s0 =	sadd.s32 $0x8F2B, s0  }
0xc4: {  	[sflag:s0] =	ssyncadd.remote.s32 $0x1  }
0xc5: {  	_ =	sfence.sel $0xFFFF  }
0xc6: {  	[dreg:$0x0] =	wrdreg $0xFFFFFFFF;
	(pc) =	sbr.abs _section_cstart, $3  }
0xc7: {  	[dreg:$0x1] =	wrdreg $0xFFFFFFFF  }
0xc8: {  	_ =	task.clear_ibuf [dreg:s8], $0x2FFFF;
	_ =	strace $0x9FFFFFFF  }
0xc9: {  	(tm) =	ssettm $0x7FFFFFFF  }
tec
execute0_lowered:
.L_overlay_start_1:
0x0: {  	(tag) =	ssettag $0x1  }
0x1: {  	s0 =	srdreg.scid  }
0x2: {  	s1 =	stileid.u32;
	s31 =	sand.u32 $0x1, s0  }
0x3: {  	s12 =	rddreg [dreg:$0x0];
	s17 =	sshll.u32 s1, $0xA;
	s4 =	sshll.u32 s31, $0x9  }
0x4: {  	s28 =	rddreg [dreg:$0x1];
	s26 =	sor.u32 s4, s17  }
0x5: {  	s2 =	rddreg [dreg:$0x2];
	s3 =	simm.s32 $0x0;
	s29 =	sshrl.u32 s26, $0x3  }
0x6: {  	[smem:$0x7FF] =	sst s3;
	s14 =	sadd.s32 $0x1800, s28;
	s18 =	sadd.s32 s12, s29  }
0x7: {  	_ =	strace $0x80000047;
	s19 =	sadd.s32 s14, s29;
	[dreg:$0x4] =	wrdreg s18  }
0x8: {  	s1 =	sor.u32 $0x10, s29;
	[dreg:$0x5] =	wrdreg s19  }
0x9: {  	s20 =	sadd.s32 s12, s1;
	s5 =	rddreg [dreg:$0x4]  }
0xa: {  	s21 =	sadd.s32 s14, s1;
	[dreg:$0x6] =	wrdreg s20  }
0xb: {  	s4 =	simm.s32 $0x2;
	[dreg:$0x7] =	wrdreg s21  }
0xc: {  	[tilespmem:s3], [sflag:$0x2] =	stream.linear.gather [hbm4b:s5+s3], $0x80, $0x38;
	[tilespmem:$0x8600] =	vst v63  }
0xd: {  	_ =	swait.ge [sflag:s4], $0x80  }
0xe: {  	[sflag:s4] =	ssyncset.done $0x0  }
0xf: {  	s5 =	simm.s32 $0x200;
	s22 =	rddreg [dreg:$0x5];
	[sflag:s4] =	ssyncadd.s32 $0xFFFFFF80  }
0x10: {  	[tilespmem:s5], [sflag:$0x2] =	stream.linear.gather [hbm4b:s22+s3], $0x80, $0x38;
	[tilespmem:$0x8600] =	vst v63  }
0x11: {  	_ =	swait.ge [sflag:s4], $0x80  }
0x12: {  	[sflag:s4] =	ssyncset.done $0x0  }
0x13: {  	s6 =	simm.s32 $0x80;
	s23 =	rddreg [dreg:$0x6];
	[sflag:s4] =	ssyncadd.s32 $0xFFFFFF80  }
0x14: {  	[tilespmem:s6], [sflag:$0x2] =	stream.linear.gather [hbm4b:s23+s3], $0x80, $0x38;
	[tilespmem:$0x8600] =	vst v63  }
0x15: {  	_ =	swait.ge [sflag:s4], $0x80  }
0x16: {  	[sflag:s4] =	ssyncset.done $0x0  }
0x17: {  	s7 =	simm.s32 $0x280;
	s24 =	rddreg [dreg:$0x7];
	[sflag:s4] =	ssyncadd.s32 $0xFFFFFF80  }
0x18: {  	[tilespmem:s7], [sflag:$0x2] =	stream.linear.gather [hbm4b:s24+s3], $0x80, $0x38;
	[tilespmem:$0x8600] =	vst v63  }
0x19: {  	_ =	swait.ge [sflag:s4], $0x80  }
0x1a: {  	s30 =	sor.u32 $0x20, s29;
	[sflag:s4] =	ssyncset.done $0x0  }
0x1b: {  	s9 =	simm.s32 $0x100;
	s8 =	sadd.s32 s12, s30;
	[sflag:s4] =	ssyncadd.s32 $0xFFFFFF80  }
0x1c: {  	[tilespmem:s9], [sflag:$0x2] =	stream.linear.gather [hbm4b:s8+s3], $0x80, $0x38;
	[tilespmem:$0x8600] =	vst v63  }
0x1d: {  	_ =	swait.ge [sflag:s4], $0x80  }
0x1e: {  	[sflag:s4] =	ssyncset.done $0x0  }
0x1f: {  	s11 =	simm.s32 $0x300;
	s10 =	sadd.s32 s14, s30;
	[sflag:s4] =	ssyncadd.s32 $0xFFFFFF80  }
0x20: {  	[tilespmem:s11], [sflag:$0x2] =	stream.linear.gather [hbm4b:s10+s3], $0x80, $0x38;
	[tilespmem:$0x8600] =	vst v63  }
0x21: {  	_ =	swait.ge [sflag:s4], $0x80  }
0x22: {  	s13 =	simm.s32 $0x180;
	s25 =	sor.u32 $0x30, s29;
	[sflag:s4] =	ssyncset.done $0x0  }
0x23: {  	s12 =	sadd.s32 s12, s25;
	[dreg:$0x8] =	wrdreg s25;
	[sflag:s4] =	ssyncadd.s32 $0xFFFFFF80  }
0x24: {  	[tilespmem:s13], [sflag:$0x2] =	stream.linear.gather [hbm4b:s12+s3], $0x80, $0x38;
	[tilespmem:$0x8600] =	vst v63  }
0x25: {  	_ =	swait.ge [sflag:s4], $0x80  }
0x26: {  	[sflag:s4] =	ssyncset.done $0x0  }
0x27: {  	s15 =	simm.s32 $0x380;
	s14 =	sadd.s32 s14, s25;
	[sflag:s4] =	ssyncadd.s32 $0xFFFFFF80  }
0x28: {  	[tilespmem:s15], [sflag:$0x2] =	stream.linear.gather [hbm4b:s14+s3], $0x80, $0x38;
	[tilespmem:$0x8600] =	vst v63  }
0x29: {  	_ =	swait.ge [sflag:s4], $0x80  }
0x2a: {  	s16 =	sadd.s32 $0x2000, s28;
	[sflag:s4] =	ssyncset.done $0x0  }
0x2b: {  	s17 =	simm.s32 $0x400;
	s18 =	simm.s32 $0x1;
	[sflag:s4] =	ssyncadd.s32 $0xFFFFFF80  }
0x2c: {  	[tilespmem:s17], [sflag:$0x1] =	stream.indirect.gather [hbm4b:s16+s6], $0x40, s5, s6, $0xb8;
	[tilespmem:$0x8600] =	vst v63  }
0x2d: {  	_ =	swait.ge [sflag:s18], $0x2000  }
0x2e: {  	[sflag:s18] =	ssyncset.done $0x0  }
0x2f: {  	s19 =	simm.s32 $0x8400;
	[sflag:s18] =	ssyncadd.s32 $0xFFFFE000  }
0x30: {  	[tilespmem:s19], [sflag:$0x1] =	stream.indirect.gather [hbm4b:s2+s6], $0x1, s3, s6, $0xb8;
	[tilespmem:$0x8600] =	vst v63  }
0x31: {  	_ =	swait.ge [sflag:s18], $0x80  }
0x32: {  	[sflag:s18] =	ssyncset.done $0x0  }
0x33: {  	s20 =	simm.s32 $0x2400;
	[sflag:s18] =	ssyncadd.s32 $0xFFFFFF80  }
0x34: {  	[tilespmem:s20], [sflag:$0x1] =	stream.indirect.gather [hbm4b:s16+s6], $0x40, s7, s6, $0xb8;
	[tilespmem:$0x8600] =	vst v63  }
0x35: {  	_ =	swait.ge [sflag:s18], $0x2000  }
0x36: {  	[sflag:s18] =	ssyncset.done $0x0  }
0x37: {  	s21 =	simm.s32 $0x8480;
	[sflag:s18] =	ssyncadd.s32 $0xFFFFE000  }
0x38: {  	[tilespmem:s21], [sflag:$0x1] =	stream.indirect.gather [hbm4b:s2+s6], $0x1, s6, s6, $0xb8;
	[tilespmem:$0x8600] =	vst v63  }
0x39: {  	_ =	swait.ge [sflag:s18], $0x80  }
0x3a: {  	[sflag:s18] =	ssyncset.done $0x0  }
0x3b: {  	s22 =	simm.s32 $0x4400;
	[sflag:s18] =	ssyncadd.s32 $0xFFFFFF80  }
0x3c: {  	[tilespmem:s22], [sflag:$0x1] =	stream.indirect.gather [hbm4b:s16+s6], $0x40, s11, s6, $0xb8;
	[tilespmem:$0x8600] =	vst v63  }
0x3d: {  	_ =	swait.ge [sflag:s18], $0x2000  }
0x3e: {  	[sflag:s18] =	ssyncset.done $0x0  }
0x3f: {  	s23 =	simm.s32 $0x8500;
	[sflag:s18] =	ssyncadd.s32 $0xFFFFE000  }
0x40: {  	[tilespmem:s23], [sflag:$0x1] =	stream.indirect.gather [hbm4b:s2+s6], $0x1, s9, s6, $0xb8;
	[tilespmem:$0x8600] =	vst v63  }
0x41: {  	_ =	swait.ge [sflag:s18], $0x80  }
0x42: {  	[sflag:s18] =	ssyncset.done $0x0  }
0x43: {  	s24 =	simm.s32 $0x6400;
	[sflag:s18] =	ssyncadd.s32 $0xFFFFFF80  }
0x44: {  	[tilespmem:s24], [sflag:$0x1] =	stream.indirect.gather [hbm4b:s16+s6], $0x40, s15, s6, $0xb8;
	[tilespmem:$0x8600] =	vst v63  }
0x45: {  	_ =	swait.ge [sflag:s18], $0x2000  }
0x46: {  	[sflag:s18] =	ssyncset.done $0x0  }
0x47: {  	s25 =	simm.s32 $0x8580;
	[sflag:s18] =	ssyncadd.s32 $0xFFFFE000  }
0x48: {  	[tilespmem:s25], [sflag:$0x1] =	stream.indirect.gather [hbm4b:s2+s6], $0x1, s13, s6, $0xb8;
	[tilespmem:$0x8600] =	vst v63  }
0x49: {  	s26 =	sshll.u32 s26, $0x3;
	_ =	swait.ge [sflag:s18], $0x80  }
0x4a: {  	s26 =	sadd.s32 s26, s28;
	[sflag:s18] =	ssyncset.done $0x0  }
0x4b: {  	s26 =	sadd.s32 $0x7A6000, s26;
	[sflag:s18] =	ssyncadd.s32 $0xFFFFFF80  }
0x4c: {  	[hbm4b:s26+s3] =	stream.linear.scatter [tilespmem:s17], [sflag:$0x2], $0x8000, $0x38;
	[tilespmem:$0x8600] =	vst v63  }
0x4d: {  	_ =	swait.ge [sflag:s4], $0x8000  }
0x4e: {  	s0 =	sadd.s32 $0x7C6000, s28;
	[sflag:s4] =	ssyncset.done $0x0  }
0x4f: {  	s28 =	sadd.s32 s0, s29;
	[sflag:s4] =	ssyncadd.s32 $0xFFFF8000  }
0x50: {  	[hbm4b:s28+s3] =	stream.linear.scatter [tilespmem:s19], [sflag:$0x2], $0x80, $0x38;
	[tilespmem:$0x8600] =	vst v63  }
0x51: {  	_ =	swait.ge [sflag:s4], $0x80  }
0x52: {  	s29 =	sadd.s32 s0, s1;
	s1 =	ssub.s32 $0x2, s31;
	[sflag:s4] =	ssyncset.done $0x0  }
0x53: {  	s31 =	sshrl.u32 s1, $0x1;
	[sflag:s4] =	ssyncadd.s32 $0xFFFFFF80  }
0x54: {  	[hbm4b:s29+s3] =	stream.linear.scatter [tilespmem:s21], [sflag:$0x2], $0x80, $0x38;
	[tilespmem:$0x8600] =	vst v63  }
0x55: {  	s1 =	ssub.s32 s1, s31;
	_ =	swait.ge [sflag:s4], $0x80  }
0x56: {  	s1 =	smax.u32 s1, $0x1;
	[sflag:s4] =	ssyncset.done $0x0  }
0x57: {  	s30 =	sadd.s32 s0, s30;
	p0 =	sne.s32 s1, $0x1;
	[sflag:s4] =	ssyncadd.s32 $0xFFFFFF80  }
0x58: {  	[hbm4b:s30+s3] =	stream.linear.scatter [tilespmem:s23], [sflag:$0x2], $0x80, $0x38;
	[tilespmem:$0x8600] =	vst v63  }
.Ltmp0:
0x59: {  	_ =	swait.ge [sflag:s4], $0x80;
	(pc) =	sbr.rel @!p0 .LBB2_2-.Ltmp0, $4  }
0x5a: {  	[sflag:s4] =	ssyncset.done $0x0;
	s31 =	rddreg [dreg:$0x8]  }
0x5b: {  	s31 =	sadd.s32 s0, s31;
	[sflag:s4] =	ssyncadd.s32 $0xFFFFFF80  }
0x5c: {  	[hbm4b:s31+s3] =	stream.linear.scatter [tilespmem:s25], [sflag:$0x2], $0x80, $0x38;
	[tilespmem:$0x8600] =	vst v63  }
0x5d: {  	s1 =	sadd.s32 $0xFFFFFFFF, s1;
	_ =	swait.ge [sflag:s4], $0x80  }
.LBB2_1:
0x5e: {  	[sflag:s4] =	ssyncset.done $0x0  }
0x5f: {  	s0 =	rddreg [dreg:$0x4];
	[sflag:s4] =	ssyncadd.s32 $0xFFFFFF80  }
0x60: {  	[tilespmem:s3], [sflag:$0x2] =	stream.linear.gather [hbm4b:s0+s3], $0x80, $0x38;
	[tilespmem:$0x8600] =	vst v63  }
0x61: {  	_ =	swait.ge [sflag:s4], $0x80  }
0x62: {  	[sflag:s4] =	ssyncset.done $0x0  }
0x63: {  	s0 =	rddreg [dreg:$0x5];
	[sflag:s4] =	ssyncadd.s32 $0xFFFFFF80  }
0x64: {  	[tilespmem:s5], [sflag:$0x2] =	stream.linear.gather [hbm4b:s0+s3], $0x80, $0x38;
	[tilespmem:$0x8600] =	vst v63  }
0x65: {  	_ =	swait.ge [sflag:s4], $0x80  }
0x66: {  	[sflag:s4] =	ssyncset.done $0x0  }
0x67: {  	s0 =	rddreg [dreg:$0x6];
	[sflag:s4] =	ssyncadd.s32 $0xFFFFFF80  }
0x68: {  	[tilespmem:s6], [sflag:$0x2] =	stream.linear.gather [hbm4b:s0+s3], $0x80, $0x38;
	[tilespmem:$0x8600] =	vst v63  }
0x69: {  	_ =	swait.ge [sflag:s4], $0x80  }
0x6a: {  	[sflag:s4] =	ssyncset.done $0x0  }
0x6b: {  	s0 =	rddreg [dreg:$0x7];
	[sflag:s4] =	ssyncadd.s32 $0xFFFFFF80  }
0x6c: {  	[tilespmem:s7], [sflag:$0x2] =	stream.linear.gather [hbm4b:s0+s3], $0x80, $0x38;
	[tilespmem:$0x8600] =	vst v63  }
0x6d: {  	_ =	swait.ge [sflag:s4], $0x80  }
0x6e: {  	[sflag:s4] =	ssyncset.done $0x0  }
0x6f: {  	[sflag:s4] =	ssyncadd.s32 $0xFFFFFF80  }
0x70: {  	[tilespmem:s9], [sflag:$0x2] =	stream.linear.gather [hbm4b:s8+s3], $0x80, $0x38;
	[tilespmem:$0x8600] =	vst v63  }
0x71: {  	_ =	swait.ge [sflag:s4], $0x80  }
0x72: {  	[sflag:s4] =	ssyncset.done $0x0  }
0x73: {  	[sflag:s4] =	ssyncadd.s32 $0xFFFFFF80  }
0x74: {  	[tilespmem:s11], [sflag:$0x2] =	stream.linear.gather [hbm4b:s10+s3], $0x80, $0x38;
	[tilespmem:$0x8600] =	vst v63  }
0x75: {  	_ =	swait.ge [sflag:s4], $0x80  }
0x76: {  	[sflag:s4] =	ssyncset.done $0x0  }
0x77: {  	[sflag:s4] =	ssyncadd.s32 $0xFFFFFF80  }
0x78: {  	[tilespmem:s13], [sflag:$0x2] =	stream.linear.gather [hbm4b:s12+s3], $0x80, $0x38;
	[tilespmem:$0x8600] =	vst v63  }
0x79: {  	_ =	swait.ge [sflag:s4], $0x80  }
0x7a: {  	[sflag:s4] =	ssyncset.done $0x0  }
0x7b: {  	[sflag:s4] =	ssyncadd.s32 $0xFFFFFF80  }
0x7c: {  	[tilespmem:s15], [sflag:$0x2] =	stream.linear.gather [hbm4b:s14+s3], $0x80, $0x38;
	[tilespmem:$0x8600] =	vst v63  }
0x7d: {  	_ =	swait.ge [sflag:s4], $0x80  }
0x7e: {  	[sflag:s4] =	ssyncset.done $0x0  }
0x7f: {  	[sflag:s4] =	ssyncadd.s32 $0xFFFFFF80  }
0x80: {  	[tilespmem:s17], [sflag:$0x1] =	stream.indirect.gather [hbm4b:s16+s6], $0x40, s5, s6, $0xb8;
	[tilespmem:$0x8600] =	vst v63  }
0x81: {  	_ =	swait.ge [sflag:s18], $0x2000  }
0x82: {  	[sflag:s18] =	ssyncset.done $0x0  }
0x83: {  	[sflag:s18] =	ssyncadd.s32 $0xFFFFE000  }
0x84: {  	[tilespmem:s19], [sflag:$0x1] =	stream.indirect.gather [hbm4b:s2+s6], $0x1, s3, s6, $0xb8;
	[tilespmem:$0x8600] =	vst v63  }
0x85: {  	_ =	swait.ge [sflag:s18], $0x80  }
0x86: {  	[sflag:s18] =	ssyncset.done $0x0  }
0x87: {  	[sflag:s18] =	ssyncadd.s32 $0xFFFFFF80  }
0x88: {  	[tilespmem:s20], [sflag:$0x1] =	stream.indirect.gather [hbm4b:s16+s6], $0x40, s7, s6, $0xb8;
	[tilespmem:$0x8600] =	vst v63  }
0x89: {  	_ =	swait.ge [sflag:s18], $0x2000  }
0x8a: {  	[sflag:s18] =	ssyncset.done $0x0  }
0x8b: {  	[sflag:s18] =	ssyncadd.s32 $0xFFFFE000  }
0x8c: {  	[tilespmem:s21], [sflag:$0x1] =	stream.indirect.gather [hbm4b:s2+s6], $0x1, s6, s6, $0xb8;
	[tilespmem:$0x8600] =	vst v63  }
0x8d: {  	_ =	swait.ge [sflag:s18], $0x80  }
0x8e: {  	[sflag:s18] =	ssyncset.done $0x0  }
0x8f: {  	[sflag:s18] =	ssyncadd.s32 $0xFFFFFF80  }
0x90: {  	[tilespmem:s22], [sflag:$0x1] =	stream.indirect.gather [hbm4b:s16+s6], $0x40, s11, s6, $0xb8;
	[tilespmem:$0x8600] =	vst v63  }
0x91: {  	_ =	swait.ge [sflag:s18], $0x2000  }
0x92: {  	[sflag:s18] =	ssyncset.done $0x0  }
0x93: {  	[sflag:s18] =	ssyncadd.s32 $0xFFFFE000  }
0x94: {  	[tilespmem:s23], [sflag:$0x1] =	stream.indirect.gather [hbm4b:s2+s6], $0x1, s9, s6, $0xb8;
	[tilespmem:$0x8600] =	vst v63  }
0x95: {  	_ =	swait.ge [sflag:s18], $0x80  }
0x96: {  	[sflag:s18] =	ssyncset.done $0x0  }
0x97: {  	[sflag:s18] =	ssyncadd.s32 $0xFFFFFF80  }
0x98: {  	[tilespmem:s24], [sflag:$0x1] =	stream.indirect.gather [hbm4b:s16+s6], $0x40, s15, s6, $0xb8;
	[tilespmem:$0x8600] =	vst v63  }
0x99: {  	_ =	swait.ge [sflag:s18], $0x2000  }
0x9a: {  	[sflag:s18] =	ssyncset.done $0x0  }
0x9b: {  	[sflag:s18] =	ssyncadd.s32 $0xFFFFE000  }
0x9c: {  	[tilespmem:s25], [sflag:$0x1] =	stream.indirect.gather [hbm4b:s2+s6], $0x1, s13, s6, $0xb8;
	[tilespmem:$0x8600] =	vst v63  }
0x9d: {  	_ =	swait.ge [sflag:s18], $0x80  }
0x9e: {  	[sflag:s18] =	ssyncset.done $0x0  }
0x9f: {  	[sflag:s18] =	ssyncadd.s32 $0xFFFFFF80  }
0xa0: {  	[hbm4b:s26+s3] =	stream.linear.scatter [tilespmem:s17], [sflag:$0x2], $0x8000, $0x38;
	[tilespmem:$0x8600] =	vst v63  }
0xa1: {  	_ =	swait.ge [sflag:s4], $0x8000  }
0xa2: {  	[sflag:s4] =	ssyncset.done $0x0  }
0xa3: {  	[sflag:s4] =	ssyncadd.s32 $0xFFFF8000  }
0xa4: {  	[hbm4b:s28+s3] =	stream.linear.scatter [tilespmem:s19], [sflag:$0x2], $0x80, $0x38;
	[tilespmem:$0x8600] =	vst v63  }
0xa5: {  	_ =	swait.ge [sflag:s4], $0x80  }
0xa6: {  	[sflag:s4] =	ssyncset.done $0x0  }
0xa7: {  	[sflag:s4] =	ssyncadd.s32 $0xFFFFFF80  }
0xa8: {  	[hbm4b:s29+s3] =	stream.linear.scatter [tilespmem:s21], [sflag:$0x2], $0x80, $0x38;
	[tilespmem:$0x8600] =	vst v63  }
0xa9: {  	_ =	swait.ge [sflag:s4], $0x80  }
0xaa: {  	[sflag:s4] =	ssyncset.done $0x0  }
0xab: {  	p0 =	sne.s32 s1, $0x1;
	[sflag:s4] =	ssyncadd.s32 $0xFFFFFF80  }
0xac: {  	[hbm4b:s30+s3] =	stream.linear.scatter [tilespmem:s23], [sflag:$0x2], $0x80, $0x38;
	[tilespmem:$0x8600] =	vst v63  }
.Ltmp1:
0xad: {  	_ =	swait.ge [sflag:s4], $0x80;
	(pc) =	sbr.rel @p0 .LBB2_1-.Ltmp1, $4  }
0xae: {  	[sflag:s4] =	ssyncset.done $0x0  }
0xaf: {  	[sflag:s4] =	ssyncadd.s32 $0xFFFFFF80  }
0xb0: {  	[hbm4b:s31+s3] =	stream.linear.scatter [tilespmem:s25], [sflag:$0x2], $0x80, $0x38;
	[tilespmem:$0x8600] =	vst v63  }
0xb1: {  	s1 =	sadd.s32 $0xFFFFFFFF, s1;
	_ =	swait.ge [sflag:s4], $0x80  }
.LBB2_2:
0xb2: {  	[sflag:s4] =	ssyncset.done $0x0  }
0xb3: {  	[sflag:s4] =	ssyncadd.s32 $0xFFFFFF80  }
0xb4: {  	_ =	sfence.sel $0x180000  }
0xb5: {  	[bflag:$0x0] =	sbarrier.arrive $0xFFFF  }
0xb6: {  	_ =	strace $0x90000047  }
0xb7: {  	s0 =	stileid.u32;
	[bflag:$0x2] =	sbarrier.arrive $0xFFFF  }
0xb8: {  	p0 =	sne.s32 s0, $0x0;
	s0 =	rddreg [dreg:$0x3]  }
0xb9: {  	s0 =	sadd.s32 @!p0 $0x100000, s0  }
0xba: {  	[sflag:s0] =	ssyncadd.tile.s32 @!p0 $0x1;
	_ =	shalt  }
.Lfunc_end2:
_tile_overlayer_lowered:
.L_overlay_start_2:
0xbb: {  	(tag) =	ssettag $0x2  }
0xbc: {  	s0 =	rddreg [dreg:$0x0];
	s2 =	stileid.u32  }
0xbd: {  	s1 =	rddreg [dreg:$0x1];
	p0 =	sne.s32 s2, $0x0  }
0xbe: {  	s3 =	rddreg [dreg:$0x2];
	[bflag:$0x3] =	sbarrier.arrive $0xFFFF;
	s2 =	simm.s32 @!p0 $0x1C02  }
0xbf: {  	[timem:s3], [sflag:s2] =	dma.local @!p0 [hbm:s0], s1  }
0xc0: {  	s0 =	simm.s32 @!p0 $0x2  }
0xc1: {  	_ =	swait.ge @!p0 [sflag:s0], s1  }
0xc2: {  	s1 =	ssub.s32 @!p0 $0x0, s1;
	[sflag:s0] =	ssyncset.done @!p0 $0x0  }
0xc3: {  	[sflag:s0] =	ssyncadd.s32 @!p0 s1  }
0xc4: {  	[bflag:$0x3] =	sbarrier.arrive $0xFFFF  }
0xc5: {  	_ =	shalt  }

// kernel: scatter_offload_async_start
scs
__scs_entry_jumppad:
0x0: {  	(pc) =	sbr.rel $0x88, $3  }
0x1: {  	(tag) =	ssettag $0x0;
	lr =	simm.s32 $0x1  }
0x2: {  	[smem:$0x3F9C] =	sst lr;
	_ =	strace $0xD0000000  }
0x3: {  	_ = 	snop  }
0x4: {  	_ = 	snop  }
0x5: {  	_ = 	snop  }
0x6: {  	_ = 	snop  }
0x7: {  	_ = 	snop  }
__scs_overlays_trampoline_lowered:
0x8: {  	[smem:$0x3FAB] =	sst s0  }
0x9: {  	[smem:$0x3FAC] =	sst s1  }
0xa: {  	[smem:$0x3FAD] =	sst s2  }
0xb: {  	[smem:$0x3FAE] =	sst s3  }
0xc: {  	[smem:$0x3FAF] =	sst s4  }
0xd: {  	[smem:$0x3FB0] =	sst s5  }
0xe: {  	[smem:$0x3FB1] =	sst s6  }
0xf: {  	[smem:$0x3FB2] =	sst s7  }
0x10: {  	[smem:$0x3FB3] =	sst s8  }
0x11: {  	[smem:$0x3FB4] =	sst s9;
	s0 =	simm.s32 @!p0 $0x0  }
0x12: {  	s1 =	sld [smem:$0x3F9A];
	s0 =	simm.s32 @p0 $0x1  }
0x13: {  	[smem:$0x3FB5] =	sst s0;
	s0 =	simm.s32 @!p1 $0x0  }
0x14: {  	s2 =	sld [smem:$0x3F99];
	s0 =	simm.s32 @p1 $0x1  }
0x15: {  	[smem:$0x3FB6] =	sst s0;
	s0 =	simm.s32 @!p2 $0x0  }
0x16: {  	s3 =	sld [smem:$0x3FDB];
	s0 =	simm.s32 @p2 $0x1  }
0x17: {  	s4 =	simm.s32 $0x1BF5;
	[smem:$0x3FB8] =	sst s0  }
0x18: {  	s0 =	sld [smem:$0x3F9B];
	_ =	swait.ge [sflag:s4], $0x0  }
0x19: {  	s7 =	sld [smem:$0x3F9C]  }
0x1a: {  	s8 =	sadd.s32 $0xFFFFE003, lr  }
0x1b: {  	s9 =	sadd.s32 $0xFFFFFEF7, lr;
	s5 =	simm.s32 $0xFFFFFFFF;
	p2 =	slt.u32 s8, $0xFFFFF086  }
0x1c: {  	p1 =	slt.u32 s9, $0xF7A;
	s5 =	simm.s32 @!p2 $0x0  }
0x1d: {  	s5 =	simm.s32 @p1 $0x1;
	p0 =	seq.s32 s7, s2  }
0x1e: {  	s7 =	smul.u32 @!p0 $0xF7A, s2;
	p2 =	seq.s32 @!p0 s5, $0x0  }
0x1f: {  	s9 =	smul.u32 $0xF7A, s1;
	s8 =	simm.s32 @!p0 $0x1BF5;
	p2 =	por !p2, p0  }
0x20: {  	[sflag:s8] =	ssyncset.s32 @!p0 $0xFFFFF086;
	s6 =	sadd.s32 @!p0 s3, s7;
	s7 =	simm.s32 @!p0 $0x108  }
0x21: {  	s3 =	sadd.s32 s3, s9;
	s6 =	sadd.s32 @!p0 $0x88, s6;
	s7 =	simm.s32 @p2 $0x1082  }
0x22: {  	[simem:s7], [sflag:s8] =	dma.local @!p0 [hbm:s6], $0xF7A  }
0x23: {  	s9 =	sor.u32 $0xD0000000, s2;
	s6 =	simm.s32 $0x108;
	_ =	swait.ge @!p0 [sflag:s8], $0x0  }
0x24: {  	s3 =	sadd.s32 $0x88, s3;
	s6 =	simm.s32 @!p1 $0x1082;
	[sflag:s4] =	ssyncset.s32 $0xFFFFF086  }
0x25: {  	[simem:s6], [sflag:s4] =	dma.local [hbm:s3], $0xF7A  }
0x26: {  	[smem:$0x3F9C] =	sst s1;
	(tag) =	ssettag s2;
	_ =	strace s9  }
0x27: {  	s1 =	sld [smem:$0x3FAC]  }
0x28: {  	s2 =	sld [smem:$0x3FAD]  }
0x29: {  	s4 =	sld [smem:$0x3FAF]  }
0x2a: {  	p0 =	seq.s32 s5, $0x0;
	s5 =	sld [smem:$0x3FB0]  }
0x2b: {  	s6 =	sld [smem:$0x3FB1]  }
0x2c: {  	s7 =	sld [smem:$0x3FB2]  }
0x2d: {  	s3 =	simm.s32 $0x108;
	s8 =	sld [smem:$0x3FB3]  }
0x2e: {  	s3 =	simm.s32 @!p0 $0x1082;
	s9 =	sld [smem:$0x3FB4]  }
0x2f: {  	lr =	sadd.s32 s0, s3;
	s0 =	sld [smem:$0x3FAB]  }
0x30: {  	s3 =	sld [smem:$0x3FAE]  }
0x31: {  	[smem:$0x3FB7] =	sst s10  }
0x32: {  	s10 =	sld [smem:$0x3FB5];
	_ =	sdelay $0x3  }
0x33: {  	p0 =	seq.s32 s10, $0x1;
	s10 =	sld [smem:$0x3FB7];
	_ =	sdelay $0x3  }
0x34: {  	[smem:$0x3FB7] =	sst s10  }
0x35: {  	s10 =	sld [smem:$0x3FB6];
	_ =	sdelay $0x3  }
0x36: {  	p1 =	seq.s32 s10, $0x1;
	s10 =	sld [smem:$0x3FB7];
	_ =	sdelay $0x3  }
0x37: {  	[smem:$0x3FB7] =	sst s10  }
0x38: {  	s10 =	sld [smem:$0x3FB8]  }
0x39: {  	_ = 	snop;
	(pc) =	sbr.ind lr, $3  }
0x3a: {  	_ = 	snop  }
0x3b: {  	_ = 	snop  }
0x3c: {  	p2 =	seq.s32 s10, $0x1;
	s10 =	sld [smem:$0x3FB7]  }
0x3d: {  	_ =	shalt  }
0x3e: {  	_ =	shalt  }
0x3f: {  	_ =	shalt  }
0x40: {  	_ =	shalt  }
0x41: {  	_ =	shalt  }
0x42: {  	_ =	shalt  }
0x43: {  	_ =	shalt  }
0x44: {  	_ =	shalt  }
0x45: {  	_ =	shalt  }
0x46: {  	_ =	shalt  }
0x47: {  	_ =	shalt  }
0x48: {  	_ =	shalt  }
0x49: {  	_ =	shalt  }
0x4a: {  	_ =	shalt  }
0x4b: {  	_ =	shalt  }
0x4c: {  	_ =	shalt  }
0x4d: {  	_ =	shalt  }
0x4e: {  	_ =	shalt  }
0x4f: {  	_ =	shalt  }
0x50: {  	_ =	shalt  }
0x51: {  	_ =	shalt  }
0x52: {  	_ =	shalt  }
0x53: {  	_ =	shalt  }
0x54: {  	_ =	shalt  }
0x55: {  	_ =	shalt  }
0x56: {  	_ =	shalt  }
0x57: {  	_ =	shalt  }
0x58: {  	_ =	shalt  }
0x59: {  	_ =	shalt  }
0x5a: {  	_ =	shalt  }
0x5b: {  	_ =	shalt  }
0x5c: {  	_ =	shalt  }
0x5d: {  	_ =	shalt  }
0x5e: {  	_ =	shalt  }
0x5f: {  	_ =	shalt  }
0x60: {  	_ =	shalt  }
0x61: {  	_ =	shalt  }
0x62: {  	_ =	shalt  }
0x63: {  	_ =	shalt  }
0x64: {  	_ =	shalt  }
0x65: {  	_ =	shalt  }
0x66: {  	_ =	shalt  }
0x67: {  	_ =	shalt  }
0x68: {  	_ =	shalt  }
0x69: {  	_ =	shalt  }
0x6a: {  	_ =	shalt  }
0x6b: {  	_ =	shalt  }
0x6c: {  	_ =	shalt  }
0x6d: {  	_ =	shalt  }
0x6e: {  	_ =	shalt  }
0x6f: {  	_ =	shalt  }
0x70: {  	_ =	shalt  }
0x71: {  	_ =	shalt  }
0x72: {  	_ =	shalt  }
0x73: {  	_ =	shalt  }
0x74: {  	_ =	shalt  }
0x75: {  	_ =	shalt  }
0x76: {  	_ =	shalt  }
0x77: {  	_ =	shalt  }
0x78: {  	_ =	shalt  }
0x79: {  	_ =	shalt  }
0x7a: {  	_ =	shalt  }
0x7b: {  	_ =	shalt  }
0x7c: {  	_ =	shalt  }
0x7d: {  	_ =	shalt  }
0x7e: {  	_ =	shalt  }
0x7f: {  	_ =	shalt  }
0x80: {  	_ =	shalt  }
0x81: {  	_ =	shalt  }
0x82: {  	_ =	shalt  }
0x83: {  	_ =	shalt  }
0x84: {  	_ =	shalt  }
0x85: {  	_ =	shalt  }
0x86: {  	_ =	shalt  }
0x87: {  	_ =	shalt  }
.Lfunc_end0:
.L_simem_size_0:
called_computation_lowered:
.L_overlay_start_0:
0x88: {  	s0 =	sld [smem:$0x3FD9]  }
0x89: {  	s1 =	sld [smem:$0x3FFE];
	_ =	sdelay $0x3  }
0x8a: {  	s0 =	sadd.s32 s1, s0  }
0x8b: {  	[smem:$0x3FC3] =	sst s0  }
0x8c: {  	_ = 	snop  }
0x8d: {  	(tm) =	ssettm $0x1  }
0x8e: {  	s15 =	sld [smem:$0x3FFB];
	_ =	sdelay $0x3  }
0x8f: {  	_ =	strace s15  }
0x90: {  	s0 =	sld [smem:$0x3FFC];
	_ =	sdelay $0x3  }
0x91: {  	_ =	strace s0  }
0x92: {  	s0 =	sld [smem:$0x3FFD];
	_ =	sdelay $0x3  }
0x93: {  	_ =	strace s0  }
0x94: {  	_ =	strace $0x8FFFFFFF  }
0x95: {  	s16 =	sld [smem:$0x3FDB];
	_ =	sdelay $0x1  }
0x96: {  	s17 =	simm.s32 $_scs_section_size  }
0x97: {  	s2 =	simm.s32 $_size__tile_overlayer_lowered;
	s3 =	simm.s32 $_tile_overlayer_lowered  }
0x98: {  	s20 =	simm.s32 $0x1BFF;
	s19 =	sshll.u32 s3, $0x1;
	s0 =	sadd.s32 s17, s16  }
0x99: {  	s4 =	simm.s32 $0x0;
	s18 =	sshll.u32 s2, $0x1;
	s2 =	sadd.s32 s19, s0  }
0x9a: {  	[timem:s4], [sflag:s20] =	dma.local [hbm:s2], s18  }
0x9b: {  	_ =	swait.ge [sflag:s20], s18  }
0x9c: {  	s1 =	ssub.s32 $0x0, s18;
	[sflag:s20] =	ssyncset.done $0x0  }
0x9d: {  	[sflag:s20] =	ssyncadd.s32 s1;
	_ =	sdelay $0x1  }
0x9e: {  	s21 =	simm.s32 $0x1B8B  }
0x9f: {  	_ =	swait.ge [sflag:s21], $0x1  }
0xa0: {  	[sflag:s21] =	ssyncset.done $0x0  }
0xa1: {  	s23 =	simm.s32 $0x1B8E;
	s22 =	sld [smem:$0x3FFE];
	[sflag:s21] =	ssyncadd.s32 $0xFFFFFFFF  }
0xa2: {  	s24 =	simm.s32 $execute0_lowered;
	[smem:$0x3FD2] =	sst s23  }
0xa3: {  	s2 =	sshll.u32 s24, $0x1;
	_ =	strace $0x80000049;
	[dreg:$0x1] =	wrdreg $0xFFFFFFFF  }
0xa4: {  	s25 =	simm.s32 $_size_execute0_lowered;
	s0 =	sadd.s32 s0, s2;
	[dreg:$0x0] =	wrdreg $0x0  }
0xa5: {  	s2 =	sshll.u32 s25, $0x1;
	[dreg:$0x2] =	wrdreg s0  }
0xa6: {  	[dreg:$0x3] =	wrdreg s2  }
0xa7: {  	[dreg:$0x4] =	wrdreg $0xC0  }
0xa8: {  	_ =	task [dreg:s4], $0x5FFFF  }
0xa9: {  	[dreg:$0x1] =	wrdreg $0xFFFFFFFF  }
0xaa: {  	[dreg:$0x0] =	wrdreg $0x60  }
0xab: {  	[dreg:$0x2] =	wrdreg s22  }
0xac: {  	[dreg:$0x3] =	wrdreg $0x9  }
0xad: {  	_ =	task.clear_ibuf [dreg:s4], $0x4FFFF;
	_ =	strace $0x90000049  }
0xae: {  	s26 =	simm.s32 $0x9;
	_ =	strace $0x8000004B  }
0xaf: {  	_ =	swait.ge [sflag:s26], $0x1  }
0xb0: {  	[sflag:s26] =	ssyncadd.s32 $0xFFFFFFFF  }
0xb1: {  	_ =	strace $0x9000004B  }
0xb2: {  	_ =	sfence  }
0xb3: {  	s28 =	sld [smem:$0x0];
	_ =	sdelay $0x1  }
0xb4: {  	s29 =	srdreg.scid  }
0xb5: {  	s30 =	sshll.u32 s29, $0xD;
	s31 =	sshrl.u32 s29, $0x2  }
0xb6: {  	s1 =	sand.u32 $0x1, s29;
	s2 =	sand.u32 $0x4000, s30;
	s0 =	sadd.s32 s31, s28  }
0xb7: {  	s1 =	sor.u32 s2, s1;
	s0 =	sshll.u32 s0, $0x11  }
0xb8: {  	s0 =	sor.u32 s0, s1  }
0xb9: {  	s0 =	sadd.s32 $0x8F2B, s0  }
0xba: {  	[sflag:s0] =	ssyncadd.remote.s32 $0x1  }
0xbb: {  	_ =	sfence.sel $0xFFFF  }
0xbc: {  	[dreg:$0x0] =	wrdreg $0xFFFFFFFF;
	(pc) =	sbr.abs _section_cstart, $3  }
0xbd: {  	[dreg:$0x1] =	wrdreg $0xFFFFFFFF  }
0xbe: {  	_ =	task.clear_ibuf [dreg:s4], $0x2FFFF;
	_ =	strace $0x9FFFFFFF  }
0xbf: {  	(tm) =	ssettm $0x7FFFFFFF  }
tec
execute0_lowered:
.L_overlay_start_1:
0x0: {  	(tag) =	ssettag $0x1  }
0x1: {  	s0 =	rddreg [dreg:$0x0];
	_ =	strace $0x8000004A;
	s3 =	simm.s32 $0x1  }
0x2: {  	v1 =	vimm.s32 $0xFFFFFFFF;
	[sflag:s3] =	ssyncpa.u1 $0x0  }
0x3: {  	[tilespmem:$0x10] =	vst v1  }
0x4: {  	v0 =	vimm.s32 $0x80000000;
	[tilespmem:$0x20] =	vst v1  }
0x5: {  	[tilespmem:$0x30] =	vst v0  }
0x6: {  	s2 =	simm.s32 $0x2;
	s6 =	simm.s32 $0x7;
	[tilespmem:$0x40] =	vst v0  }
0x7: {  	s26 =	stileid.u32;
	s7 =	simm.s32 $0x8;
	s31 =	simm.s32 $0x9;
	[tilespmem:$0x50] =	vst v0  }
0x8: {  	s14 =	simm.s32 $0x0;
	s15 =	simm.s32 $0x100;
	s19 =	simm.s32 $0x2500;
	[tilespmem:$0x60] =	vst v1  }
0x9: {  	s20 =	simm.s32 $0xF;
	s21 =	simm.s32 $0x50;
	s22 =	simm.s32 $0x10FF;
	[tilespmem:$0x70] =	vst v1  }
0xa: {  	s23 =	simm.s32 $0x20;
	s24 =	simm.s32 $0x30;
	s25 =	simm.s32 $0x20FF;
	[tilespmem:$0x80] =	vst v1  }
0xb: {  	s30 =	simm.s32 $0x0;
	s29 =	simm.s32 $0x0;
	s1 =	sadd.s32 $0x7A6800, s0;
	v1 =	vimm.s32 $0x0;
	[tilespmem:$0xB0] =	vst v0  }
.Ltmp0:
0xc: {  	s4 =	sadd.s32 $0x7C6800, s0;
	s5 =	sadd.s32 $0x7C7000, s0;
	[tilespmem:$0x90] =	vst v1;
	(pc) =	sbr.rel .LBB2_1-.Ltmp0, $4  }
0xd: {  	s8 =	sshll.u32 s26, $0xA;
	s10 =	sshll.u32 s26, $0x1;
	[tilespmem:$0xA0] =	vst v1;
	[sflag:s2] =	ssyncpa.u1 $0x0  }
0xe: {  	s12 =	sshllo.u32 s26, $0x1;
	s26 =	simm.s32 $0x80;
	[sflag:s6] =	ssyncpa.u1 $0x0  }
0xf: {  	vm0 =	vmmov $0xffff;
	v2 =	vlaneseq.u32;
	s9 =	sadd.s32 $0x400, s8;
	s11 =	sor.u32 $0x81, s10;
	[sflag:s7] =	ssyncpa.u1 $0x0  }
0x10: {  	vm1 =	vmxor vm1, vm1;
	vm2 =	vmmov $0x1;
	vm3 =	vcmask $0x3F3C;
	s13 =	sor.u32 $0x80, s10;
	s28 =	smov.u32 s8;
	[sflag:s31] =	ssyncpa.u1 $0x0  }
.LBB2_3:
0x11: {  	s0 =	sshrl.u32 s28, $0x3  }
0x12: {  	s2 =	sand.u32 $0x7, s28;
	s0 =	sadd.s32 s4, s0  }
0x13: {  	[tilespmem:s15], [sflag:$0x7] =	stream.linear.gather [hbm4b:s0+s2], $0x400, $0x38;
	[tilespmem:$0x2520] =	vst v63  }
.LBB2_4:
0x14: {  	s0 =	sadd.s32 $0x400, s28  }
0x15: {  	s2 =	smov.u32 s8;
	s29 =	sadd.s32 $0x1, s29;
	p0 =	slt.s32 s0, s9  }
0x16: {  	s2 =	smov.u32 @p0 s0;
	p0 =	sne.s32 s29, $0x4  }
.Ltmp1:
0x17: {  	_ = 	snop;
	(pc) =	sbr.rel @!p0 .LBB2_13-.Ltmp1, $2  }
0x18: {  	_ =	sdelay $0x2  }
0x19: {  	s30 =	smov.u32 s28;
	s28 =	smov.u32 s2  }
.LBB2_1:
0x1a: {  	p0 =	sgt.s32 s29, $0x1  }
.Ltmp2:
0x1b: {  	_ = 	snop;
	(pc) =	sbr.rel @p0 .LBB2_11-.Ltmp2, $1  }
0x1c: {  	_ =	sdelay $0x3  }
0x1d: {  	p0 =	seq.s32 s29, $0x0  }
.Ltmp3:
0x1e: {  	_ = 	snop;
	(pc) =	sbr.rel @p0 .LBB2_3-.Ltmp3, $1  }
0x1f: {  	_ =	sdelay $0x3  }
0x20: {  	_ =	swait.ge [sflag:s6], $0x400  }
0x21: {  	[sflag:s6] =	ssyncset.done $0x0  }
0x22: {  	[sflag:s6] =	ssyncadd.s32 $0xFFFFFC00;
	(ifvalue) =	ssetifvalue $0xFFFFFFFF;
	v3 =	vld.msk [tilespmem:s15+$0x0 ss:$0x1], $0xffff;
	_ =	sdelay $0x4  }
0x23: {  	v4 =	vperm.xlane v3, v1  }
0x24: {  	vm4 =	vlt.u32 v3, $0xF4400  }
0x25: {  	v3 =	vnsel vm4, $0xFFFFFFFE, v3;
	vm4 =	vlt.u32 v4, $0xF4400  }
0x26: {  	[tilespmem:$0x70] =	vst v3;
	v3 =	vnsel vm4, $0xFFFFFFFE, v4  }
0x27: {  	s17 =	simm.s32 $0x4F0;
	[tilespmem:$0x80] =	vst v3  }
0x28: {  	v3 =	vld.msk [tilespmem:s17+$0x0 ss:$0x1], $0xffff;
	_ =	sdelay $0x4  }
0x29: {  	(xrf1) =	vunique.msk.u32 $0xffff, v3;
	_ =	sdelay $0xd  }
0x2a: {  	v4 =	vimm.s32 $0xFFFFFFFF;
	v5, _, _ =	vpop (xrf1)  }
0x2b: {  	vm5 =	vne.s32 v3, v4;
	vm4 =	veq.s32 v5, v2  }
0x2c: {  	vm6 =	vlt.u32 v3, $0xF4400;
	vm4 =	vmand vm5, vm4  }
0x2d: {  	vm4 =	vmand vm6, vm4  }
0x2e: {  	v4 =	vnsel vm4, $0xFFFFFFFF, v3;
	_ =	sdelay $0x3  }
0x2f: {  	s0 =	simm.s32 $0x10F0;
	(ifvalue) =	ssetifvalue $0xFFFFFFFF  }
0x30: {  	v3 =	vperm.xlane v3, v1;
	[tilespmem:s0], [sflag:$0x8] =	stream.indirect_vreg.gather [hbm4b:s1+s14], $0x1, v4, vm0, $0x4038;
	v4 =	vnsel vm6, $0xFFFFFFFE, v4;
	[tilespmem:$0x2520] =	vst v63  }
0x31: {  	s2 =	simm.s32 $0x0;
	s16 =	simm.s32 $0x4E0;
	[tilespmem:s17+$0x0] =	vst v4  }
.LBB2_6:
0x32: {  	v4 =	vld.msk [tilespmem:s16+$0x0 ss:$0x1], $0xffff;
	s2 =	sadd.s32 $0x10, s2;
	v5 =	vmov v3;
	s17 =	smov.u32 s16  }
0x33: {  	p0 =	slt.u32 s2, $0x3F0;
	_ =	sdelay $0x4  }
0x34: {  	v3 =	vperm.xlane v4, v1;
	(xrf1) =	vunique.msk.u32 $0xffff, v4;
	_ =	sdelay $0xd  }
0x35: {  	v6, _, _ =	vpop (xrf1)  }
0x36: {  	vm5 =	vne.s32 v4, v5;
	vm4 =	veq.s32 v6, v2  }
0x37: {  	vm6 =	vlt.u32 v4, $0xF4400;
	vm4 =	vmand vm5, vm4  }
0x38: {  	vm4 =	vmand vm6, vm4  }
0x39: {  	v4 =	vnsel vm4, $0xFFFFFFFF, v4  }
.Ltmp4:
0x3a: {  	v5 =	vnsel vm6, $0xFFFFFFFE, v4;
	(pc) =	sbr.rel @p0 .LBB2_6-.Ltmp4, $3  }
0x3b: {  	_ =	sdelay $0x1  }
0x3c: {  	s16 =	sadd.s32 $0xFFFFFFF0, s16;
	s0 =	sadd.s32 $0xFFFFFFF0, s0;
	(ifvalue) =	ssetifvalue $0xFFFFFFFF  }
0x3d: {  	[tilespmem:s0], [sflag:$0x8] =	stream.indirect_vreg.gather [hbm4b:s1+s14], $0x1, v4, vm0, $0x4038;
	[tilespmem:s17+$0x0] =	vst v5  }
.Ltmp5:
0x3e: {  	(pc) =	sbr.rel .LBB2_4-.Ltmp5, $4  }
0x3f: {  	_ = 	snop  }
0x40: {  	s0 =	sshrl.u32 s30, $0x3  }
0x41: {  	s2 =	simm.s32 $0x1500;
	s0 =	sadd.s32 s5, s0  }
0x42: {  	[tilespmem:s2], [sflag:$0x8] =	stream.linear.gather [hbm:s0], $0x400, $0x38;
	[tilespmem:$0x2520] =	vst v63  }
.LBB2_11:
0x43: {  	p0 =	seq.s32 s29, $0x2  }
.Ltmp6:
0x44: {  	_ = 	snop;
	(pc) =	sbr.rel @!p0 .LBB2_12-.Ltmp6, $1  }
0x45: {  	_ =	sdelay $0x3  }
0x46: {  	_ =	swait.ge [sflag:s7], $0x800  }
0x47: {  	[sflag:s7] =	ssyncset.done $0x0  }
0x48: {  	s0 =	simm.s32 $0x4FF;
	[sflag:s7] =	ssyncadd.s32 $0xFFFFF800  }
0x49: {  	[spmem:s11] =	stream.linear.scatter [tilespmem:s0], [sflag:$0x1], $0x1, $0x38;
	[tilespmem:$0x2520] =	vst v63  }
0x4a: {  	_ =	swait.ge [sflag:s3], $0x1  }
0x4b: {  	[sflag:s3] =	ssyncset.done $0x0  }
0x4c: {  	[sflag:s3] =	ssyncadd.s32 $0xFFFFFFFF  }
0x4d: {  	v4 =	vld [tilespmem:$0x10]  }
0x4e: {  	v5 =	vld [tilespmem:$0x70]  }
0x4f: {  	v3 =	vld [tilespmem:$0x80];
	_ =	sdelay $0x2  }
0x50: {  	(v2sf) =	vpush v4, $0x0  }
0x51: {  	(v2sf) =	vpush v5, $0x0  }
0x52: {  	(v2sf) =	vpush v3, $0x0;
	_ =	sdelay $0xc  }
0x53: {  	s18 =	spop (v2sf)  }
0x54: {  	s2 =	spop (v2sf)  }
0x55: {  	s30 =	spop (v2sf)  }
0x56: {  	p0 =	seq.s32 s18, s2;
	p1 =	seq.s32 s30, s18  }
0x57: {  	p1 =	por p0, p1  }
0x58: {  	s2 =	simm.s32 $0x10;
	v4 =	vpsel p1, $0xFFFFFFFF, v4  }
0x59: {  	[tilespmem:s2+$0x0] =	vst.msk $0x1, v4  }
0x5a: {  	v4 =	vld [tilespmem:$0x30]  }
0x5b: {  	v5 =	vld [tilespmem:$0x1500]  }
0x5c: {  	v6 =	vld [tilespmem:$0x40];
	_ =	sdelay $0x3  }
0x5d: {  	vm4 =	vmmov vm1;
	vm6 =	vmmov vm2;
	vm5 =	vgt.s32 v4, v5  }
0x5e: {  	s16 =	simm.s32 $0x1500;
	vm4 =	vmmov @p0 vm2;
	v5 =	vsel vm5, v4, v5;
	vm5 =	vgt.s32 v4, v6  }
0x5f: {  	vm6 =	vmmov @p1 vm1;
	v4 =	vsel vm5, v4, v6;
	[tilespmem:s16+$0x0] =	vst.msk vm4, v5  }
0x60: {  	[tilespmem:s19+$0x0] =	vst.msk vm6, v4  }
0x61: {  	v4 =	vld [tilespmem:$0x10F0];
	_ =	sdelay $0x4  }
0x62: {  	v4 =	vshift.insert v4, v1, s20;
	_ =	sdelay $0x1  }
0x63: {  	v5 =	vimm.s32 $0x80000000;
	[tilespmem:s21+$0x0] =	vst.msk $0x1, v4  }
0x64: {  	[tilespmem:s22+$0x0] =	vst.msk $0x1, v5  }
0x65: {  	v4 =	vld [tilespmem:$0x4F0];
	_ =	sdelay $0x4  }
0x66: {  	v4 =	vshift.insert v4, v1, s20;
	_ =	sdelay $0x1  }
0x67: {  	[tilespmem:s23+$0x0] =	vst.msk $0x1, v4  }
0x68: {  	v6 =	vld [tilespmem:s16+$0x0]  }
0x69: {  	s17 =	simm.s32 $0x100  }
0x6a: {  	v7 =	vld [tilespmem:s17+$0x0];
	_ =	sdelay $0x2  }
0x6b: {  	vm4 =	vgt.s32 v6, v5  }
0x6c: {  	v5 =	vsel vm4, v6, v5  }
0x6d: {  	vm4 =	vne.s32 v7, $0xFFFFFFFF;
	v5 =	vxor.u32 $0x80000000, v5  }
0x6e: {  	(xrf0) =	vmax.seg.scan.u32 vm4, v5  }
0x6f: {  	s18 =	simm.s32 $0xD00  }
0x70: {  	v8 =	vld [tilespmem:s18+$0x0]  }
0x71: {  	v6 =	vld [tilespmem:$0xA0];
	_ =	sdelay $0x2  }
0x72: {  	v5 =	vperm.xlane v4, v1;
	v9, _, _ =	vpop (xrf0)  }
0x73: {  	vm6 =	veq.s32 v7, v3;
	v9 =	vxor.u32 $0x80000000, v9  }
0x74: {  	vm8 =	veq.s32 v7, v5;
	vm5 =	veq.s32 v6, $0x1;
	vm7 =	vgt.s32 v9, v8  }
0x75: {  	vm8 =	vmor vm8, vm6;
	v6 =	vsel vm7, v9, v8;
	vm7 =	vgt.u32 v7, $0xFFFFFFFD  }
0x76: {  	v10 =	vld [tilespmem:$0x90];
	vm9 =	vmand vm4, vm3;
	vm4 =	vmor vm5, vm6;
	vm5 =	vmor vm8, vm7  }
0x77: {  	v8 =	vsel vm5, $0xFFFFFFFF, v7;
	_ =	sdelay $0x1  }
0x78: {  	s31 =	simm.s32 $0x1D00  }
0x79: {  	s0 =	simm.s32 $0x0;
	s2 =	simm.s32 $0x1510;
	s16 =	simm.s32 $0x110;
	v11 =	vsel vm9, $0x80000000, v9;
	v6 =	vsel vm6, v9, v6  }
0x7a: {  	s17 =	simm.s32 $0x1D10;
	s18 =	simm.s32 $0xD10;
	[tilespmem:s31+$0x0] =	vst v6;
	v6 =	vsel vm6, v9, v10;
	v7 =	vshift.insert v11, v0, s20;
	(ifvalue) =	ssetifvalue $0xFFFFFFFF  }
.LBB2_9:
0x7b: {  	[hbm4b:s1+s14] =	stream.indirect_vreg.scatter [tilespmem:s31], [sflag:$0x2], $0x1, v8, vm0, $0x4038;
	[tilespmem:$0x2520] =	vst v63  }
0x7c: {  	s0 =	sadd.s32 $0x10, s0;
	s31 =	smov.u32 s17;
	v8 =	vld [tilespmem:s2+$0x0]  }
0x7d: {  	p0 =	slt.u32 s0, $0x3F0  }
0x7e: {  	v9 =	vld [tilespmem:s16+$0x0];
	_ =	sdelay $0x2  }
0x7f: {  	vm5 =	vgt.s32 v8, v7  }
0x80: {  	v7 =	vsel vm5, v8, v7  }
0x81: {  	vm5 =	vne.s32 v9, $0xFFFFFFFF;
	v7 =	vxor.u32 $0x80000000, v7  }
0x82: {  	(xrf0) =	vmax.seg.scan.u32 vm5, v7;
	_ =	sdelay $0x2  }
0x83: {  	v7 =	vld [tilespmem:s18+$0x0];
	_ =	sdelay $0x1  }
0x84: {  	vm6 =	veq.s32 v9, v3;
	vm7 =	veq.s32 v9, v5  }
0x85: {  	vm8 =	vgt.u32 v9, $0xFFFFFFFD;
	vm4 =	vmor vm4, vm6;
	vm7 =	vmor vm7, vm6;
	v8, _, _ =	vpop (xrf0)  }
0x86: {  	vm5 =	vmand vm5, vm3;
	vm7 =	vmor vm7, vm8;
	v10 =	vxor.u32 $0x80000000, v8  }
.Ltmp7:
0x87: {  	v8 =	vsel vm7, $0xFFFFFFFF, v9;
	vm7 =	vgt.s32 v10, v7;
	v9 =	vsel vm5, $0x80000000, v10;
	(pc) =	sbr.rel @p0 .LBB2_9-.Ltmp7, $4  }
0x88: {  	v6 =	vsel vm6, v10, v6;
	v11 =	vsel vm7, v10, v7;
	v7 =	vshift.insert v9, v0, s20  }
0x89: {  	v9 =	vsel vm6, v10, v11  }
0x8a: {  	s2 =	sadd.s32 $0x10, s2;
	s16 =	sadd.s32 $0x10, s16;
	[tilespmem:s17+$0x0] =	vst v9  }
0x8b: {  	s18 =	sadd.s32 $0x10, s18;
	s17 =	sadd.s32 $0x10, s17;
	(ifvalue) =	ssetifvalue $0xFFFFFFFF  }
0x8c: {  	_ =	sdelay $0x3  }
0x8d: {  	[hbm4b:s1+s14] =	stream.indirect_vreg.scatter [tilespmem:s31], [sflag:$0x2], $0x1, v8, vm0, $0x4038;
	[tilespmem:$0x2520] =	vst v63  }
0x8e: {  	v3 =	vld [tilespmem:$0x20F0];
	_ =	sdelay $0x4  }
0x8f: {  	v3 =	vshift.insert v3, v1, s20;
	_ =	sdelay $0x1  }
0x90: {  	[tilespmem:s24+$0x0] =	vst.msk $0x1, v3  }
0x91: {  	v3 =	vsel vm4, $0x1, v1;
	[tilespmem:$0x90] =	vst v6  }
0x92: {  	[tilespmem:$0xA0] =	vst v3  }
0x93: {  	[spmem:s12] =	stream.linear.scatter [tilespmem:s25], [sflag:$0x1], $0x1, $0x38;
	[tilespmem:$0x2520] =	vst v63  }
0x94: {  	v3 =	vmctz.xlane vm4;
	_ =	swait.ge [sflag:s3], $0x1  }
0x95: {  	(v2sf) =	vpush v4, $0x0  }
0x96: {  	(v2sf) =	vpush v3, $0x0;
	_ =	sdelay $0xd  }
0x97: {  	s0 =	spop (v2sf)  }
0x98: {  	s2 =	spop (v2sf)  }
0x99: {  	[sflag:s3] =	ssyncset.done $0x0;
	p0 =	sne.s32 s30, s0;
	p1 =	slt.s32 s2, $0xF  }
0x9a: {  	[sflag:s3] =	ssyncadd.s32 $0xFFFFFFFF;
	v3 =	vimm.s32 @!p0 $0xFFFFFFFF;
	s2 =	simm.s32 @!p1 $0xF  }
0x9b: {  	[tilespmem:$0x80] =	vst @!p0 v3;
	s31 =	sadd.s32 $0x90, s2  }
0x9c: {  	[spmem:s10] =	stream.linear.scatter [tilespmem:s31], [sflag:$0x1], $0x1, $0x38;
	[tilespmem:$0x2520] =	vst v63  }
0x9d: {  	_ =	swait.ge [sflag:s3], $0x1  }
0x9e: {  	[sflag:s3] =	ssyncset.done $0x0  }
0x9f: {  	[sflag:s3] =	ssyncadd.s32 $0xFFFFFFFF  }
0xa0: {  	[spmem:s13] =	stream.linear.scatter [tilespmem:s26], [sflag:$0x1], $0x1, $0x38;
	[tilespmem:$0x2520] =	vst v63  }
0xa1: {  	_ =	swait.ge [sflag:s3], $0x1  }
0xa2: {  	[sflag:s3] =	ssyncset.done $0x0  }
0xa3: {  	[sflag:s3] =	ssyncadd.s32 $0xFFFFFFFF;
	(ifvalue) =	ssetifvalue $0xFFFFFFFF;
	v3 =	vld [tilespmem:$0x10];
	_ =	sdelay $0x3  }
.Ltmp8:
0xa4: {  	_ = 	snop;
	(pc) =	sbr.rel .LBB2_4-.Ltmp8, $3  }
0xa5: {  	_ =	sdelay $0x1  }
0xa6: {  	(ifvalue) =	ssetifvalue $0xFFFFFFFF  }
0xa7: {  	[hbm4b:s1+s14] =	stream.indirect_vreg.scatter [tilespmem:s19], [sflag:$0x9], $0x1, v3, vm0, $0x4038;
	[tilespmem:$0x2520] =	vst v63  }
.LBB2_12:
0xa8: {  	s0 =	simm.s32 $0x2  }
0xa9: {  	_ =	swait.ge [sflag:s0], $0x400  }
0xaa: {  	[sflag:s0] =	ssyncset.done $0x0  }
0xab: {  	s31 =	simm.s32 $0x9;
	[sflag:s0] =	ssyncadd.s32 $0xFFFFFC00  }
0xac: {  	_ =	swait.ge [sflag:s31], $0x10  }
0xad: {  	[sflag:s31] =	ssyncset.done $0x0  }
0xae: {  	[sflag:s31] =	ssyncadd.s32 $0xFFFFFFF0  }
.LBB2_13:
0xaf: {  	_ =	sfence.sel $0x180000  }
0xb0: {  	s0 =	simm.s32 $0x7;
	[bflag:$0x0] =	sbarrier.arrive $0xFFFF  }
0xb1: {  	s26 =	simm.s32 $0x8;
	[sflag:s0] =	ssyncpa.u1 $0x1  }
0xb2: {  	s28 =	simm.s32 $0x9;
	[sflag:s26] =	ssyncpa.u1 $0x1  }
0xb3: {  	[sflag:s28] =	ssyncpa.u1 $0x1  }
0xb4: {  	_ =	sfence.stream.spmem  }
0xb5: {  	s29 =	simm.s32 $0x3;
	[bflag:$0x0] =	sbarrier.arrive $0xFFFF  }
0xb6: {  	s30 =	simm.s32 $0x4;
	[sflag:s29] =	ssyncpa.u1 $0x1  }
0xb7: {  	s31 =	simm.s32 $0x3C;
	s2 =	stileid.u32;
	[sflag:s30] =	ssyncpa.u1 $0x1  }
0xb8: {  	p0 =	sne.s32 s2, $0x0;
	[sflag:s31] =	ssyncpa.u1 $0x1  }
0xb9: {  	s0 =	simm.s32 @p0 $0x1;
	_ =	sfence @p0  }
0xba: {  	[sflag:s0] =	ssyncpa.u1 @p0 $0x1;
	s0 =	simm.s32 @p0 $0x2  }
0xbb: {  	[sflag:s0] =	ssyncpa.u1 @p0 $0x1  }
0xbc: {  	_ =	strace @p0 $0x9000004A  }
0xbd: {  	[bflag:$0x2] =	sbarrier.arrive @p0 $0xFFFF  }
0xbe: {  	_ =	shalt @p0  }
.LBB2_14:
0xbf: {  	_ =	sfence.stream.spmem;
	s0 =	simm.s32 $0x5  }
0xc0: {  	s2 =	simm.s32 $0x80;
	s3 =	simm.s32 $0xC0;
	[sflag:s0] =	ssyncpa.u1 $0x0  }
0xc1: {  	[tilespmem:s3], [sflag:$0x5] =	stream.linear.gather [spmem:s2], $0x20, $0x38;
	[tilespmem:$0x2520] =	vst v63  }
0xc2: {  	s30 =	simm.s32 $0xE0;
	s2 =	simm.s32 $0x0  }
0xc3: {  	[tilespmem:s30], [sflag:$0x5] =	stream.linear.gather [spmem:s2], $0x20, $0x38;
	[tilespmem:$0x2520] =	vst v63  }
.Ltmp9:
0xc4: {  	_ = 	snop;
	(pc) =	sbr.rel .LBB2_15-.Ltmp9, $4  }
0xc5: {  	_ =	swait.ge [sflag:s0], $0x40  }
0xc6: {  	[sflag:s0] =	ssyncset.done $0x0  }
0xc7: {  	s31 =	simm.s32 $0x6;
	[sflag:s0] =	ssyncadd.s32 $0xFFFFFFC0  }
0xc8: {  	s3 =	simm.s32 $0x0;
	[sflag:s31] =	ssyncpa.u1 $0x0  }
.LBB2_20:
0xc9: {  	p0 =	sgt.u32 s4, $0xF43FF  }
0xca: {  	s0 =	sshrl.u32 @!p0 s4, $0x3  }
0xcb: {  	s4 =	sand.u32 @!p0 $0x7, s4;
	s5 =	simm.s32 @!p0 $0xB0;
	s0 =	sadd.s32 @!p0 s1, s0  }
0xcc: {  	[tilespmem:s5], [sflag:$0x6] =	stream.linear.gather @!p0 [hbm4b:s0+s4], $0x1, $0x38;
	[tilespmem:$0x2520] =	vst v63  }
0xcd: {  	s0 =	simm.s32 @!p0 $0x6  }
0xce: {  	_ =	swait.ge @!p0 [sflag:s0], $0x1  }
0xcf: {  	[sflag:s0] =	ssyncset.done @!p0 $0x0  }
0xd0: {  	[sflag:s0] =	ssyncadd.s32 @!p0 $0xFFFFFFFF  }
0xd1: {  	v1 =	vld.msk @!p0 [tilespmem:$0xB0], $0x1  }
0xd2: {  	v2 =	vld.msk @!p0 [tilespmem:s3+$0xE0], $0x1;
	_ =	sdelay $0x4  }
0xd3: {  	vm0 =	vgt.s32 @!p0 v2, v1  }
0xd4: {  	v1 =	vsel @!p0 vm0, v2, v1  }
0xd5: {  	[tilespmem:s3+$0xE0] =	vst.msk @!p0 $0x1, v1  }
0xd6: {  	[tilespmem:s2+$0xC0] =	vst.msk $0x1, v0  }
0xd7: {  	v0 =	vld.msk [tilespmem:s3+$0xE0], $0x1;
	_ =	sdelay $0x4  }
0xd8: {  	[tilespmem:s2+$0xE0] =	vst.msk $0x1, v0;
	s2 =	sadd.s32 $0x1, s2  }
.LBB2_22:
0xd9: {  	s3 =	sadd.s32 $0x1, s3  }
0xda: {  	p0 =	sne.s32 s3, $0x20  }
.Ltmp10:
0xdb: {  	_ = 	snop;
	(pc) =	sbr.rel @!p0 .LBB2_23-.Ltmp10, $1  }
0xdc: {  	_ =	sdelay $0x3  }
.LBB2_15:
0xdd: {  	v0 =	vld.msk [tilespmem:s3+$0xC0], $0x1;
	_ =	sdelay $0x4  }
0xde: {  	(v2sf) =	vpush v0, $0x0;
	_ =	sdelay $0xe  }
0xdf: {  	s4 =	spop (v2sf)  }
0xe0: {  	p0 =	seq.s32 s4, $0xFFFFFFFF  }
.Ltmp11:
0xe1: {  	_ = 	snop;
	(pc) =	sbr.rel @p0 .LBB2_22-.Ltmp11, $1  }
0xe2: {  	_ =	sdelay $0x3  }
0xe3: {  	p0 =	slt.s32 s2, $0x1  }
.Ltmp12:
0xe4: {  	_ = 	snop;
	(pc) =	sbr.rel @p0 .LBB2_20-.Ltmp12, $1  }
0xe5: {  	_ =	sdelay $0x3  }
0xe6: {  	s0 =	simm.s32 $0xC0;
	p0 =	por $0x0, $0x0  }
0xe7: {  	v1 =	vld.msk @!p0 [tilespmem:s0+$0x0], $0x1;
	_ =	sdelay $0x4  }
0xe8: {  	(v2sf) =	vpush @!p0 v1, $0x0;
	_ =	sdelay $0xd  }
0xe9: {  	p2 =	sne.s32 s2, $0x1  }
.Ltmp13:
0xea: {  	s5 =	spop @!p0 (v2sf);
	(pc) =	sbr.rel @!p2 .LBB2_19-.Ltmp13, $4  }
0xeb: {  	p1 =	seq.s32 @!p0 s4, s5  }
0xec: {  	s5 =	simm.s32 $0x0;
	p1 =	por !p1, p0  }
0xed: {  	s7 =	simm.s32 $0xFFFFFFFF;
	s5 =	simm.s32 @p1 $0xFFFFFFFF  }
0xee: {  	s6 =	simm.s32 $0x1;
	s5 =	smov.u32 @p0 s7  }
.LBB2_18:
0xef: {  	s7 =	smov.u32 s5;
	p0 =	sne.s32 s5, $0xFFFFFFFF  }
0xf0: {  	s0 =	sadd.s32 $0x1, s0;
	s5 =	smov.u32 s6;
	s6 =	sadd.s32 $0x1, s6  }
0xf1: {  	p1 =	sne.s32 s2, s6;
	v1 =	vld.msk @!p0 [tilespmem:s0+$0x0], $0x1;
	_ =	sdelay $0x4  }
0xf2: {  	(v2sf) =	vpush @!p0 v1, $0x0;
	_ =	sdelay $0xe  }
.Ltmp14:
0xf3: {  	s8 =	spop @!p0 (v2sf);
	(pc) =	sbr.rel @p1 .LBB2_18-.Ltmp14, $4  }
0xf4: {  	p2 =	seq.s32 @!p0 s4, s8  }
0xf5: {  	p2 =	por !p2, p0  }
0xf6: {  	s5 =	simm.s32 @p2 $0xFFFFFFFF  }
0xf7: {  	s5 =	smov.u32 @p0 s7  }
.LBB2_19:
0xf8: {  	p0 =	sne.s32 s5, $0xFFFFFFFF  }
.Ltmp15:
0xf9: {  	_ = 	snop;
	(pc) =	sbr.rel @!p0 .LBB2_20-.Ltmp15, $1  }
0xfa: {  	_ =	sdelay $0x3  }
0xfb: {  	v0 =	vld.msk [tilespmem:s3+$0xE0], $0x1  }
0xfc: {  	v1 =	vld.msk [tilespmem:s5+$0xE0], $0x1;
	_ =	sdelay $0x2  }
.Ltmp16:
0xfd: {  	_ = 	snop;
	(pc) =	sbr.rel .LBB2_22-.Ltmp16, $4  }
0xfe: {  	_ = 	snop  }
0xff: {  	vm0 =	vgt.s32 v1, v0  }
0x100: {  	v0 =	vsel vm0, v1, v0  }
0x101: {  	[tilespmem:s5+$0xE0] =	vst.msk $0x1, v0  }
.LBB2_23:
0x102: {  	p0 =	slt.s32 s2, $0x1  }
.Ltmp17:
0x103: {  	_ = 	snop;
	(pc) =	sbr.rel @p0 .LBB2_27-.Ltmp17, $3  }
0x104: {  	_ =	sdelay $0x1  }
0x105: {  	s0 =	simm.s32 $0x6  }
0x106: {  	[sflag:s0] =	ssyncpa.u1 $0x1;
	s0 =	simm.s32 $0x0  }
0x107: {  	s3 =	simm.s32 $0xC0  }
0x108: {  	v0 =	vld.msk [tilespmem:s3+$0x0], $0x1;
	_ =	sdelay $0x4  }
0x109: {  	(v2sf) =	vpush v0, $0x0;
	_ =	sdelay $0xe  }
0x10a: {  	s2 =	sadd.s32 $0xFFFFFFFF, s2;
	s4 =	spop (v2sf)  }
0x10b: {  	p1 =	sne.s32 s2, $0x0;
	p0 =	sgt.u32 s4, $0xF43FF  }
.Ltmp18:
0x10c: {  	s5 =	sshrl.u32 @!p0 s4, $0x3;
	(pc) =	sbr.rel @!p1 .LBB2_26-.Ltmp18, $4  }
0x10d: {  	s3 =	simm.s32 $0xE0;
	s4 =	sand.u32 @!p0 $0x7, s4;
	s5 =	sadd.s32 @!p0 s1, s5  }
0x10e: {  	[hbm4b:s5+s4] =	stream.linear.scatter @!p0 [tilespmem:s3], [sflag:$0x5], $0x1, $0x38;
	[tilespmem:$0x2520] =	vst v63  }
0x10f: {  	s5 =	simm.s32 $0x0  }
0x110: {  	s4 =	simm.s32 $0xC1;
	s5 =	simm.s32 @!p0 $0x4  }
.LBB2_25:
0x111: {  	v0 =	vld.msk [tilespmem:s4+$0x0], $0x1;
	s2 =	sadd.s32 $0xFFFFFFFF, s2;
	s0 =	sadd.s32 s0, s5  }
0x112: {  	p0 =	sne.s32 s2, $0x0;
	_ =	sdelay $0x3  }
0x113: {  	(v2sf) =	vpush v0, $0x0;
	_ =	sdelay $0xe  }
.Ltmp19:
0x114: {  	s6 =	spop (v2sf);
	(pc) =	sbr.rel @p0 .LBB2_25-.Ltmp19, $4  }
0x115: {  	s5 =	simm.s32 $0x0;
	p1 =	sgt.u32 s6, $0xF43FF  }
0x116: {  	s3 =	sadd.s32 $0x1, s3;
	s5 =	simm.s32 @!p1 $0x4;
	s7 =	sshrl.u32 @!p1 s6, $0x3  }
0x117: {  	s4 =	sadd.s32 $0x1, s4;
	s6 =	sand.u32 @!p1 $0x7, s6;
	s7 =	sadd.s32 @!p1 s1, s7  }
0x118: {  	[hbm4b:s7+s6] =	stream.linear.scatter @!p1 [tilespmem:s3], [sflag:$0x5], $0x1, $0x38;
	[tilespmem:$0x2520] =	vst v63  }
.LBB2_26:
0x119: {  	s0 =	sadd.s32 s0, s5  }
0x11a: {  	s0 =	sshrl.u32 s0, $0x2  }
.LBB2_27:
0x11b: {  	s1 =	simm.s32 $0x5  }
0x11c: {  	_ =	swait.ge [sflag:s1], s0  }
0x11d: {  	s28 =	ssub.s32 $0x0, s0;
	[sflag:s1] =	ssyncset.done $0x0  }
0x11e: {  	[sflag:s1] =	ssyncadd.s32 s28  }
0x11f: {  	[sflag:s1] =	ssyncpa.u1 $0x1  }
0x120: {  	s29 =	simm.s32 $0x1;
	_ =	sfence  }
0x121: {  	s30 =	simm.s32 $0x2;
	[sflag:s29] =	ssyncpa.u1 $0x1  }
0x122: {  	[sflag:s30] =	ssyncpa.u1 $0x1  }
0x123: {  	_ =	strace $0x9000004A  }
0x124: {  	[bflag:$0x2] =	sbarrier.arrive $0xFFFF  }
0x125: {  	s31 =	rddreg [dreg:$0x1]  }
0x126: {  	s0 =	sadd.s32 $0x100000, s31  }
0x127: {  	[sflag:s0] =	ssyncadd.tile.s32 $0x1;
	_ =	shalt  }
.Lfunc_end2:
_tile_overlayer_lowered:
.L_overlay_start_2:
0x128: {  	(tag) =	ssettag $0x2  }
0x129: {  	s0 =	rddreg [dreg:$0x0];
	s2 =	stileid.u32  }
0x12a: {  	s1 =	rddreg [dreg:$0x1];
	p0 =	sne.s32 s2, $0x0  }
0x12b: {  	s3 =	rddreg [dreg:$0x2];
	[bflag:$0x3] =	sbarrier.arrive $0xFFFF;
	s2 =	simm.s32 @!p0 $0x1C01  }
0x12c: {  	[timem:s3], [sflag:s2] =	dma.local @!p0 [hbm:s0], s1  }
0x12d: {  	s0 =	simm.s32 @!p0 $0x1  }
0x12e: {  	_ =	swait.ge @!p0 [sflag:s0], s1  }
0x12f: {  	s1 =	ssub.s32 @!p0 $0x0, s1;
	[sflag:s0] =	ssyncset.done @!p0 $0x0  }
0x130: {  	[sflag:s0] =	ssyncadd.s32 @!p0 s1  }
0x131: {  	[bflag:$0x3] =	sbarrier.arrive $0xFFFF  }
0x132: {  	_ =	shalt  }

</sc_bundles>
